<compile_context>
chip_gen: v7x
topology: tpu7x:2x2x1
jax: 0.10.2.dev20260603
libtpu: 0.0.44.dev20260713+nightly
codegen_flags: <defaults>
</compile_context>

<pallas_src>
import functools

import jax
import jax.numpy as jnp
from jax import lax
from jax.experimental import pallas as pl
from jax.experimental.pallas import tpu as pltpu
from jax.experimental.pallas import tpu_sc as plsc

VOCAB = 1000000
EMBED_DIM = 32
BATCH = 16384
HIST = 50
TOTAL = BATCH * HIST

_NUM_WORKERS = 32
_PER_WORKER = TOTAL // _NUM_WORKERS
_CHUNK = 1280
_NCHUNKS = _PER_WORKER // _CHUNK
_NBUF = 3

_mesh = plsc.VectorSubcoreMesh(core_axis_name="c", subcore_axis_name="s")


@functools.partial(
    pl.kernel,
    mesh=_mesh,
    out_type=jax.ShapeDtypeStruct((TOTAL, EMBED_DIM), jnp.float32),
    scratch_types=[
        pltpu.VMEM((_NBUF, _CHUNK), jnp.int32),
        pltpu.VMEM((_NBUF, _CHUNK, EMBED_DIM), jnp.float32),
        pltpu.SemaphoreType.DMA((_NBUF,)),
        pltpu.SemaphoreType.DMA((_NBUF,)),
    ],
    compiler_params=pltpu.CompilerParams(use_tc_tiling_on_sc=False),
)
def _gather_kernel(idx_hbm, table_hbm, out_hbm, idx_v, rows_v, gsems, osems):
    wid = lax.axis_index("s") * 2 + lax.axis_index("c")
    base0 = wid * _PER_WORKER

    def start_chunk(j):
        b = j % _NBUF
        pltpu.sync_copy(idx_hbm.at[pl.ds(base0 + j * _CHUNK, _CHUNK)],
                        idx_v.at[b])
        pltpu.make_async_copy(table_hbm.at[idx_v.at[b]], rows_v.at[b],
                              gsems.at[b]).start()

    def out_copy(i):
        b = i % _NBUF
        return pltpu.make_async_copy(
            rows_v.at[b],
            out_hbm.at[pl.ds(base0 + i * _CHUNK, _CHUNK)],
            osems.at[b])

    for j in range(_NBUF - 1):
        start_chunk(j)

    for i in range(_NCHUNKS):
        b = i % _NBUF
        j = i + _NBUF - 1
        if j < _NCHUNKS:
            if j - _NBUF >= 0:
                out_copy(j - _NBUF).wait()
            start_chunk(j)
        pltpu.make_async_copy(table_hbm.at[idx_v.at[b]], rows_v.at[b],
                              gsems.at[b]).wait()
        out_copy(i).start()

    for i in range(max(0, _NCHUNKS - _NBUF), _NCHUNKS):
        out_copy(i).wait()


def kernel(x, vectors):
    idx = x.T.reshape(-1).astype(jnp.int32)
    out = _gather_kernel(idx, vectors)
    return out.reshape(HIST, BATCH, EMBED_DIM).transpose(1, 0, 2)

# --- scband reference (transcript-rebuilt; emitter-appended) ---
"""Pipeline reference for scband-bi-lstmembedder-16810501996941 (READ-ONLY COPY).

The authoritative reference and input builder live on the scoring server;
editing this copy changes nothing except your own understanding.
"""

import jax, jax.numpy as jnp
import numpy as np

VOCAB = 1000000
EMBED_DIM = 32
BATCH = 16384
HIST = 50

def setup_inputs(seed: int = 0) -> dict:
    key = jax.random.key(seed)
    k_idx, k_tab = jax.random.split(key)
    x = jax.random.randint(k_idx, (BATCH, HIST), 0, VOCAB, dtype=jnp.int64 if jax.config.jax_enable_x64 else jnp.int32)
    vectors = jax.random.normal(k_tab, (VOCAB, EMBED_DIM), dtype=jnp.float32)
    return {"x": x, "vectors": vectors}

def reference(x, vectors):
    # nn.Embedding.from_pretrained(vectors)(x) -> gather rows of the table
    embeddings = jnp.take(vectors, x, axis=0)
    return embeddings

if __name__ == "__main__":
    import jax
    _d = setup_inputs()
    print(jax.jit(kernel)(*tuple(_d.values())))

</pallas_src>

<mosaic_0001>
#map = affine_map<(d0, d1) -> (0)>
#map1 = affine_map<(d0, d1) -> (0, 0)>
module attributes {stable_mosaic.version = 14 : i64} {
  func.func @_gather_kernel(%arg0: i32, %arg1: i32, %arg2: memref<819200xi32, #tpu.memory_space<hbm>>, %arg3: memref<1000000x32xf32, #tpu.memory_space<hbm>>, %arg4: memref<819200x32xf32, #tpu.memory_space<hbm>>, %arg5: memref<3x1280xi32, #tpu.memory_space<vmem>>, %arg6: memref<3x1280x32xf32, #tpu.memory_space<vmem>>, %arg7: memref<3x!tpu.dma_semaphore, #tpu.memory_space<semaphore_mem>>, %arg8: memref<3x!tpu.dma_semaphore, #tpu.memory_space<semaphore_mem>>) attributes {dimension_semantics = [#tpu.dimension_semantics<core_parallel>, #tpu.dimension_semantics<subcore_parallel>], iteration_bounds = array<i64: 2, 16>, scalar_prefetch = 0 : i64, scratch_operands = 4 : i64, tpu.core_type = #tpu.core_type<sc_vector_subcore>, window_params = [{transform_indices = #map}, {transform_indices = #map1}, {transform_indices = #map1}]} {
    %mul3A = arith.constant 2 : i32
    %mul3A_0 = arith.muli %arg1, %mul3A : i32
    %add3A = arith.addi %mul3A_0, %arg0 : i32
    %mul3A_1 = arith.constant 25600 : i32
    %mul3A_2 = arith.muli %add3A, %mul3A_1 : i32
    %add3A_3 = arith.constant 0 : i32
    %add3A_4 = arith.addi %mul3A_2, %add3A_3 : i32
    %run_scoped3A = arith.constant 0 : i32
    "tpu.region"() ({
      %run_scoped3A_1380 = tpu.sem_alloc : memref<!tpu.dma_semaphore, #tpu.memory_space<semaphore_mem>>
      %dma_start3A_1381 = arith.constant 0 : i32
      %dma_start3A_1382 = tpu.memref_slice %arg5[%run_scoped3A, %dma_start3A_1381] : memref<3x1280xi32, #tpu.memory_space<vmem>> -> memref<1x1280xi32, #tpu.memory_space<vmem>>
      %dma_start3A_1383 = tpu.memref_squeeze %dma_start3A_1382 : memref<1x1280xi32, #tpu.memory_space<vmem>> -> memref<1280xi32, #tpu.memory_space<vmem>>
      %dma_start3A_1384 = tpu.memref_slice %arg2[%add3A_4] : memref<819200xi32, #tpu.memory_space<hbm>> -> memref<1280xi32, #tpu.memory_space<hbm>>
      %dma_start3A_1385 = arith.constant 0 : i32
      %dma_start3A_1386 = tpu.memref_slice %arg5[%run_scoped3A, %dma_start3A_1385] : memref<3x1280xi32, #tpu.memory_space<vmem>> -> memref<1x1280xi32, #tpu.memory_space<vmem>>
      %dma_start3A_1387 = tpu.memref_squeeze %dma_start3A_1386 : memref<1x1280xi32, #tpu.memory_space<vmem>> -> memref<1280xi32, #tpu.memory_space<vmem>>
      %dma_start3A_1388 = tpu.memref_slice %arg2[%add3A_4] : memref<819200xi32, #tpu.memory_space<hbm>> -> memref<1280xi32, #tpu.memory_space<hbm>>
      tpu.enqueue_dma source(%dma_start3A_1388 : memref<1280xi32, #tpu.memory_space<hbm>>) target(%dma_start3A_1387 : memref<1280xi32, #tpu.memory_space<vmem>>) target_semaphore(%run_scoped3A_1380 : memref<!tpu.dma_semaphore, #tpu.memory_space<semaphore_mem>>)
      %dma_wait3A_1389 = arith.constant 0 : i32
      %dma_wait3A_1390 = tpu.memref_slice %arg5[%run_scoped3A, %dma_wait3A_1389] : memref<3x1280xi32, #tpu.memory_space<vmem>> -> memref<1x1280xi32, #tpu.memory_space<vmem>>
      %dma_wait3A_1391 = tpu.memref_squeeze %dma_wait3A_1390 : memref<1x1280xi32, #tpu.memory_space<vmem>> -> memref<1280xi32, #tpu.memory_space<vmem>>
      %dma_wait3A_1392 = tpu.memref_slice %arg2[%add3A_4] : memref<819200xi32, #tpu.memory_space<hbm>> -> memref<1280xi32, #tpu.memory_space<hbm>>
      %dma_wait3A_1393 = arith.constant 0 : i32
      %dma_wait3A_1394 = tpu.memref_slice %arg5[%run_scoped3A, %dma_wait3A_1393] : memref<3x1280xi32, #tpu.memory_space<vmem>> -> memref<1x1280xi32, #tpu.memory_space<vmem>>
      %dma_wait3A_1395 = tpu.memref_squeeze %dma_wait3A_1394 : memref<1x1280xi32, #tpu.memory_space<vmem>> -> memref<1280xi32, #tpu.memory_space<vmem>>
      %dma_wait3A_1396 = tpu.memref_slice %arg2[%add3A_4] : memref<819200xi32, #tpu.memory_space<hbm>> -> memref<1280xi32, #tpu.memory_space<hbm>>
      tpu.wait_dma2 semaphore(%run_scoped3A_1380 : memref<!tpu.dma_semaphore, #tpu.memory_space<semaphore_mem>>) src(%dma_wait3A_1396 : memref<1280xi32, #tpu.memory_space<hbm>>) dst(%dma_wait3A_1395 : memref<1280xi32, #tpu.memory_space<vmem>>)
      tpu.yield
    }) : () -> ()
    %dma_start3A = arith.constant 0 : i32
    %dma_start3A_5 = arith.constant 0 : i32
    %dma_start3A_6 = arith.constant 0 : i32
    %dma_start3A_7 = arith.constant 0 : i32
    %dma_start3A_8 = arith.constant 0 : i32
    %dma_start3A_9 = tpu.memref_slice %arg6[%dma_start3A_5, %dma_start3A_7, %dma_start3A_8] : memref<3x1280x32xf32, #tpu.memory_space<vmem>> -> memref<1x1280x32xf32, #tpu.memory_space<vmem>>
    %dma_start3A_10 = tpu.memref_squeeze %dma_start3A_9 : memref<1x1280x32xf32, #tpu.memory_space<vmem>> -> memref<1280x32xf32, #tpu.memory_space<vmem>>
    %dma_start3A_11 = arith.constant 0 : i32
    %dma_start3A_12 = tpu.memref_slice %arg5[%dma_start3A, %dma_start3A_11] : memref<3x1280xi32, #tpu.memory_space<vmem>> -> memref<1x1280xi32, #tpu.memory_space<vmem>>
    %dma_start3A_13 = tpu.memref_squeeze %dma_start3A_12 : memref<1x1280xi32, #tpu.memory_space<vmem>> -> memref<1280xi32, #tpu.memory_space<vmem>>
    %dma_start3A_14 = arith.constant 0 : i32
    %dma_start3A_15 = arith.constant 0 : i32
    %dma_start3A_16 = tpu.memref_slice %arg3[%dma_start3A_14, %dma_start3A_15] : memref<1000000x32xf32, #tpu.memory_space<hbm>> -> memref<1000000x32xf32, #tpu.memory_space<hbm>>
    %dma_start3A_17 = tpu.memref_slice %arg7[%dma_start3A_6] : memref<3x!tpu.dma_semaphore, #tpu.memory_space<semaphore_mem>> -> memref<1x!tpu.dma_semaphore, #tpu.memory_space<semaphore_mem>>
    %dma_start3A_18 = tpu.memref_squeeze %dma_start3A_17 : memref<1x!tpu.dma_semaphore, #tpu.memory_space<semaphore_mem>> -> memref<!tpu.dma_semaphore, #tpu.memory_space<semaphore_mem>>
    tpu.enqueue_indirect_dma source(%dma_start3A_16 : memref<1000000x32xf32, #tpu.memory_space<hbm>>) target(%dma_start3A_10 : memref<1280x32xf32, #tpu.memory_space<vmem>>) offsets(%dma_start3A_13 : memref<1280xi32, #tpu.memory_space<vmem>>) semaphore(%dma_start3A_18 : memref<!tpu.dma_semaphore, #tpu.memory_space<semaphore_mem>>)
    %add3A_19 = arith.constant 1280 : i32
    %add3A_20 = arith.addi %mul3A_2, %add3A_19 : i32
    %run_scoped3A_21 = arith.constant 1 : i32
    "tpu.region"() ({
      %run_scoped3A_1380 = tpu.sem_alloc : memref<!tpu.dma_semaphore, #tpu.memory_space<semaphore_mem>>
      %dma_start3A_1381 = arith.constant 0 : i32
      %dma_start3A_1382 = tpu.memref_slice %arg5[%run_scoped3A_21, %dma_start3A_1381] : memref<3x1280xi32, #tpu.memory_space<vmem>> -> memref<1x1280xi32, #tpu.memory_space<vmem>>
      %dma_start3A_1383 = tpu.memref_squeeze %dma_start3A_1382 : memref<1x1280xi32, #tpu.memory_space<vmem>> -> memref<1280xi32, #tpu.memory_space<vmem>>
      %dma_start3A_1384 = tpu.memref_slice %arg2[%add3A_20] : memref<819200xi32, #tpu.memory_space<hbm>> -> memref<1280xi32, #tpu.memory_space<hbm>>
      %dma_start3A_1385 = arith.constant 0 : i32
      %dma_start3A_1386 = tpu.memref_slice %arg5[%run_scoped3A_21, %dma_start3A_1385] : memref<3x1280xi32, #tpu.memory_space<vmem>> -> memref<1x1280xi32, #tpu.memory_space<vmem>>
      %dma_start3A_1387 = tpu.memref_squeeze %dma_start3A_1386 : memref<1x1280xi32, #tpu.memory_space<vmem>> -> memref<1280xi32, #tpu.memory_space<vmem>>
      %dma_start3A_1388 = tpu.memref_slice %arg2[%add3A_20] : memref<819200xi32, #tpu.memory_space<hbm>> -> memref<1280xi32, #tpu.memory_space<hbm>>
      tpu.enqueue_dma source(%dma_start3A_1388 : memref<1280xi32, #tpu.memory_space<hbm>>) target(%dma_start3A_1387 : memref<1280xi32, #tpu.memory_space<vmem>>) target_semaphore(%run_scoped3A_1380 : memref<!tpu.dma_semaphore, #tpu.memory_space<semaphore_mem>>)
      %dma_wait3A_1389 = arith.constant 0 : i32
      %dma_wait3A_1390 = tpu.memref_slice %arg5[%run_scoped3A_21, %dma_wait3A_1389] : memref<3x1280xi32, #tpu.memory_space<vmem>> -> memref<1x1280xi32, #tpu.memory_space<vmem>>
      %dma_wait3A_1391 = tpu.memref_squeeze %dma_wait3A_1390 : memref<1x1280xi32, #tpu.memory_space<vmem>> -> memref<1280xi32, #tpu.memory_space<vmem>>
      %dma_wait3A_1392 = tpu.memref_slice %arg2[%add3A_20] : memref<819200xi32, #tpu.memory_space<hbm>> -> memref<1280xi32, #tpu.memory_space<hbm>>
      %dma_wait3A_1393 = arith.constant 0 : i32
      %dma_wait3A_1394 = tpu.memref_slice %arg5[%run_scoped3A_21, %dma_wait3A_1393] : memref<3x1280xi32, #tpu.memory_space<vmem>> -> memref<1x1280xi32, #tpu.memory_space<vmem>>
      %dma_wait3A_1395 = tpu.memref_squeeze %dma_wait3A_1394 : memref<1x1280xi32, #tpu.memory_space<vmem>> -> memref<1280xi32, #tpu.memory_space<vmem>>
      %dma_wait3A_1396 = tpu.memref_slice %arg2[%add3A_20] : memref<819200xi32, #tpu.memory_space<hbm>> -> memref<1280xi32, #tpu.memory_space<hbm>>
      tpu.wait_dma2 semaphore(%run_scoped3A_1380 : memref<!tpu.dma_semaphore, #tpu.memory_space<semaphore_mem>>) src(%dma_wait3A_1396 : memref<1280xi32, #tpu.memory_space<hbm>>) dst(%dma_wait3A_1395 : memref<1280xi32, #tpu.memory_space<vmem>>)
      tpu.yield
    }) : () -> ()
    %dma_start3A_22 = arith.constant 1 : i32
    %dma_start3A_23 = arith.constant 1 : i32
    %dma_start3A_24 = arith.constant 1 : i32
    %dma_start3A_25 = arith.constant 0 : i32
    %dma_start3A_26 = arith.constant 0 : i32
    %dma_start3A_27 = tpu.memref_slice %arg6[%dma_start3A_23, %dma_start3A_25, %dma_start3A_26] : memref<3x1280x32xf32, #tpu.memory_space<vmem>> -> memref<1x1280x32xf32, #tpu.memory_space<vmem>>
    %dma_start3A_28 = tpu.memref_squeeze %dma_start3A_27 : memref<1x1280x32xf32, #tpu.memory_space<vmem>> -> memref<1280x32xf32, #tpu.memory_space<vmem>>
    %dma_start3A_29 = arith.constant 0 : i32
    %dma_start3A_30 = tpu.memref_slice %arg5[%dma_start3A_22, %dma_start3A_29] : memref<3x1280xi32, #tpu.memory_space<vmem>> -> memref<1x1280xi32, #tpu.memory_space<vmem>>
    %dma_start3A_31 = tpu.memref_squeeze %dma_start3A_30 : memref<1x1280xi32, #tpu.memory_space<vmem>> -> memref<1280xi32, #tpu.memory_space<vmem>>
    %dma_start3A_32 = arith.constant 0 : i32
    %dma_start3A_33 = arith.constant 0 : i32
    %dma_start3A_34 = tpu.memref_slice %arg3[%dma_start3A_32, %dma_start3A_33] : memref<1000000x32xf32, #tpu.memory_space<hbm>> -> memref<1000000x32xf32, #tpu.memory_space<hbm>>
    %dma_start3A_35 = tpu.memref_slice %arg7[%dma_start3A_24] : memref<3x!tpu.dma_semaphore, #tpu.memory_space<semaphore_mem>> -> memref<1x!tpu.dma_semaphore, #tpu.memory_space<semaphore_mem>>
    %dma_start3A_36 = tpu.memref_squeeze %dma_start3A_35 : memref<1x!tpu.dma_semaphore, #tpu.memory_space<semaphore_mem>> -> memref<!tpu.dma_semaphore, #tpu.memory_space<semaphore_mem>>
    tpu.enqueue_indirect_dma source(%dma_start3A_34 : memref<1000000x32xf32, #tpu.memory_space<hbm>>) target(%dma_start3A_28 : memref<1280x32xf32, #tpu.memory_space<vmem>>) offsets(%dma_start3A_31 : memref<1280xi32, #tpu.memory_space<vmem>>) semaphore(%dma_start3A_36 : memref<!tpu.dma_semaphore, #tpu.memory_space<semaphore_mem>>)
    %add3A_37 = arith.constant 2560 : i32
    %add3A_38 = arith.addi %mul3A_2, %add3A_37 : i32
    %run_scoped3A_39 = arith.constant 2 : i32
    "tpu.region"() ({
      %run_scoped3A_1380 = tpu.sem_alloc : memref<!tpu.dma_semaphore, #tpu.memory_space<semaphore_mem>>
      %dma_start3A_1381 = arith.constant 0 : i32
      %dma_start3A_1382 = tpu.memref_slice %arg5[%run_scoped3A_39, %dma_start3A_1381] : memref<3x1280xi32, #tpu.memory_space<vmem>> -> memref<1x1280xi32, #tpu.memory_space<vmem>>
      %dma_start3A_1383 = tpu.memref_squeeze %dma_start3A_1382 : memref<1x1280xi32, #tpu.memory_space<vmem>> -> memref<1280xi32, #tpu.memory_space<vmem>>
      %dma_start3A_1384 = tpu.memref_slice %arg2[%add3A_38] : memref<819200xi32, #tpu.memory_space<hbm>> -> memref<1280xi32, #tpu.memory_space<hbm>>
      %dma_start3A_1385 = arith.constant 0 : i32
      %dma_start3A_1386 = tpu.memref_slice %arg5[%run_scoped3A_39, %dma_start3A_1385] : memref<3x1280xi32, #tpu.memory_space<vmem>> -> memref<1x1280xi32, #tpu.memory_space<vmem>>
      %dma_start3A_1387 = tpu.memref_squeeze %dma_start3A_1386 : memref<1x1280xi32, #tpu.memory_space<vmem>> -> memref<1280xi32, #tpu.memory_space<vmem>>
      %dma_start3A_1388 = tpu.memref_slice %arg2[%add3A_38] : memref<819200xi32, #tpu.memory_space<hbm>> -> memref<1280xi32, #tpu.memory_space<hbm>>
      tpu.enqueue_dma source(%dma_start3A_1388 : memref<1280xi32, #tpu.memory_space<hbm>>) target(%dma_start3A_1387 : memref<1280xi32, #tpu.memory_space<vmem>>) target_semaphore(%run_scoped3A_1380 : memref<!tpu.dma_semaphore, #tpu.memory_space<semaphore_mem>>)
      %dma_wait3A_1389 = arith.constant 0 : i32
      %dma_wait3A_1390 = tpu.memref_slice %arg5[%run_scoped3A_39, %dma_wait3A_1389] : memref<3x1280xi32, #tpu.memory_space<vmem>> -> memref<1x1280xi32, #tpu.memory_space<vmem>>
      %dma_wait3A_1391 = tpu.memref_squeeze %dma_wait3A_1390 : memref<1x1280xi32, #tpu.memory_space<vmem>> -> memref<1280xi32, #tpu.memory_space<vmem>>
      %dma_wait3A_1392 = tpu.memref_slice %arg2[%add3A_38] : memref<819200xi32, #tpu.memory_space<hbm>> -> memref<1280xi32, #tpu.memory_space<hbm>>
      %dma_wait3A_1393 = arith.constant 0 : i32
      %dma_wait3A_1394 = tpu.memref_slice %arg5[%run_scoped3A_39, %dma_wait3A_1393] : memref<3x1280xi32, #tpu.memory_space<vmem>> -> memref<1x1280xi32, #tpu.memory_space<vmem>>
      %dma_wait3A_1395 = tpu.memref_squeeze %dma_wait3A_1394 : memref<1x1280xi32, #tpu.memory_space<vmem>> -> memref<1280xi32, #tpu.memory_space<vmem>>
      %dma_wait3A_1396 = tpu.memref_slice %arg2[%add3A_38] : memref<819200xi32, #tpu.memory_space<hbm>> -> memref<1280xi32, #tpu.memory_space<hbm>>
      tpu.wait_dma2 semaphore(%run_scoped3A_1380 : memref<!tpu.dma_semaphore, #tpu.memory_space<semaphore_mem>>) src(%dma_wait3A_1396 : memref<1280xi32, #tpu.memory_space<hbm>>) dst(%dma_wait3A_1395 : memref<1280xi32, #tpu.memory_space<vmem>>)
      tpu.yield
    }) : () -> ()
    %dma_start3A_40 = arith.constant 2 : i32
    %dma_start3A_41 = arith.constant 2 : i32
    %dma_start3A_42 = arith.constant 2 : i32
    %dma_start3A_43 = arith.constant 0 : i32
    %dma_start3A_44 = arith.constant 0 : i32
    %dma_start3A_45 = tpu.memref_slice %arg6[%dma_start3A_41, %dma_start3A_43, %dma_start3A_44] : memref<3x1280x32xf32, #tpu.memory_space<vmem>> -> memref<1x1280x32xf32, #tpu.memory_space<vmem>>
    %dma_start3A_46 = tpu.memref_squeeze %dma_start3A_45 : memref<1x1280x32xf32, #tpu.memory_space<vmem>> -> memref<1280x32xf32, #tpu.memory_space<vmem>>
    %dma_start3A_47 = arith.constant 0 : i32
    %dma_start3A_48 = tpu.memref_slice %arg5[%dma_start3A_40, %dma_start3A_47] : memref<3x1280xi32, #tpu.memory_space<vmem>> -> memref<1x1280xi32, #tpu.memory_space<vmem>>
    %dma_start3A_49 = tpu.memref_squeeze %dma_start3A_48 : memref<1x1280xi32, #tpu.memory_space<vmem>> -> memref<1280xi32, #tpu.memory_space<vmem>>
    %dma_start3A_50 = arith.constant 0 : i32
    %dma_start3A_51 = arith.constant 0 : i32
    %dma_start3A_52 = tpu.memref_slice %arg3[%dma_start3A_50, %dma_start3A_51] : memref<1000000x32xf32, #tpu.memory_space<hbm>> -> memref<1000000x32xf32, #tpu.memory_space<hbm>>
    %dma_start3A_53 = tpu.memref_slice %arg7[%dma_start3A_42] : memref<3x!tpu.dma_semaphore, #tpu.memory_space<semaphore_mem>> -> memref<1x!tpu.dma_semaphore, #tpu.memory_space<semaphore_mem>>
    %dma_start3A_54 = tpu.memref_squeeze %dma_start3A_53 : memref<1x!tpu.dma_semaphore, #tpu.memory_space<semaphore_mem>> -> memref<!tpu.dma_semaphore, #tpu.memory_space<semaphore_mem>>
    tpu.enqueue_indirect_dma source(%dma_start3A_52 : memref<1000000x32xf32, #tpu.memory_space<hbm>>) target(%dma_start3A_46 : memref<1280x32xf32, #tpu.memory_space<vmem>>) offsets(%dma_start3A_49 : memref<1280xi32, #tpu.memory_space<vmem>>) semaphore(%dma_start3A_54 : memref<!tpu.dma_semaphore, #tpu.memory_space<semaphore_mem>>)
    %dma_wait3A = arith.constant 0 : i32
    %dma_wait3A_55 = arith.constant 0 : i32
    %dma_wait3A_56 = arith.constant 0 : i32
    %dma_wait3A_57 = arith.constant 0 : i32
    %dma_wait3A_58 = arith.constant 0 : i32
    %dma_wait3A_59 = tpu.memref_slice %arg6[%dma_wait3A_55, %dma_wait3A_57, %dma_wait3A_58] : memref<3x1280x32xf32, #tpu.memory_space<vmem>> -> memref<1x1280x32xf32, #tpu.memory_space<vmem>>
    %dma_wait3A_60 = tpu.memref_squeeze %dma_wait3A_59 : memref<1x1280x32xf32, #tpu.memory_space<vmem>> -> memref<1280x32xf32, #tpu.memory_space<vmem>>
    %dma_wait3A_61 = arith.constant 0 : i32
    %dma_wait3A_62 = tpu.memref_slice %arg5[%dma_wait3A, %dma_wait3A_61] : memref<3x1280xi32, #tpu.memory_space<vmem>> -> memref<1x1280xi32, #tpu.memory_space<vmem>>
    %dma_wait3A_63 = tpu.memref_squeeze %dma_wait3A_62 : memref<1x1280xi32, #tpu.memory_space<vmem>> -> memref<1280xi32, #tpu.memory_space<vmem>>
    %dma_wait3A_64 = arith.constant 0 : i32
    %dma_wait3A_65 = arith.constant 0 : i32
    %dma_wait3A_66 = tpu.memref_slice %arg3[%dma_wait3A_64, %dma_wait3A_65] : memref<1000000x32xf32, #tpu.memory_space<hbm>> -> memref<1000000x32xf32, #tpu.memory_space<hbm>>
    %dma_wait3A_67 = tpu.memref_slice %arg7[%dma_wait3A_56] : memref<3x!tpu.dma_semaphore, #tpu.memory_space<semaphore_mem>> -> memref<1x!tpu.dma_semaphore, #tpu.memory_space<semaphore_mem>>
    %dma_wait3A_68 = tpu.memref_squeeze %dma_wait3A_67 : memref<1x!tpu.dma_semaphore, #tpu.memory_space<semaphore_mem>> -> memref<!tpu.dma_semaphore, #tpu.memory_space<semaphore_mem>>
    tpu.wait_indirect_dma semaphore(%dma_wait3A_68 : memref<!tpu.dma_semaphore, #tpu.memory_space<semaphore_mem>>) src(%dma_wait3A_66 : memref<1000000x32xf32, #tpu.memory_space<hbm>>) dst(%dma_wait3A_60 : memref<1280x32xf32, #tpu.memory_space<vmem>>)
    %add3A_69 = arith.constant 0 : i32
    %add3A_70 = arith.addi %mul3A_2, %add3A_69 : i32
    %dma_start3A_71 = arith.constant 0 : i32
    %dma_start3A_72 = arith.constant 0 : i32
    %dma_start3A_73 = arith.constant 0 : i32
    %dma_start3A_74 = arith.constant 0 : i32
    %dma_start3A_75 = tpu.memref_slice %arg6[%dma_start3A_71, %dma_start3A_73, %dma_start3A_74] : memref<3x1280x32xf32, #tpu.memory_space<vmem>> -> memref<1x1280x32xf32, #tpu.memory_space<vmem>>
    %dma_start3A_76 = tpu.memref_squeeze %dma_start3A_75 : memref<1x1280x32xf32, #tpu.memory_space<vmem>> -> memref<1280x32xf32, #tpu.memory_space<vmem>>
    %dma_start3A_77 = arith.constant 0 : i32
    %dma_start3A_78 = tpu.memref_slice %arg4[%add3A_70, %dma_start3A_77] : memref<819200x32xf32, #tpu.memory_space<hbm>> -> memref<1280x32xf32, #tpu.memory_space<hbm>>
    %dma_start3A_79 = tpu.memref_slice %arg8[%dma_start3A_72] : memref<3x!tpu.dma_semaphore, #tpu.memory_space<semaphore_mem>> -> memref<1x!tpu.dma_semaphore, #tpu.memory_space<semaphore_mem>>
    %dma_start3A_80 = tpu.memref_squeeze %dma_start3A_79 : memref<1x!tpu.dma_semaphore, #tpu.memory_space<semaphore_mem>> -> memref<!tpu.dma_semaphore, #tpu.memory_space<semaphore_mem>>
    %dma_start3A_81 = arith.constant 0 : i32
    %dma_start3A_82 = tpu.memref_slice %arg4[%add3A_70, %dma_start3A_81] : memref<819200x32xf32, #tpu.memory_space<hbm>> -> memref<1280x32xf32, #tpu.memory_space<hbm>>
    %dma_start3A_83 = arith.constant 0 : i32
    %dma_start3A_84 = arith.constant 0 : i32
    %dma_start3A_85 = tpu.memref_slice %arg6[%dma_start3A_71, %dma_start3A_83, %dma_start3A_84] : memref<3x1280x32xf32, #tpu.memory_space<vmem>> -> memref<1x1280x32xf32, #tpu.memory_space<vmem>>
    %dma_start3A_86 = tpu.memref_squeeze %dma_start3A_85 : memref<1x1280x32xf32, #tpu.memory_space<vmem>> -> memref<1280x32xf32, #tpu.memory_space<vmem>>
    tpu.enqueue_dma source(%dma_start3A_86 : memref<1280x32xf32, #tpu.memory_space<vmem>>) target(%dma_start3A_82 : memref<1280x32xf32, #tpu.memory_space<hbm>>) target_semaphore(%dma_start3A_80 : memref<!tpu.dma_semaphore, #tpu.memory_space<semaphore_mem>>)
    %add3A_87 = arith.constant 0 : i32
    %add3A_88 = arith.addi %mul3A_2, %add3A_87 : i32
    %dma_wait3A_89 = arith.constant 0 : i32
    %dma_wait3A_90 = arith.constant 0 : i32
    %dma_wait3A_91 = arith.constant 0 : i32
    %dma_wait3A_92 = arith.constant 0 : i32
    %dma_wait3A_93 = tpu.memref_slice %arg6[%dma_wait3A_89, %dma_wait3A_91, %dma_wait3A_92] : memref<3x1280x32xf32, #tpu.memory_space<vmem>> -> memref<1x1280x32xf32, #tpu.memory_space<vmem>>
    %dma_wait3A_94 = tpu.memref_squeeze %dma_wait3A_93 : memref<1x1280x32xf32, #tpu.memory_space<vmem>> -> memref<1280x32xf32, #tpu.memory_space<vmem>>
    %dma_wait3A_95 = arith.constant 0 : i32
    %dma_wait3A_96 = tpu.memref_slice %arg4[%add3A_88, %dma_wait3A_95] : memref<819200x32xf32, #tpu.memory_space<hbm>> -> memref<1280x32xf32, #tpu.memory_space<hbm>>
    %dma_wait3A_97 = tpu.memref_slice %arg8[%dma_wait3A_90] : memref<3x!tpu.dma_semaphore, #tpu.memory_space<semaphore_mem>> -> memref<1x!tpu.dma_semaphore, #tpu.memory_space<semaphore_mem>>
    %dma_wait3A_98 = tpu.memref_squeeze %dma_wait3A_97 : memref<1x!tpu.dma_semaphore, #tpu.memory_space<semaphore_mem>> -> memref<!tpu.dma_semaphore, #tpu.memory_space<semaphore_mem>>
    %dma_wait3A_99 = arith.constant 0 : i32
    %dma_wait3A_100 = tpu.memref_slice %arg4[%add3A_88, %dma_wait3A_99] : memref<819200x32xf32, #tpu.memory_space<hbm>> -> memref<1280x32xf32, #tpu.memory_space<hbm>>
    %dma_wait3A_101 = arith.constant 0 : i32
    %dma_wait3A_102 = arith.constant 0 : i32
    %dma_wait3A_103 = tpu.memref_slice %arg6[%dma_wait3A_89, %dma_wait3A_101, %dma_wait3A_102] : memref<3x1280x32xf32, #tpu.memory_space<vmem>> -> memref<1x1280x32xf32, #tpu.memory_space<vmem>>
    %dma_wait3A_104 = tpu.memref_squeeze %dma_wait3A_103 : memref<1x1280x32xf32, #tpu.memory_space<vmem>> -> memref<1280x32xf32, #tpu.memory_space<vmem>>
    tpu.wait_dma2 semaphore(%dma_wait3A_98 : memref<!tpu.dma_semaphore, #tpu.memory_space<semaphore_mem>>) src(%dma_wait3A_104 : memref<1280x32xf32, #tpu.memory_space<vmem>>) dst(%dma_wait3A_100 : memref<1280x32xf32, #tpu.memory_space<hbm>>)
    %add3A_105 = arith.constant 3840 : i32
    %add3A_106 = arith.addi %mul3A_2, %add3A_105 : i32
    %run_scoped3A_107 = arith.constant 0 : i32
    "tpu.region"() ({
      %run_scoped3A_1380 = tpu.sem_alloc : memref<!tpu.dma_semaphore, #tpu.memory_space<semaphore_mem>>
      %dma_start3A_1381 = arith.constant 0 : i32
      %dma_start3A_1382 = tpu.memref_slice %arg5[%run_scoped3A_107, %dma_start3A_1381] : memref<3x1280xi32, #tpu.memory_space<vmem>> -> memref<1x1280xi32, #tpu.memory_space<vmem>>
      %dma_start3A_1383 = tpu.memref_squeeze %dma_start3A_1382 : memref<1x1280xi32, #tpu.memory_space<vmem>> -> memref<1280xi32, #tpu.memory_space<vmem>>
      %dma_start3A_1384 = tpu.memref_slice %arg2[%add3A_106] : memref<819200xi32, #tpu.memory_space<hbm>> -> memref<1280xi32, #tpu.memory_space<hbm>>
      %dma_start3A_1385 = arith.constant 0 : i32
      %dma_start3A_1386 = tpu.memref_slice %arg5[%run_scoped3A_107, %dma_start3A_1385] : memref<3x1280xi32, #tpu.memory_space<vmem>> -> memref<1x1280xi32, #tpu.memory_space<vmem>>
      %dma_start3A_1387 = tpu.memref_squeeze %dma_start3A_1386 : memref<1x1280xi32, #tpu.memory_space<vmem>> -> memref<1280xi32, #tpu.memory_space<vmem>>
      %dma_start3A_1388 = tpu.memref_slice %arg2[%add3A_106] : memref<819200xi32, #tpu.memory_space<hbm>> -> memref<1280xi32, #tpu.memory_space<hbm>>
      tpu.enqueue_dma source(%dma_start3A_1388 : memref<1280xi32, #tpu.memory_space<hbm>>) target(%dma_start3A_1387 : memref<1280xi32, #tpu.memory_space<vmem>>) target_semaphore(%run_scoped3A_1380 : memref<!tpu.dma_semaphore, #tpu.memory_space<semaphore_mem>>)
      %dma_wait3A_1389 = arith.constant 0 : i32
      %dma_wait3A_1390 = tpu.memref_slice %arg5[%run_scoped3A_107, %dma_wait3A_1389] : memref<3x1280xi32, #tpu.memory_space<vmem>> -> memref<1x1280xi32, #tpu.memory_space<vmem>>
      %dma_wait3A_1391 = tpu.memref_squeeze %dma_wait3A_1390 : memref<1x1280xi32, #tpu.memory_space<vmem>> -> memref<1280xi32, #tpu.memory_space<vmem>>
      %dma_wait3A_1392 = tpu.memref_slice %arg2[%add3A_106] : memref<819200xi32, #tpu.memory_space<hbm>> -> memref<1280xi32, #tpu.memory_space<hbm>>
      %dma_wait3A_1393 = arith.constant 0 : i32
      %dma_wait3A_1394 = tpu.memref_slice %arg5[%run_scoped3A_107, %dma_wait3A_1393] : memref<3x1280xi32, #tpu.memory_space<vmem>> -> memref<1x1280xi32, #tpu.memory_space<vmem>>
      %dma_wait3A_1395 = tpu.memref_squeeze %dma_wait3A_1394 : memref<1x1280xi32, #tpu.memory_space<vmem>> -> memref<1280xi32, #tpu.memory_space<vmem>>
      %dma_wait3A_1396 = tpu.memref_slice %arg2[%add3A_106] : memref<819200xi32, #tpu.memory_space<hbm>> -> memref<1280xi32, #tpu.memory_space<hbm>>
      tpu.wait_dma2 semaphore(%run_scoped3A_1380 : memref<!tpu.dma_semaphore, #tpu.memory_space<semaphore_mem>>) src(%dma_wait3A_1396 : memref<1280xi32, #tpu.memory_space<hbm>>) dst(%dma_wait3A_1395 : memref<1280xi32, #tpu.memory_space<vmem>>)
      tpu.yield
    }) : () -> ()
    %dma_start3A_108 = arith.constant 0 : i32
    %dma_start3A_109 = arith.constant 0 : i32
    %dma_start3A_110 = arith.constant 0 : i32
    %dma_start3A_111 = arith.constant 0 : i32
    %dma_start3A_112 = arith.constant 0 : i32
    %dma_start3A_113 = tpu.memref_slice %arg6[%dma_start3A_109, %dma_start3A_111, %dma_start3A_112] : memref<3x1280x32xf32, #tpu.memory_space<vmem>> -> memref<1x1280x32xf32, #tpu.memory_space<vmem>>
    %dma_start3A_114 = tpu.memref_squeeze %dma_start3A_113 : memref<1x1280x32xf32, #tpu.memory_space<vmem>> -> memref<1280x32xf32, #tpu.memory_space<vmem>>
    %dma_start3A_115 = arith.constant 0 : i32
    %dma_start3A_116 = tpu.memref_slice %arg5[%dma_start3A_108, %dma_start3A_115] : memref<3x1280xi32, #tpu.memory_space<vmem>> -> memref<1x1280xi32, #tpu.memory_space<vmem>>
    %dma_start3A_117 = tpu.memref_squeeze %dma_start3A_116 : memref<1x1280xi32, #tpu.memory_space<vmem>> -> memref<1280xi32, #tpu.memory_space<vmem>>
    %dma_start3A_118 = arith.constant 0 : i32
    %dma_start3A_119 = arith.constant 0 : i32
    %dma_start3A_120 = tpu.memref_slice %arg3[%dma_start3A_118, %dma_start3A_119] : memref<1000000x32xf32, #tpu.memory_space<hbm>> -> memref<1000000x32xf32, #tpu.memory_space<hbm>>
    %dma_start3A_121 = tpu.memref_slice %arg7[%dma_start3A_110] : memref<3x!tpu.dma_semaphore, #tpu.memory_space<semaphore_mem>> -> memref<1x!tpu.dma_semaphore, #tpu.memory_space<semaphore_mem>>
    %dma_start3A_122 = tpu.memref_squeeze %dma_start3A_121 : memref<1x!tpu.dma_semaphore, #tpu.memory_space<semaphore_mem>> -> memref<!tpu.dma_semaphore, #tpu.memory_space<semaphore_mem>>
    tpu.enqueue_indirect_dma source(%dma_start3A_120 : memref<1000000x32xf32, #tpu.memory_space<hbm>>) target(%dma_start3A_114 : memref<1280x32xf32, #tpu.memory_space<vmem>>) offsets(%dma_start3A_117 : memref<1280xi32, #tpu.memory_space<vmem>>) semaphore(%dma_start3A_122 : memref<!tpu.dma_semaphore, #tpu.memory_space<semaphore_mem>>)
    %dma_wait3A_123 = arith.constant 1 : i32
    %dma_wait3A_124 = arith.constant 1 : i32
    %dma_wait3A_125 = arith.constant 1 : i32
    %dma_wait3A_126 = arith.constant 0 : i32
    %dma_wait3A_127 = arith.constant 0 : i32
    %dma_wait3A_128 = tpu.memref_slice %arg6[%dma_wait3A_124, %dma_wait3A_126, %dma_wait3A_127] : memref<3x1280x32xf32, #tpu.memory_space<vmem>> -> memref<1x1280x32xf32, #tpu.memory_space<vmem>>
    %dma_wait3A_129 = tpu.memref_squeeze %dma_wait3A_128 : memref<1x1280x32xf32, #tpu.memory_space<vmem>> -> memref<1280x32xf32, #tpu.memory_space<vmem>>
    %dma_wait3A_130 = arith.constant 0 : i32
    %dma_wait3A_131 = tpu.memref_slice %arg5[%dma_wait3A_123, %dma_wait3A_130] : memref<3x1280xi32, #tpu.memory_space<vmem>> -> memref<1x1280xi32, #tpu.memory_space<vmem>>
    %dma_wait3A_132 = tpu.memref_squeeze %dma_wait3A_131 : memref<1x1280xi32, #tpu.memory_space<vmem>> -> memref<1280xi32, #tpu.memory_space<vmem>>
    %dma_wait3A_133 = arith.constant 0 : i32
    %dma_wait3A_134 = arith.constant 0 : i32
    %dma_wait3A_135 = tpu.memref_slice %arg3[%dma_wait3A_133, %dma_wait3A_134] : memref<1000000x32xf32, #tpu.memory_space<hbm>> -> memref<1000000x32xf32, #tpu.memory_space<hbm>>
    %dma_wait3A_136 = tpu.memref_slice %arg7[%dma_wait3A_125] : memref<3x!tpu.dma_semaphore, #tpu.memory_space<semaphore_mem>> -> memref<1x!tpu.dma_semaphore, #tpu.memory_space<semaphore_mem>>
    %dma_wait3A_137 = tpu.memref_squeeze %dma_wait3A_136 : memref<1x!tpu.dma_semaphore, #tpu.memory_space<semaphore_mem>> -> memref<!tpu.dma_semaphore, #tpu.memory_space<semaphore_mem>>
    tpu.wait_indirect_dma semaphore(%dma_wait3A_137 : memref<!tpu.dma_semaphore, #tpu.memory_space<semaphore_mem>>) src(%dma_wait3A_135 : memref<1000000x32xf32, #tpu.memory_space<hbm>>) dst(%dma_wait3A_129 : memref<1280x32xf32, #tpu.memory_space<vmem>>)
    %add3A_138 = arith.constant 1280 : i32
    %add3A_139 = arith.addi %mul3A_2, %add3A_138 : i32
    %dma_start3A_140 = arith.constant 1 : i32
    %dma_start3A_141 = arith.constant 1 : i32
    %dma_start3A_142 = arith.constant 0 : i32
    %dma_start3A_143 = arith.constant 0 : i32
    %dma_start3A_144 = tpu.memref_slice %arg6[%dma_start3A_140, %dma_start3A_142, %dma_start3A_143] : memref<3x1280x32xf32, #tpu.memory_space<vmem>> -> memref<1x1280x32xf32, #tpu.memory_space<vmem>>
    %dma_start3A_145 = tpu.memref_squeeze %dma_start3A_144 : memref<1x1280x32xf32, #tpu.memory_space<vmem>> -> memref<1280x32xf32, #tpu.memory_space<vmem>>
    %dma_start3A_146 = arith.constant 0 : i32
    %dma_start3A_147 = tpu.memref_slice %arg4[%add3A_139, %dma_start3A_146] : memref<819200x32xf32, #tpu.memory_space<hbm>> -> memref<1280x32xf32, #tpu.memory_space<hbm>>
    %dma_start3A_148 = tpu.memref_slice %arg8[%dma_start3A_141] : memref<3x!tpu.dma_semaphore, #tpu.memory_space<semaphore_mem>> -> memref<1x!tpu.dma_semaphore, #tpu.memory_space<semaphore_mem>>
    %dma_start3A_149 = tpu.memref_squeeze %dma_start3A_148 : memref<1x!tpu.dma_semaphore, #tpu.memory_space<semaphore_mem>> -> memref<!tpu.dma_semaphore, #tpu.memory_space<semaphore_mem>>
    %dma_start3A_150 = arith.constant 0 : i32
    %dma_start3A_151 = tpu.memref_slice %arg4[%add3A_139, %dma_start3A_150] : memref<819200x32xf32, #tpu.memory_space<hbm>> -> memref<1280x32xf32, #tpu.memory_space<hbm>>
    %dma_start3A_152 = arith.constant 0 : i32
    %dma_start3A_153 = arith.constant 0 : i32
    %dma_start3A_154 = tpu.memref_slice %arg6[%dma_start3A_140, %dma_start3A_152, %dma_start3A_153] : memref<3x1280x32xf32, #tpu.memory_space<vmem>> -> memref<1x1280x32xf32, #tpu.memory_space<vmem>>
    %dma_start3A_155 = tpu.memref_squeeze %dma_start3A_154 : memref<1x1280x32xf32, #tpu.memory_space<vmem>> -> memref<1280x32xf32, #tpu.memory_space<vmem>>
    tpu.enqueue_dma source(%dma_start3A_155 : memref<1280x32xf32, #tpu.memory_space<vmem>>) target(%dma_start3A_151 : memref<1280x32xf32, #tpu.memory_space<hbm>>) target_semaphore(%dma_start3A_149 : memref<!tpu.dma_semaphore, #tpu.memory_space<semaphore_mem>>)
    %add3A_156 = arith.constant 1280 : i32
    %add3A_157 = arith.addi %mul3A_2, %add3A_156 : i32
    %dma_wait3A_158 = arith.constant 1 : i32
    %dma_wait3A_159 = arith.constant 1 : i32
    %dma_wait3A_160 = arith.constant 0 : i32
    %dma_wait3A_161 = arith.constant 0 : i32
    %dma_wait3A_162 = tpu.memref_slice %arg6[%dma_wait3A_158, %dma_wait3A_160, %dma_wait3A_161] : memref<3x1280x32xf32, #tpu.memory_space<vmem>> -> memref<1x1280x32xf32, #tpu.memory_space<vmem>>
    %dma_wait3A_163 = tpu.memref_squeeze %dma_wait3A_162 : memref<1x1280x32xf32, #tpu.memory_space<vmem>> -> memref<1280x32xf32, #tpu.memory_space<vmem>>
    %dma_wait3A_164 = arith.constant 0 : i32
    %dma_wait3A_165 = tpu.memref_slice %arg4[%add3A_157, %dma_wait3A_164] : memref<819200x32xf32, #tpu.memory_space<hbm>> -> memref<1280x32xf32, #tpu.memory_space<hbm>>
    %dma_wait3A_166 = tpu.memref_slice %arg8[%dma_wait3A_159] : memref<3x!tpu.dma_semaphore, #tpu.memory_space<semaphore_mem>> -> memref<1x!tpu.dma_semaphore, #tpu.memory_space<semaphore_mem>>
    %dma_wait3A_167 = tpu.memref_squeeze %dma_wait3A_166 : memref<1x!tpu.dma_semaphore, #tpu.memory_space<semaphore_mem>> -> memref<!tpu.dma_semaphore, #tpu.memory_space<semaphore_mem>>
    %dma_wait3A_168 = arith.constant 0 : i32
    %dma_wait3A_169 = tpu.memref_slice %arg4[%add3A_157, %dma_wait3A_168] : memref<819200x32xf32, #tpu.memory_space<hbm>> -> memref<1280x32xf32, #tpu.memory_space<hbm>>
    %dma_wait3A_170 = arith.constant 0 : i32
    %dma_wait3A_171 = arith.constant 0 : i32
    %dma_wait3A_172 = tpu.memref_slice %arg6[%dma_wait3A_158, %dma_wait3A_170, %dma_wait3A_171] : memref<3x1280x32xf32, #tpu.memory_space<vmem>> -> memref<1x1280x32xf32, #tpu.memory_space<vmem>>
    %dma_wait3A_173 = tpu.memref_squeeze %dma_wait3A_172 : memref<1x1280x32xf32, #tpu.memory_space<vmem>> -> memref<1280x32xf32, #tpu.memory_space<vmem>>
    tpu.wait_dma2 semaphore(%dma_wait3A_167 : memref<!tpu.dma_semaphore, #tpu.memory_space<semaphore_mem>>) src(%dma_wait3A_173 : memref<1280x32xf32, #tpu.memory_space<vmem>>) dst(%dma_wait3A_169 : memref<1280x32xf32, #tpu.memory_space<hbm>>)
    %add3A_174 = arith.constant 5120 : i32
    %add3A_175 = arith.addi %mul3A_2, %add3A_174 : i32
    %run_scoped3A_176 = arith.constant 1 : i32
    "tpu.region"() ({
      %run_scoped3A_1380 = tpu.sem_alloc : memref<!tpu.dma_semaphore, #tpu.memory_space<semaphore_mem>>
      %dma_start3A_1381 = arith.constant 0 : i32
      %dma_start3A_1382 = tpu.memref_slice %arg5[%run_scoped3A_176, %dma_start3A_1381] : memref<3x1280xi32, #tpu.memory_space<vmem>> -> memref<1x1280xi32, #tpu.memory_space<vmem>>
      %dma_start3A_1383 = tpu.memref_squeeze %dma_start3A_1382 : memref<1x1280xi32, #tpu.memory_space<vmem>> -> memref<1280xi32, #tpu.memory_space<vmem>>
      %dma_start3A_1384 = tpu.memref_slice %arg2[%add3A_175] : memref<819200xi32, #tpu.memory_space<hbm>> -> memref<1280xi32, #tpu.memory_space<hbm>>
      %dma_start3A_1385 = arith.constant 0 : i32
      %dma_start3A_1386 = tpu.memref_slice %arg5[%run_scoped3A_176, %dma_start3A_1385] : memref<3x1280xi32, #tpu.memory_space<vmem>> -> memref<1x1280xi32, #tpu.memory_space<vmem>>
      %dma_start3A_1387 = tpu.memref_squeeze %dma_start3A_1386 : memref<1x1280xi32, #tpu.memory_space<vmem>> -> memref<1280xi32, #tpu.memory_space<vmem>>
      %dma_start3A_1388 = tpu.memref_slice %arg2[%add3A_175] : memref<819200xi32, #tpu.memory_space<hbm>> -> memref<1280xi32, #tpu.memory_space<hbm>>
      tpu.enqueue_dma source(%dma_start3A_1388 : memref<1280xi32, #tpu.memory_space<hbm>>) target(%dma_start3A_1387 : memref<1280xi32, #tpu.memory_space<vmem>>) target_semaphore(%run_scoped3A_1380 : memref<!tpu.dma_semaphore, #tpu.memory_space<semaphore_mem>>)
      %dma_wait3A_1389 = arith.constant 0 : i32
      %dma_wait3A_1390 = tpu.memref_slice %arg5[%run_scoped3A_176, %dma_wait3A_1389] : memref<3x1280xi32, #tpu.memory_space<vmem>> -> memref<1x1280xi32, #tpu.memory_space<vmem>>
      %dma_wait3A_1391 = tpu.memref_squeeze %dma_wait3A_1390 : memref<1x1280xi32, #tpu.memory_space<vmem>> -> memref<1280xi32, #tpu.memory_space<vmem>>
      %dma_wait3A_1392 = tpu.memref_slice %arg2[%add3A_175] : memref<819200xi32, #tpu.memory_space<hbm>> -> memref<1280xi32, #tpu.memory_space<hbm>>
      %dma_wait3A_1393 = arith.constant 0 : i32
      %dma_wait3A_1394 = tpu.memref_slice %arg5[%run_scoped3A_176, %dma_wait3A_1393] : memref<3x1280xi32, #tpu.memory_space<vmem>> -> memref<1x1280xi32, #tpu.memory_space<vmem>>
      %dma_wait3A_1395 = tpu.memref_squeeze %dma_wait3A_1394 : memref<1x1280xi32, #tpu.memory_space<vmem>> -> memref<1280xi32, #tpu.memory_space<vmem>>
      %dma_wait3A_1396 = tpu.memref_slice %arg2[%add3A_175] : memref<819200xi32, #tpu.memory_space<hbm>> -> memref<1280xi32, #tpu.memory_space<hbm>>
      tpu.wait_dma2 semaphore(%run_scoped3A_1380 : memref<!tpu.dma_semaphore, #tpu.memory_space<semaphore_mem>>) src(%dma_wait3A_1396 : memref<1280xi32, #tpu.memory_space<hbm>>) dst(%dma_wait3A_1395 : memref<1280xi32, #tpu.memory_space<vmem>>)
      tpu.yield
    }) : () -> ()
    %dma_start3A_177 = arith.constant 1 : i32
    %dma_start3A_178 = arith.constant 1 : i32
    %dma_start3A_179 = arith.constant 1 : i32
    %dma_start3A_180 = arith.constant 0 : i32
    %dma_start3A_181 = arith.constant 0 : i32
    %dma_start3A_182 = tpu.memref_slice %arg6[%dma_start3A_178, %dma_start3A_180, %dma_start3A_181] : memref<3x1280x32xf32, #tpu.memory_space<vmem>> -> memref<1x1280x32xf32, #tpu.memory_space<vmem>>
    %dma_start3A_183 = tpu.memref_squeeze %dma_start3A_182 : memref<1x1280x32xf32, #tpu.memory_space<vmem>> -> memref<1280x32xf32, #tpu.memory_space<vmem>>
    %dma_start3A_184 = arith.constant 0 : i32
    %dma_start3A_185 = tpu.memref_slice %arg5[%dma_start3A_177, %dma_start3A_184] : memref<3x1280xi32, #tpu.memory_space<vmem>> -> memref<1x1280xi32, #tpu.memory_space<vmem>>
    %dma_start3A_186 = tpu.memref_squeeze %dma_start3A_185 : memref<1x1280xi32, #tpu.memory_space<vmem>> -> memref<1280xi32, #tpu.memory_space<vmem>>
    %dma_start3A_187 = arith.constant 0 : i32
    %dma_start3A_188 = arith.constant 0 : i32
    %dma_start3A_189 = tpu.memref_slice %arg3[%dma_start3A_187, %dma_start3A_188] : memref<1000000x32xf32, #tpu.memory_space<hbm>> -> memref<1000000x32xf32, #tpu.memory_space<hbm>>
    %dma_start3A_190 = tpu.memref_slice %arg7[%dma_start3A_179] : memref<3x!tpu.dma_semaphore, #tpu.memory_space<semaphore_mem>> -> memref<1x!tpu.dma_semaphore, #tpu.memory_space<semaphore_mem>>
    %dma_start3A_191 = tpu.memref_squeeze %dma_start3A_190 : memref<1x!tpu.dma_semaphore, #tpu.memory_space<semaphore_mem>> -> memref<!tpu.dma_semaphore, #tpu.memory_space<semaphore_mem>>
    tpu.enqueue_indirect_dma source(%dma_start3A_189 : memref<1000000x32xf32, #tpu.memory_space<hbm>>) target(%dma_start3A_183 : memref<1280x32xf32, #tpu.memory_space<vmem>>) offsets(%dma_start3A_186 : memref<1280xi32, #tpu.memory_space<vmem>>) semaphore(%dma_start3A_191 : memref<!tpu.dma_semaphore, #tpu.memory_space<semaphore_mem>>)
    %dma_wait3A_192 = arith.constant 2 : i32
    %dma_wait3A_193 = arith.constant 2 : i32
    %dma_wait3A_194 = arith.constant 2 : i32
    %dma_wait3A_195 = arith.constant 0 : i32
    %dma_wait3A_196 = arith.constant 0 : i32
    %dma_wait3A_197 = tpu.memref_slice %arg6[%dma_wait3A_193, %dma_wait3A_195, %dma_wait3A_196] : memref<3x1280x32xf32, #tpu.memory_space<vmem>> -> memref<1x1280x32xf32, #tpu.memory_space<vmem>>
    %dma_wait3A_198 = tpu.memref_squeeze %dma_wait3A_197 : memref<1x1280x32xf32, #tpu.memory_space<vmem>> -> memref<1280x32xf32, #tpu.memory_space<vmem>>
    %dma_wait3A_199 = arith.constant 0 : i32
    %dma_wait3A_200 = tpu.memref_slice %arg5[%dma_wait3A_192, %dma_wait3A_199] : memref<3x1280xi32, #tpu.memory_space<vmem>> -> memref<1x1280xi32, #tpu.memory_space<vmem>>
    %dma_wait3A_201 = tpu.memref_squeeze %dma_wait3A_200 : memref<1x1280xi32, #tpu.memory_space<vmem>> -> memref<1280xi32, #tpu.memory_space<vmem>>
    %dma_wait3A_202 = arith.constant 0 : i32
    %dma_wait3A_203 = arith.constant 0 : i32
    %dma_wait3A_204 = tpu.memref_slice %arg3[%dma_wait3A_202, %dma_wait3A_203] : memref<1000000x32xf32, #tpu.memory_space<hbm>> -> memref<1000000x32xf32, #tpu.memory_space<hbm>>
    %dma_wait3A_205 = tpu.memref_slice %arg7[%dma_wait3A_194] : memref<3x!tpu.dma_semaphore, #tpu.memory_space<semaphore_mem>> -> memref<1x!tpu.dma_semaphore, #tpu.memory_space<semaphore_mem>>
    %dma_wait3A_206 = tpu.memref_squeeze %dma_wait3A_205 : memref<1x!tpu.dma_semaphore, #tpu.memory_space<semaphore_mem>> -> memref<!tpu.dma_semaphore, #tpu.memory_space<semaphore_mem>>
    tpu.wait_indirect_dma semaphore(%dma_wait3A_206 : memref<!tpu.dma_semaphore, #tpu.memory_space<semaphore_mem>>) src(%dma_wait3A_204 : memref<1000000x32xf32, #tpu.memory_space<hbm>>) dst(%dma_wait3A_198 : memref<1280x32xf32, #tpu.memory_space<vmem>>)
    %add3A_207 = arith.constant 2560 : i32
    %add3A_208 = arith.addi %mul3A_2, %add3A_207 : i32
    %dma_start3A_209 = arith.constant 2 : i32
    %dma_start3A_210 = arith.constant 2 : i32
    %dma_start3A_211 = arith.constant 0 : i32
    %dma_start3A_212 = arith.constant 0 : i32
    %dma_start3A_213 = tpu.memref_slice %arg6[%dma_start3A_209, %dma_start3A_211, %dma_start3A_212] : memref<3x1280x32xf32, #tpu.memory_space<vmem>> -> memref<1x1280x32xf32, #tpu.memory_space<vmem>>
    %dma_start3A_214 = tpu.memref_squeeze %dma_start3A_213 : memref<1x1280x32xf32, #tpu.memory_space<vmem>> -> memref<1280x32xf32, #tpu.memory_space<vmem>>
    %dma_start3A_215 = arith.constant 0 : i32
    %dma_start3A_216 = tpu.memref_slice %arg4[%add3A_208, %dma_start3A_215] : memref<819200x32xf32, #tpu.memory_space<hbm>> -> memref<1280x32xf32, #tpu.memory_space<hbm>>
    %dma_start3A_217 = tpu.memref_slice %arg8[%dma_start3A_210] : memref<3x!tpu.dma_semaphore, #tpu.memory_space<semaphore_mem>> -> memref<1x!tpu.dma_semaphore, #tpu.memory_space<semaphore_mem>>
    %dma_start3A_218 = tpu.memref_squeeze %dma_start3A_217 : memref<1x!tpu.dma_semaphore, #tpu.memory_space<semaphore_mem>> -> memref<!tpu.dma_semaphore, #tpu.memory_space<semaphore_mem>>
    %dma_start3A_219 = arith.constant 0 : i32
    %dma_start3A_220 = tpu.memref_slice %arg4[%add3A_208, %dma_start3A_219] : memref<819200x32xf32, #tpu.memory_space<hbm>> -> memref<1280x32xf32, #tpu.memory_space<hbm>>
    %dma_start3A_221 = arith.constant 0 : i32
    %dma_start3A_222 = arith.constant 0 : i32
    %dma_start3A_223 = tpu.memref_slice %arg6[%dma_start3A_209, %dma_start3A_221, %dma_start3A_222] : memref<3x1280x32xf32, #tpu.memory_space<vmem>> -> memref<1x1280x32xf32, #tpu.memory_space<vmem>>
    %dma_start3A_224 = tpu.memref_squeeze %dma_start3A_223 : memref<1x1280x32xf32, #tpu.memory_space<vmem>> -> memref<1280x32xf32, #tpu.memory_space<vmem>>
    tpu.enqueue_dma source(%dma_start3A_224 : memref<1280x32xf32, #tpu.memory_space<vmem>>) target(%dma_start3A_220 : memref<1280x32xf32, #tpu.memory_space<hbm>>) target_semaphore(%dma_start3A_218 : memref<!tpu.dma_semaphore, #tpu.memory_space<semaphore_mem>>)
    %add3A_225 = arith.constant 2560 : i32
    %add3A_226 = arith.addi %mul3A_2, %add3A_225 : i32
    %dma_wait3A_227 = arith.constant 2 : i32
    %dma_wait3A_228 = arith.constant 2 : i32
    %dma_wait3A_229 = arith.constant 0 : i32
    %dma_wait3A_230 = arith.constant 0 : i32
    %dma_wait3A_231 = tpu.memref_slice %arg6[%dma_wait3A_227, %dma_wait3A_229, %dma_wait3A_230] : memref<3x1280x32xf32, #tpu.memory_space<vmem>> -> memref<1x1280x32xf32, #tpu.memory_space<vmem>>
    %dma_wait3A_232 = tpu.memref_squeeze %dma_wait3A_231 : memref<1x1280x32xf32, #tpu.memory_space<vmem>> -> memref<1280x32xf32, #tpu.memory_space<vmem>>
    %dma_wait3A_233 = arith.constant 0 : i32
    %dma_wait3A_234 = tpu.memref_slice %arg4[%add3A_226, %dma_wait3A_233] : memref<819200x32xf32, #tpu.memory_space<hbm>> -> memref<1280x32xf32, #tpu.memory_space<hbm>>
    %dma_wait3A_235 = tpu.memref_slice %arg8[%dma_wait3A_228] : memref<3x!tpu.dma_semaphore, #tpu.memory_space<semaphore_mem>> -> memref<1x!tpu.dma_semaphore, #tpu.memory_space<semaphore_mem>>
    %dma_wait3A_236 = tpu.memref_squeeze %dma_wait3A_235 : memref<1x!tpu.dma_semaphore, #tpu.memory_space<semaphore_mem>> -> memref<!tpu.dma_semaphore, #tpu.memory_space<semaphore_mem>>
    %dma_wait3A_237 = arith.constant 0 : i32
    %dma_wait3A_238 = tpu.memref_slice %arg4[%add3A_226, %dma_wait3A_237] : memref<819200x32xf32, #tpu.memory_space<hbm>> -> memref<1280x32xf32, #tpu.memory_space<hbm>>
    %dma_wait3A_239 = arith.constant 0 : i32
    %dma_wait3A_240 = arith.constant 0 : i32
    %dma_wait3A_241 = tpu.memref_slice %arg6[%dma_wait3A_227, %dma_wait3A_239, %dma_wait3A_240] : memref<3x1280x32xf32, #tpu.memory_space<vmem>> -> memref<1x1280x32xf32, #tpu.memory_space<vmem>>
    %dma_wait3A_242 = tpu.memref_squeeze %dma_wait3A_241 : memref<1x1280x32xf32, #tpu.memory_space<vmem>> -> memref<1280x32xf32, #tpu.memory_space<vmem>>
    tpu.wait_dma2 semaphore(%dma_wait3A_236 : memref<!tpu.dma_semaphore, #tpu.memory_space<semaphore_mem>>) src(%dma_wait3A_242 : memref<1280x32xf32, #tpu.memory_space<vmem>>) dst(%dma_wait3A_238 : memref<1280x32xf32, #tpu.memory_space<hbm>>)
    %add3A_243 = arith.constant 6400 : i32
    %add3A_244 = arith.addi %mul3A_2, %add3A_243 : i32
    %run_scoped3A_245 = arith.constant 2 : i32
    "tpu.region"() ({
      %run_scoped3A_1380 = tpu.sem_alloc : memref<!tpu.dma_semaphore, #tpu.memory_space<semaphore_mem>>
      %dma_start3A_1381 = arith.constant 0 : i32
      %dma_start3A_1382 = tpu.memref_slice %arg5[%run_scoped3A_245, %dma_start3A_1381] : memref<3x1280xi32, #tpu.memory_space<vmem>> -> memref<1x1280xi32, #tpu.memory_space<vmem>>
      %dma_start3A_1383 = tpu.memref_squeeze %dma_start3A_1382 : memref<1x1280xi32, #tpu.memory_space<vmem>> -> memref<1280xi32, #tpu.memory_space<vmem>>
      %dma_start3A_1384 = tpu.memref_slice %arg2[%add3A_244] : memref<819200xi32, #tpu.memory_space<hbm>> -> memref<1280xi32, #tpu.memory_space<hbm>>
      %dma_start3A_1385 = arith.constant 0 : i32
      %dma_start3A_1386 = tpu.memref_slice %arg5[%run_scoped3A_245, %dma_start3A_1385] : memref<3x1280xi32, #tpu.memory_space<vmem>> -> memref<1x1280xi32, #tpu.memory_space<vmem>>
      %dma_start3A_1387 = tpu.memref_squeeze %dma_start3A_1386 : memref<1x1280xi32, #tpu.memory_space<vmem>> -> memref<1280xi32, #tpu.memory_space<vmem>>
      %dma_start3A_1388 = tpu.memref_slice %arg2[%add3A_244] : memref<819200xi32, #tpu.memory_space<hbm>> -> memref<1280xi32, #tpu.memory_space<hbm>>
      tpu.enqueue_dma source(%dma_start3A_1388 : memref<1280xi32, #tpu.memory_space<hbm>>) target(%dma_start3A_1387 : memref<1280xi32, #tpu.memory_space<vmem>>) target_semaphore(%run_scoped3A_1380 : memref<!tpu.dma_semaphore, #tpu.memory_space<semaphore_mem>>)
      %dma_wait3A_1389 = arith.constant 0 : i32
      %dma_wait3A_1390 = tpu.memref_slice %arg5[%run_scoped3A_245, %dma_wait3A_1389] : memref<3x1280xi32, #tpu.memory_space<vmem>> -> memref<1x1280xi32, #tpu.memory_space<vmem>>
      %dma_wait3A_1391 = tpu.memref_squeeze %dma_wait3A_1390 : memref<1x1280xi32, #tpu.memory_space<vmem>> -> memref<1280xi32, #tpu.memory_space<vmem>>
      %dma_wait3A_1392 = tpu.memref_slice %arg2[%add3A_244] : memref<819200xi32, #tpu.memory_space<hbm>> -> memref<1280xi32, #tpu.memory_space<hbm>>
      %dma_wait3A_1393 = arith.constant 0 : i32
      %dma_wait3A_1394 = tpu.memref_slice %arg5[%run_scoped3A_245, %dma_wait3A_1393] : memref<3x1280xi32, #tpu.memory_space<vmem>> -> memref<1x1280xi32, #tpu.memory_space<vmem>>
      %dma_wait3A_1395 = tpu.memref_squeeze %dma_wait3A_1394 : memref<1x1280xi32, #tpu.memory_space<vmem>> -> memref<1280xi32, #tpu.memory_space<vmem>>
      %dma_wait3A_1396 = tpu.memref_slice %arg2[%add3A_244] : memref<819200xi32, #tpu.memory_space<hbm>> -> memref<1280xi32, #tpu.memory_space<hbm>>
      tpu.wait_dma2 semaphore(%run_scoped3A_1380 : memref<!tpu.dma_semaphore, #tpu.memory_space<semaphore_mem>>) src(%dma_wait3A_1396 : memref<1280xi32, #tpu.memory_space<hbm>>) dst(%dma_wait3A_1395 : memref<1280xi32, #tpu.memory_space<vmem>>)
      tpu.yield
    }) : () -> ()
    %dma_start3A_246 = arith.constant 2 : i32
    %dma_start3A_247 = arith.constant 2 : i32
    %dma_start3A_248 = arith.constant 2 : i32
    %dma_start3A_249 = arith.constant 0 : i32
    %dma_start3A_250 = arith.constant 0 : i32
    %dma_start3A_251 = tpu.memref_slice %arg6[%dma_start3A_247, %dma_start3A_249, %dma_start3A_250] : memref<3x1280x32xf32, #tpu.memory_space<vmem>> -> memref<1x1280x32xf32, #tpu.memory_space<vmem>>
    %dma_start3A_252 = tpu.memref_squeeze %dma_start3A_251 : memref<1x1280x32xf32, #tpu.memory_space<vmem>> -> memref<1280x32xf32, #tpu.memory_space<vmem>>
    %dma_start3A_253 = arith.constant 0 : i32
    %dma_start3A_254 = tpu.memref_slice %arg5[%dma_start3A_246, %dma_start3A_253] : memref<3x1280xi32, #tpu.memory_space<vmem>> -> memref<1x1280xi32, #tpu.memory_space<vmem>>
    %dma_start3A_255 = tpu.memref_squeeze %dma_start3A_254 : memref<1x1280xi32, #tpu.memory_space<vmem>> -> memref<1280xi32, #tpu.memory_space<vmem>>
    %dma_start3A_256 = arith.constant 0 : i32
    %dma_start3A_257 = arith.constant 0 : i32
    %dma_start3A_258 = tpu.memref_slice %arg3[%dma_start3A_256, %dma_start3A_257] : memref<1000000x32xf32, #tpu.memory_space<hbm>> -> memref<1000000x32xf32, #tpu.memory_space<hbm>>
    %dma_start3A_259 = tpu.memref_slice %arg7[%dma_start3A_248] : memref<3x!tpu.dma_semaphore, #tpu.memory_space<semaphore_mem>> -> memref<1x!tpu.dma_semaphore, #tpu.memory_space<semaphore_mem>>
    %dma_start3A_260 = tpu.memref_squeeze %dma_start3A_259 : memref<1x!tpu.dma_semaphore, #tpu.memory_space<semaphore_mem>> -> memref<!tpu.dma_semaphore, #tpu.memory_space<semaphore_mem>>
    tpu.enqueue_indirect_dma source(%dma_start3A_258 : memref<1000000x32xf32, #tpu.memory_space<hbm>>) target(%dma_start3A_252 : memref<1280x32xf32, #tpu.memory_space<vmem>>) offsets(%dma_start3A_255 : memref<1280xi32, #tpu.memory_space<vmem>>) semaphore(%dma_start3A_260 : memref<!tpu.dma_semaphore, #tpu.memory_space<semaphore_mem>>)
    %dma_wait3A_261 = arith.constant 0 : i32
    %dma_wait3A_262 = arith.constant 0 : i32
    %dma_wait3A_263 = arith.constant 0 : i32
    %dma_wait3A_264 = arith.constant 0 : i32
    %dma_wait3A_265 = arith.constant 0 : i32
    %dma_wait3A_266 = tpu.memref_slice %arg6[%dma_wait3A_262, %dma_wait3A_264, %dma_wait3A_265] : memref<3x1280x32xf32, #tpu.memory_space<vmem>> -> memref<1x1280x32xf32, #tpu.memory_space<vmem>>
    %dma_wait3A_267 = tpu.memref_squeeze %dma_wait3A_266 : memref<1x1280x32xf32, #tpu.memory_space<vmem>> -> memref<1280x32xf32, #tpu.memory_space<vmem>>
    %dma_wait3A_268 = arith.constant 0 : i32
    %dma_wait3A_269 = tpu.memref_slice %arg5[%dma_wait3A_261, %dma_wait3A_268] : memref<3x1280xi32, #tpu.memory_space<vmem>> -> memref<1x1280xi32, #tpu.memory_space<vmem>>
    %dma_wait3A_270 = tpu.memref_squeeze %dma_wait3A_269 : memref<1x1280xi32, #tpu.memory_space<vmem>> -> memref<1280xi32, #tpu.memory_space<vmem>>
    %dma_wait3A_271 = arith.constant 0 : i32
    %dma_wait3A_272 = arith.constant 0 : i32
    %dma_wait3A_273 = tpu.memref_slice %arg3[%dma_wait3A_271, %dma_wait3A_272] : memref<1000000x32xf32, #tpu.memory_space<hbm>> -> memref<1000000x32xf32, #tpu.memory_space<hbm>>
    %dma_wait3A_274 = tpu.memref_slice %arg7[%dma_wait3A_263] : memref<3x!tpu.dma_semaphore, #tpu.memory_space<semaphore_mem>> -> memref<1x!tpu.dma_semaphore, #tpu.memory_space<semaphore_mem>>
    %dma_wait3A_275 = tpu.memref_squeeze %dma_wait3A_274 : memref<1x!tpu.dma_semaphore, #tpu.memory_space<semaphore_mem>> -> memref<!tpu.dma_semaphore, #tpu.memory_space<semaphore_mem>>
    tpu.wait_indirect_dma semaphore(%dma_wait3A_275 : memref<!tpu.dma_semaphore, #tpu.memory_space<semaphore_mem>>) src(%dma_wait3A_273 : memref<1000000x32xf32, #tpu.memory_space<hbm>>) dst(%dma_wait3A_267 : memref<1280x32xf32, #tpu.memory_space<vmem>>)
    %add3A_276 = arith.constant 3840 : i32
    %add3A_277 = arith.addi %mul3A_2, %add3A_276 : i32
    %dma_start3A_278 = arith.constant 0 : i32
    %dma_start3A_279 = arith.constant 0 : i32
    %dma_start3A_280 = arith.constant 0 : i32
    %dma_start3A_281 = arith.constant 0 : i32
    %dma_start3A_282 = tpu.memref_slice %arg6[%dma_start3A_278, %dma_start3A_280, %dma_start3A_281] : memref<3x1280x32xf32, #tpu.memory_space<vmem>> -> memref<1x1280x32xf32, #tpu.memory_space<vmem>>
    %dma_start3A_283 = tpu.memref_squeeze %dma_start3A_282 : memref<1x1280x32xf32, #tpu.memory_space<vmem>> -> memref<1280x32xf32, #tpu.memory_space<vmem>>
    %dma_start3A_284 = arith.constant 0 : i32
    %dma_start3A_285 = tpu.memref_slice %arg4[%add3A_277, %dma_start3A_284] : memref<819200x32xf32, #tpu.memory_space<hbm>> -> memref<1280x32xf32, #tpu.memory_space<hbm>>
    %dma_start3A_286 = tpu.memref_slice %arg8[%dma_start3A_279] : memref<3x!tpu.dma_semaphore, #tpu.memory_space<semaphore_mem>> -> memref<1x!tpu.dma_semaphore, #tpu.memory_space<semaphore_mem>>
    %dma_start3A_287 = tpu.memref_squeeze %dma_start3A_286 : memref<1x!tpu.dma_semaphore, #tpu.memory_space<semaphore_mem>> -> memref<!tpu.dma_semaphore, #tpu.memory_space<semaphore_mem>>
    %dma_start3A_288 = arith.constant 0 : i32
    %dma_start3A_289 = tpu.memref_slice %arg4[%add3A_277, %dma_start3A_288] : memref<819200x32xf32, #tpu.memory_space<hbm>> -> memref<1280x32xf32, #tpu.memory_space<hbm>>
    %dma_start3A_290 = arith.constant 0 : i32
    %dma_start3A_291 = arith.constant 0 : i32
    %dma_start3A_292 = tpu.memref_slice %arg6[%dma_start3A_278, %dma_start3A_290, %dma_start3A_291] : memref<3x1280x32xf32, #tpu.memory_space<vmem>> -> memref<1x1280x32xf32, #tpu.memory_space<vmem>>
    %dma_start3A_293 = tpu.memref_squeeze %dma_start3A_292 : memref<1x1280x32xf32, #tpu.memory_space<vmem>> -> memref<1280x32xf32, #tpu.memory_space<vmem>>
    tpu.enqueue_dma source(%dma_start3A_293 : memref<1280x32xf32, #tpu.memory_space<vmem>>) target(%dma_start3A_289 : memref<1280x32xf32, #tpu.memory_space<hbm>>) target_semaphore(%dma_start3A_287 : memref<!tpu.dma_semaphore, #tpu.memory_space<semaphore_mem>>)
    %add3A_294 = arith.constant 3840 : i32
    %add3A_295 = arith.addi %mul3A_2, %add3A_294 : i32
    %dma_wait3A_296 = arith.constant 0 : i32
    %dma_wait3A_297 = arith.constant 0 : i32
    %dma_wait3A_298 = arith.constant 0 : i32
    %dma_wait3A_299 = arith.constant 0 : i32
    %dma_wait3A_300 = tpu.memref_slice %arg6[%dma_wait3A_296, %dma_wait3A_298, %dma_wait3A_299] : memref<3x1280x32xf32, #tpu.memory_space<vmem>> -> memref<1x1280x32xf32, #tpu.memory_space<vmem>>
    %dma_wait3A_301 = tpu.memref_squeeze %dma_wait3A_300 : memref<1x1280x32xf32, #tpu.memory_space<vmem>> -> memref<1280x32xf32, #tpu.memory_space<vmem>>
    %dma_wait3A_302 = arith.constant 0 : i32
    %dma_wait3A_303 = tpu.memref_slice %arg4[%add3A_295, %dma_wait3A_302] : memref<819200x32xf32, #tpu.memory_space<hbm>> -> memref<1280x32xf32, #tpu.memory_space<hbm>>
    %dma_wait3A_304 = tpu.memref_slice %arg8[%dma_wait3A_297] : memref<3x!tpu.dma_semaphore, #tpu.memory_space<semaphore_mem>> -> memref<1x!tpu.dma_semaphore, #tpu.memory_space<semaphore_mem>>
    %dma_wait3A_305 = tpu.memref_squeeze %dma_wait3A_304 : memref<1x!tpu.dma_semaphore, #tpu.memory_space<semaphore_mem>> -> memref<!tpu.dma_semaphore, #tpu.memory_space<semaphore_mem>>
    %dma_wait3A_306 = arith.constant 0 : i32
    %dma_wait3A_307 = tpu.memref_slice %arg4[%add3A_295, %dma_wait3A_306] : memref<819200x32xf32, #tpu.memory_space<hbm>> -> memref<1280x32xf32, #tpu.memory_space<hbm>>
    %dma_wait3A_308 = arith.constant 0 : i32
    %dma_wait3A_309 = arith.constant 0 : i32
    %dma_wait3A_310 = tpu.memref_slice %arg6[%dma_wait3A_296, %dma_wait3A_308, %dma_wait3A_309] : memref<3x1280x32xf32, #tpu.memory_space<vmem>> -> memref<1x1280x32xf32, #tpu.memory_space<vmem>>
    %dma_wait3A_311 = tpu.memref_squeeze %dma_wait3A_310 : memref<1x1280x32xf32, #tpu.memory_space<vmem>> -> memref<1280x32xf32, #tpu.memory_space<vmem>>
    tpu.wait_dma2 semaphore(%dma_wait3A_305 : memref<!tpu.dma_semaphore, #tpu.memory_space<semaphore_mem>>) src(%dma_wait3A_311 : memref<1280x32xf32, #tpu.memory_space<vmem>>) dst(%dma_wait3A_307 : memref<1280x32xf32, #tpu.memory_space<hbm>>)
    %add3A_312 = arith.constant 7680 : i32
    %add3A_313 = arith.addi %mul3A_2, %add3A_312 : i32
    %run_scoped3A_314 = arith.constant 0 : i32
    "tpu.region"() ({
      %run_scoped3A_1380 = tpu.sem_alloc : memref<!tpu.dma_semaphore, #tpu.memory_space<semaphore_mem>>
      %dma_start3A_1381 = arith.constant 0 : i32
      %dma_start3A_1382 = tpu.memref_slice %arg5[%run_scoped3A_314, %dma_start3A_1381] : memref<3x1280xi32, #tpu.memory_space<vmem>> -> memref<1x1280xi32, #tpu.memory_space<vmem>>
      %dma_start3A_1383 = tpu.memref_squeeze %dma_start3A_1382 : memref<1x1280xi32, #tpu.memory_space<vmem>> -> memref<1280xi32, #tpu.memory_space<vmem>>
      %dma_start3A_1384 = tpu.memref_slice %arg2[%add3A_313] : memref<819200xi32, #tpu.memory_space<hbm>> -> memref<1280xi32, #tpu.memory_space<hbm>>
      %dma_start3A_1385 = arith.constant 0 : i32
      %dma_start3A_1386 = tpu.memref_slice %arg5[%run_scoped3A_314, %dma_start3A_1385] : memref<3x1280xi32, #tpu.memory_space<vmem>> -> memref<1x1280xi32, #tpu.memory_space<vmem>>
      %dma_start3A_1387 = tpu.memref_squeeze %dma_start3A_1386 : memref<1x1280xi32, #tpu.memory_space<vmem>> -> memref<1280xi32, #tpu.memory_space<vmem>>
      %dma_start3A_1388 = tpu.memref_slice %arg2[%add3A_313] : memref<819200xi32, #tpu.memory_space<hbm>> -> memref<1280xi32, #tpu.memory_space<hbm>>
      tpu.enqueue_dma source(%dma_start3A_1388 : memref<1280xi32, #tpu.memory_space<hbm>>) target(%dma_start3A_1387 : memref<1280xi32, #tpu.memory_space<vmem>>) target_semaphore(%run_scoped3A_1380 : memref<!tpu.dma_semaphore, #tpu.memory_space<semaphore_mem>>)
      %dma_wait3A_1389 = arith.constant 0 : i32
      %dma_wait3A_1390 = tpu.memref_slice %arg5[%run_scoped3A_314, %dma_wait3A_1389] : memref<3x1280xi32, #tpu.memory_space<vmem>> -> memref<1x1280xi32, #tpu.memory_space<vmem>>
      %dma_wait3A_1391 = tpu.memref_squeeze %dma_wait3A_1390 : memref<1x1280xi32, #tpu.memory_space<vmem>> -> memref<1280xi32, #tpu.memory_space<vmem>>
      %dma_wait3A_1392 = tpu.memref_slice %arg2[%add3A_313] : memref<819200xi32, #tpu.memory_space<hbm>> -> memref<1280xi32, #tpu.memory_space<hbm>>
      %dma_wait3A_1393 = arith.constant 0 : i32
      %dma_wait3A_1394 = tpu.memref_slice %arg5[%run_scoped3A_314, %dma_wait3A_1393] : memref<3x1280xi32, #tpu.memory_space<vmem>> -> memref<1x1280xi32, #tpu.memory_space<vmem>>
      %dma_wait3A_1395 = tpu.memref_squeeze %dma_wait3A_1394 : memref<1x1280xi32, #tpu.memory_space<vmem>> -> memref<1280xi32, #tpu.memory_space<vmem>>
      %dma_wait3A_1396 = tpu.memref_slice %arg2[%add3A_313] : memref<819200xi32, #tpu.memory_space<hbm>> -> memref<1280xi32, #tpu.memory_space<hbm>>
      tpu.wait_dma2 semaphore(%run_scoped3A_1380 : memref<!tpu.dma_semaphore, #tpu.memory_space<semaphore_mem>>) src(%dma_wait3A_1396 : memref<1280xi32, #tpu.memory_space<hbm>>) dst(%dma_wait3A_1395 : memref<1280xi32, #tpu.memory_space<vmem>>)
      tpu.yield
    }) : () -> ()
    %dma_start3A_315 = arith.constant 0 : i32
    %dma_start3A_316 = arith.constant 0 : i32
    %dma_start3A_317 = arith.constant 0 : i32
    %dma_start3A_318 = arith.constant 0 : i32
    %dma_start3A_319 = arith.constant 0 : i32
    %dma_start3A_320 = tpu.memref_slice %arg6[%dma_start3A_316, %dma_start3A_318, %dma_start3A_319] : memref<3x1280x32xf32, #tpu.memory_space<vmem>> -> memref<1x1280x32xf32, #tpu.memory_space<vmem>>
    %dma_start3A_321 = tpu.memref_squeeze %dma_start3A_320 : memref<1x1280x32xf32, #tpu.memory_space<vmem>> -> memref<1280x32xf32, #tpu.memory_space<vmem>>
    %dma_start3A_322 = arith.constant 0 : i32
    %dma_start3A_323 = tpu.memref_slice %arg5[%dma_start3A_315, %dma_start3A_322] : memref<3x1280xi32, #tpu.memory_space<vmem>> -> memref<1x1280xi32, #tpu.memory_space<vmem>>
    %dma_start3A_324 = tpu.memref_squeeze %dma_start3A_323 : memref<1x1280xi32, #tpu.memory_space<vmem>> -> memref<1280xi32, #tpu.memory_space<vmem>>
    %dma_start3A_325 = arith.constant 0 : i32
    %dma_start3A_326 = arith.constant 0 : i32
    %dma_start3A_327 = tpu.memref_slice %arg3[%dma_start3A_325, %dma_start3A_326] : memref<1000000x32xf32, #tpu.memory_space<hbm>> -> memref<1000000x32xf32, #tpu.memory_space<hbm>>
    %dma_start3A_328 = tpu.memref_slice %arg7[%dma_start3A_317] : memref<3x!tpu.dma_semaphore, #tpu.memory_space<semaphore_mem>> -> memref<1x!tpu.dma_semaphore, #tpu.memory_space<semaphore_mem>>
    %dma_start3A_329 = tpu.memref_squeeze %dma_start3A_328 : memref<1x!tpu.dma_semaphore, #tpu.memory_space<semaphore_mem>> -> memref<!tpu.dma_semaphore, #tpu.memory_space<semaphore_mem>>
    tpu.enqueue_indirect_dma source(%dma_start3A_327 : memref<1000000x32xf32, #tpu.memory_space<hbm>>) target(%dma_start3A_321 : memref<1280x32xf32, #tpu.memory_space<vmem>>) offsets(%dma_start3A_324 : memref<1280xi32, #tpu.memory_space<vmem>>) semaphore(%dma_start3A_329 : memref<!tpu.dma_semaphore, #tpu.memory_space<semaphore_mem>>)
    %dma_wait3A_330 = arith.constant 1 : i32
    %dma_wait3A_331 = arith.constant 1 : i32
    %dma_wait3A_332 = arith.constant 1 : i32
    %dma_wait3A_333 = arith.constant 0 : i32
    %dma_wait3A_334 = arith.constant 0 : i32
    %dma_wait3A_335 = tpu.memref_slice %arg6[%dma_wait3A_331, %dma_wait3A_333, %dma_wait3A_334] : memref<3x1280x32xf32, #tpu.memory_space<vmem>> -> memref<1x1280x32xf32, #tpu.memory_space<vmem>>
    %dma_wait3A_336 = tpu.memref_squeeze %dma_wait3A_335 : memref<1x1280x32xf32, #tpu.memory_space<vmem>> -> memref<1280x32xf32, #tpu.memory_space<vmem>>
    %dma_wait3A_337 = arith.constant 0 : i32
    %dma_wait3A_338 = tpu.memref_slice %arg5[%dma_wait3A_330, %dma_wait3A_337] : memref<3x1280xi32, #tpu.memory_space<vmem>> -> memref<1x1280xi32, #tpu.memory_space<vmem>>
    %dma_wait3A_339 = tpu.memref_squeeze %dma_wait3A_338 : memref<1x1280xi32, #tpu.memory_space<vmem>> -> memref<1280xi32, #tpu.memory_space<vmem>>
    %dma_wait3A_340 = arith.constant 0 : i32
    %dma_wait3A_341 = arith.constant 0 : i32
    %dma_wait3A_342 = tpu.memref_slice %arg3[%dma_wait3A_340, %dma_wait3A_341] : memref<1000000x32xf32, #tpu.memory_space<hbm>> -> memref<1000000x32xf32, #tpu.memory_space<hbm>>
    %dma_wait3A_343 = tpu.memref_slice %arg7[%dma_wait3A_332] : memref<3x!tpu.dma_semaphore, #tpu.memory_space<semaphore_mem>> -> memref<1x!tpu.dma_semaphore, #tpu.memory_space<semaphore_mem>>
    %dma_wait3A_344 = tpu.memref_squeeze %dma_wait3A_343 : memref<1x!tpu.dma_semaphore, #tpu.memory_space<semaphore_mem>> -> memref<!tpu.dma_semaphore, #tpu.memory_space<semaphore_mem>>
    tpu.wait_indirect_dma semaphore(%dma_wait3A_344 : memref<!tpu.dma_semaphore, #tpu.memory_space<semaphore_mem>>) src(%dma_wait3A_342 : memref<1000000x32xf32, #tpu.memory_space<hbm>>) dst(%dma_wait3A_336 : memref<1280x32xf32, #tpu.memory_space<vmem>>)
    %add3A_345 = arith.constant 5120 : i32
    %add3A_346 = arith.addi %mul3A_2, %add3A_345 : i32
    %dma_start3A_347 = arith.constant 1 : i32
    %dma_start3A_348 = arith.constant 1 : i32
    %dma_start3A_349 = arith.constant 0 : i32
    %dma_start3A_350 = arith.constant 0 : i32
    %dma_start3A_351 = tpu.memref_slice %arg6[%dma_start3A_347, %dma_start3A_349, %dma_start3A_350] : memref<3x1280x32xf32, #tpu.memory_space<vmem>> -> memref<1x1280x32xf32, #tpu.memory_space<vmem>>
    %dma_start3A_352 = tpu.memref_squeeze %dma_start3A_351 : memref<1x1280x32xf32, #tpu.memory_space<vmem>> -> memref<1280x32xf32, #tpu.memory_space<vmem>>
    %dma_start3A_353 = arith.constant 0 : i32
    %dma_start3A_354 = tpu.memref_slice %arg4[%add3A_346, %dma_start3A_353] : memref<819200x32xf32, #tpu.memory_space<hbm>> -> memref<1280x32xf32, #tpu.memory_space<hbm>>
    %dma_start3A_355 = tpu.memref_slice %arg8[%dma_start3A_348] : memref<3x!tpu.dma_semaphore, #tpu.memory_space<semaphore_mem>> -> memref<1x!tpu.dma_semaphore, #tpu.memory_space<semaphore_mem>>
    %dma_start3A_356 = tpu.memref_squeeze %dma_start3A_355 : memref<1x!tpu.dma_semaphore, #tpu.memory_space<semaphore_mem>> -> memref<!tpu.dma_semaphore, #tpu.memory_space<semaphore_mem>>
    %dma_start3A_357 = arith.constant 0 : i32
    %dma_start3A_358 = tpu.memref_slice %arg4[%add3A_346, %dma_start3A_357] : memref<819200x32xf32, #tpu.memory_space<hbm>> -> memref<1280x32xf32, #tpu.memory_space<hbm>>
    %dma_start3A_359 = arith.constant 0 : i32
    %dma_start3A_360 = arith.constant 0 : i32
    %dma_start3A_361 = tpu.memref_slice %arg6[%dma_start3A_347, %dma_start3A_359, %dma_start3A_360] : memref<3x1280x32xf32, #tpu.memory_space<vmem>> -> memref<1x1280x32xf32, #tpu.memory_space<vmem>>
    %dma_start3A_362 = tpu.memref_squeeze %dma_start3A_361 : memref<1x1280x32xf32, #tpu.memory_space<vmem>> -> memref<1280x32xf32, #tpu.memory_space<vmem>>
    tpu.enqueue_dma source(%dma_start3A_362 : memref<1280x32xf32, #tpu.memory_space<vmem>>) target(%dma_start3A_358 : memref<1280x32xf32, #tpu.memory_space<hbm>>) target_semaphore(%dma_start3A_356 : memref<!tpu.dma_semaphore, #tpu.memory_space<semaphore_mem>>)
    %add3A_363 = arith.constant 5120 : i32
    %add3A_364 = arith.addi %mul3A_2, %add3A_363 : i32
    %dma_wait3A_365 = arith.constant 1 : i32
    %dma_wait3A_366 = arith.constant 1 : i32
    %dma_wait3A_367 = arith.constant 0 : i32
    %dma_wait3A_368 = arith.constant 0 : i32
    %dma_wait3A_369 = tpu.memref_slice %arg6[%dma_wait3A_365, %dma_wait3A_367, %dma_wait3A_368] : memref<3x1280x32xf32, #tpu.memory_space<vmem>> -> memref<1x1280x32xf32, #tpu.memory_space<vmem>>
    %dma_wait3A_370 = tpu.memref_squeeze %dma_wait3A_369 : memref<1x1280x32xf32, #tpu.memory_space<vmem>> -> memref<1280x32xf32, #tpu.memory_space<vmem>>
    %dma_wait3A_371 = arith.constant 0 : i32
    %dma_wait3A_372 = tpu.memref_slice %arg4[%add3A_364, %dma_wait3A_371] : memref<819200x32xf32, #tpu.memory_space<hbm>> -> memref<1280x32xf32, #tpu.memory_space<hbm>>
    %dma_wait3A_373 = tpu.memref_slice %arg8[%dma_wait3A_366] : memref<3x!tpu.dma_semaphore, #tpu.memory_space<semaphore_mem>> -> memref<1x!tpu.dma_semaphore, #tpu.memory_space<semaphore_mem>>
    %dma_wait3A_374 = tpu.memref_squeeze %dma_wait3A_373 : memref<1x!tpu.dma_semaphore, #tpu.memory_space<semaphore_mem>> -> memref<!tpu.dma_semaphore, #tpu.memory_space<semaphore_mem>>
    %dma_wait3A_375 = arith.constant 0 : i32
    %dma_wait3A_376 = tpu.memref_slice %arg4[%add3A_364, %dma_wait3A_375] : memref<819200x32xf32, #tpu.memory_space<hbm>> -> memref<1280x32xf32, #tpu.memory_space<hbm>>
    %dma_wait3A_377 = arith.constant 0 : i32
    %dma_wait3A_378 = arith.constant 0 : i32
    %dma_wait3A_379 = tpu.memref_slice %arg6[%dma_wait3A_365, %dma_wait3A_377, %dma_wait3A_378] : memref<3x1280x32xf32, #tpu.memory_space<vmem>> -> memref<1x1280x32xf32, #tpu.memory_space<vmem>>
    %dma_wait3A_380 = tpu.memref_squeeze %dma_wait3A_379 : memref<1x1280x32xf32, #tpu.memory_space<vmem>> -> memref<1280x32xf32, #tpu.memory_space<vmem>>
    tpu.wait_dma2 semaphore(%dma_wait3A_374 : memref<!tpu.dma_semaphore, #tpu.memory_space<semaphore_mem>>) src(%dma_wait3A_380 : memref<1280x32xf32, #tpu.memory_space<vmem>>) dst(%dma_wait3A_376 : memref<1280x32xf32, #tpu.memory_space<hbm>>)
    %add3A_381 = arith.constant 8960 : i32
    %add3A_382 = arith.addi %mul3A_2, %add3A_381 : i32
    %run_scoped3A_383 = arith.constant 1 : i32
    "tpu.region"() ({
      %run_scoped3A_1380 = tpu.sem_alloc : memref<!tpu.dma_semaphore, #tpu.memory_space<semaphore_mem>>
      %dma_start3A_1381 = arith.constant 0 : i32
      %dma_start3A_1382 = tpu.memref_slice %arg5[%run_scoped3A_383, %dma_start3A_1381] : memref<3x1280xi32, #tpu.memory_space<vmem>> -> memref<1x1280xi32, #tpu.memory_space<vmem>>
      %dma_start3A_1383 = tpu.memref_squeeze %dma_start3A_1382 : memref<1x1280xi32, #tpu.memory_space<vmem>> -> memref<1280xi32, #tpu.memory_space<vmem>>
      %dma_start3A_1384 = tpu.memref_slice %arg2[%add3A_382] : memref<819200xi32, #tpu.memory_space<hbm>> -> memref<1280xi32, #tpu.memory_space<hbm>>
      %dma_start3A_1385 = arith.constant 0 : i32
      %dma_start3A_1386 = tpu.memref_slice %arg5[%run_scoped3A_383, %dma_start3A_1385] : memref<3x1280xi32, #tpu.memory_space<vmem>> -> memref<1x1280xi32, #tpu.memory_space<vmem>>
      %dma_start3A_1387 = tpu.memref_squeeze %dma_start3A_1386 : memref<1x1280xi32, #tpu.memory_space<vmem>> -> memref<1280xi32, #tpu.memory_space<vmem>>
      %dma_start3A_1388 = tpu.memref_slice %arg2[%add3A_382] : memref<819200xi32, #tpu.memory_space<hbm>> -> memref<1280xi32, #tpu.memory_space<hbm>>
      tpu.enqueue_dma source(%dma_start3A_1388 : memref<1280xi32, #tpu.memory_space<hbm>>) target(%dma_start3A_1387 : memref<1280xi32, #tpu.memory_space<vmem>>) target_semaphore(%run_scoped3A_1380 : memref<!tpu.dma_semaphore, #tpu.memory_space<semaphore_mem>>)
      %dma_wait3A_1389 = arith.constant 0 : i32
      %dma_wait3A_1390 = tpu.memref_slice %arg5[%run_scoped3A_383, %dma_wait3A_1389] : memref<3x1280xi32, #tpu.memory_space<vmem>> -> memref<1x1280xi32, #tpu.memory_space<vmem>>
      %dma_wait3A_1391 = tpu.memref_squeeze %dma_wait3A_1390 : memref<1x1280xi32, #tpu.memory_space<vmem>> -> memref<1280xi32, #tpu.memory_space<vmem>>
      %dma_wait3A_1392 = tpu.memref_slice %arg2[%add3A_382] : memref<819200xi32, #tpu.memory_space<hbm>> -> memref<1280xi32, #tpu.memory_space<hbm>>
      %dma_wait3A_1393 = arith.constant 0 : i32
      %dma_wait3A_1394 = tpu.memref_slice %arg5[%run_scoped3A_383, %dma_wait3A_1393] : memref<3x1280xi32, #tpu.memory_space<vmem>> -> memref<1x1280xi32, #tpu.memory_space<vmem>>
      %dma_wait3A_1395 = tpu.memref_squeeze %dma_wait3A_1394 : memref<1x1280xi32, #tpu.memory_space<vmem>> -> memref<1280xi32, #tpu.memory_space<vmem>>
      %dma_wait3A_1396 = tpu.memref_slice %arg2[%add3A_382] : memref<819200xi32, #tpu.memory_space<hbm>> -> memref<1280xi32, #tpu.memory_space<hbm>>
      tpu.wait_dma2 semaphore(%run_scoped3A_1380 : memref<!tpu.dma_semaphore, #tpu.memory_space<semaphore_mem>>) src(%dma_wait3A_1396 : memref<1280xi32, #tpu.memory_space<hbm>>) dst(%dma_wait3A_1395 : memref<1280xi32, #tpu.memory_space<vmem>>)
      tpu.yield
    }) : () -> ()
    %dma_start3A_384 = arith.constant 1 : i32
    %dma_start3A_385 = arith.constant 1 : i32
    %dma_start3A_386 = arith.constant 1 : i32
    %dma_start3A_387 = arith.constant 0 : i32
    %dma_start3A_388 = arith.constant 0 : i32
    %dma_start3A_389 = tpu.memref_slice %arg6[%dma_start3A_385, %dma_start3A_387, %dma_start3A_388] : memref<3x1280x32xf32, #tpu.memory_space<vmem>> -> memref<1x1280x32xf32, #tpu.memory_space<vmem>>
    %dma_start3A_390 = tpu.memref_squeeze %dma_start3A_389 : memref<1x1280x32xf32, #tpu.memory_space<vmem>> -> memref<1280x32xf32, #tpu.memory_space<vmem>>
    %dma_start3A_391 = arith.constant 0 : i32
    %dma_start3A_392 = tpu.memref_slice %arg5[%dma_start3A_384, %dma_start3A_391] : memref<3x1280xi32, #tpu.memory_space<vmem>> -> memref<1x1280xi32, #tpu.memory_space<vmem>>
    %dma_start3A_393 = tpu.memref_squeeze %dma_start3A_392 : memref<1x1280xi32, #tpu.memory_space<vmem>> -> memref<1280xi32, #tpu.memory_space<vmem>>
    %dma_start3A_394 = arith.constant 0 : i32
    %dma_start3A_395 = arith.constant 0 : i32
    %dma_start3A_396 = tpu.memref_slice %arg3[%dma_start3A_394, %dma_start3A_395] : memref<1000000x32xf32, #tpu.memory_space<hbm>> -> memref<1000000x32xf32, #tpu.memory_space<hbm>>
    %dma_start3A_397 = tpu.memref_slice %arg7[%dma_start3A_386] : memref<3x!tpu.dma_semaphore, #tpu.memory_space<semaphore_mem>> -> memref<1x!tpu.dma_semaphore, #tpu.memory_space<semaphore_mem>>
    %dma_start3A_398 = tpu.memref_squeeze %dma_start3A_397 : memref<1x!tpu.dma_semaphore, #tpu.memory_space<semaphore_mem>> -> memref<!tpu.dma_semaphore, #tpu.memory_space<semaphore_mem>>
    tpu.enqueue_indirect_dma source(%dma_start3A_396 : memref<1000000x32xf32, #tpu.memory_space<hbm>>) target(%dma_start3A_390 : memref<1280x32xf32, #tpu.memory_space<vmem>>) offsets(%dma_start3A_393 : memref<1280xi32, #tpu.memory_space<vmem>>) semaphore(%dma_start3A_398 : memref<!tpu.dma_semaphore, #tpu.memory_space<semaphore_mem>>)
    %dma_wait3A_399 = arith.constant 2 : i32
    %dma_wait3A_400 = arith.constant 2 : i32
    %dma_wait3A_401 = arith.constant 2 : i32
    %dma_wait3A_402 = arith.constant 0 : i32
    %dma_wait3A_403 = arith.constant 0 : i32
    %dma_wait3A_404 = tpu.memref_slice %arg6[%dma_wait3A_400, %dma_wait3A_402, %dma_wait3A_403] : memref<3x1280x32xf32, #tpu.memory_space<vmem>> -> memref<1x1280x32xf32, #tpu.memory_space<vmem>>
    %dma_wait3A_405 = tpu.memref_squeeze %dma_wait3A_404 : memref<1x1280x32xf32, #tpu.memory_space<vmem>> -> memref<1280x32xf32, #tpu.memory_space<vmem>>
    %dma_wait3A_406 = arith.constant 0 : i32
    %dma_wait3A_407 = tpu.memref_slice %arg5[%dma_wait3A_399, %dma_wait3A_406] : memref<3x1280xi32, #tpu.memory_space<vmem>> -> memref<1x1280xi32, #tpu.memory_space<vmem>>
    %dma_wait3A_408 = tpu.memref_squeeze %dma_wait3A_407 : memref<1x1280xi32, #tpu.memory_space<vmem>> -> memref<1280xi32, #tpu.memory_space<vmem>>
    %dma_wait3A_409 = arith.constant 0 : i32
    %dma_wait3A_410 = arith.constant 0 : i32
    %dma_wait3A_411 = tpu.memref_slice %arg3[%dma_wait3A_409, %dma_wait3A_410] : memref<1000000x32xf32, #tpu.memory_space<hbm>> -> memref<1000000x32xf32, #tpu.memory_space<hbm>>
    %dma_wait3A_412 = tpu.memref_slice %arg7[%dma_wait3A_401] : memref<3x!tpu.dma_semaphore, #tpu.memory_space<semaphore_mem>> -> memref<1x!tpu.dma_semaphore, #tpu.memory_space<semaphore_mem>>
    %dma_wait3A_413 = tpu.memref_squeeze %dma_wait3A_412 : memref<1x!tpu.dma_semaphore, #tpu.memory_space<semaphore_mem>> -> memref<!tpu.dma_semaphore, #tpu.memory_space<semaphore_mem>>
    tpu.wait_indirect_dma semaphore(%dma_wait3A_413 : memref<!tpu.dma_semaphore, #tpu.memory_space<semaphore_mem>>) src(%dma_wait3A_411 : memref<1000000x32xf32, #tpu.memory_space<hbm>>) dst(%dma_wait3A_405 : memref<1280x32xf32, #tpu.memory_space<vmem>>)
    %add3A_414 = arith.constant 6400 : i32
    %add3A_415 = arith.addi %mul3A_2, %add3A_414 : i32
    %dma_start3A_416 = arith.constant 2 : i32
    %dma_start3A_417 = arith.constant 2 : i32
    %dma_start3A_418 = arith.constant 0 : i32
    %dma_start3A_419 = arith.constant 0 : i32
    %dma_start3A_420 = tpu.memref_slice %arg6[%dma_start3A_416, %dma_start3A_418, %dma_start3A_419] : memref<3x1280x32xf32, #tpu.memory_space<vmem>> -> memref<1x1280x32xf32, #tpu.memory_space<vmem>>
    %dma_start3A_421 = tpu.memref_squeeze %dma_start3A_420 : memref<1x1280x32xf32, #tpu.memory_space<vmem>> -> memref<1280x32xf32, #tpu.memory_space<vmem>>
    %dma_start3A_422 = arith.constant 0 : i32
    %dma_start3A_423 = tpu.memref_slice %arg4[%add3A_415, %dma_start3A_422] : memref<819200x32xf32, #tpu.memory_space<hbm>> -> memref<1280x32xf32, #tpu.memory_space<hbm>>
    %dma_start3A_424 = tpu.memref_slice %arg8[%dma_start3A_417] : memref<3x!tpu.dma_semaphore, #tpu.memory_space<semaphore_mem>> -> memref<1x!tpu.dma_semaphore, #tpu.memory_space<semaphore_mem>>
    %dma_start3A_425 = tpu.memref_squeeze %dma_start3A_424 : memref<1x!tpu.dma_semaphore, #tpu.memory_space<semaphore_mem>> -> memref<!tpu.dma_semaphore, #tpu.memory_space<semaphore_mem>>
    %dma_start3A_426 = arith.constant 0 : i32
    %dma_start3A_427 = tpu.memref_slice %arg4[%add3A_415, %dma_start3A_426] : memref<819200x32xf32, #tpu.memory_space<hbm>> -> memref<1280x32xf32, #tpu.memory_space<hbm>>
    %dma_start3A_428 = arith.constant 0 : i32
    %dma_start3A_429 = arith.constant 0 : i32
    %dma_start3A_430 = tpu.memref_slice %arg6[%dma_start3A_416, %dma_start3A_428, %dma_start3A_429] : memref<3x1280x32xf32, #tpu.memory_space<vmem>> -> memref<1x1280x32xf32, #tpu.memory_space<vmem>>
    %dma_start3A_431 = tpu.memref_squeeze %dma_start3A_430 : memref<1x1280x32xf32, #tpu.memory_space<vmem>> -> memref<1280x32xf32, #tpu.memory_space<vmem>>
    tpu.enqueue_dma source(%dma_start3A_431 : memref<1280x32xf32, #tpu.memory_space<vmem>>) target(%dma_start3A_427 : memref<1280x32xf32, #tpu.memory_space<hbm>>) target_semaphore(%dma_start3A_425 : memref<!tpu.dma_semaphore, #tpu.memory_space<semaphore_mem>>)
    %add3A_432 = arith.constant 6400 : i32
    %add3A_433 = arith.addi %mul3A_2, %add3A_432 : i32
    %dma_wait3A_434 = arith.constant 2 : i32
    %dma_wait3A_435 = arith.constant 2 : i32
    %dma_wait3A_436 = arith.constant 0 : i32
    %dma_wait3A_437 = arith.constant 0 : i32
    %dma_wait3A_438 = tpu.memref_slice %arg6[%dma_wait3A_434, %dma_wait3A_436, %dma_wait3A_437] : memref<3x1280x32xf32, #tpu.memory_space<vmem>> -> memref<1x1280x32xf32, #tpu.memory_space<vmem>>
    %dma_wait3A_439 = tpu.memref_squeeze %dma_wait3A_438 : memref<1x1280x32xf32, #tpu.memory_space<vmem>> -> memref<1280x32xf32, #tpu.memory_space<vmem>>
    %dma_wait3A_440 = arith.constant 0 : i32
    %dma_wait3A_441 = tpu.memref_slice %arg4[%add3A_433, %dma_wait3A_440] : memref<819200x32xf32, #tpu.memory_space<hbm>> -> memref<1280x32xf32, #tpu.memory_space<hbm>>
    %dma_wait3A_442 = tpu.memref_slice %arg8[%dma_wait3A_435] : memref<3x!tpu.dma_semaphore, #tpu.memory_space<semaphore_mem>> -> memref<1x!tpu.dma_semaphore, #tpu.memory_space<semaphore_mem>>
    %dma_wait3A_443 = tpu.memref_squeeze %dma_wait3A_442 : memref<1x!tpu.dma_semaphore, #tpu.memory_space<semaphore_mem>> -> memref<!tpu.dma_semaphore, #tpu.memory_space<semaphore_mem>>
    %dma_wait3A_444 = arith.constant 0 : i32
    %dma_wait3A_445 = tpu.memref_slice %arg4[%add3A_433, %dma_wait3A_444] : memref<819200x32xf32, #tpu.memory_space<hbm>> -> memref<1280x32xf32, #tpu.memory_space<hbm>>
    %dma_wait3A_446 = arith.constant 0 : i32
    %dma_wait3A_447 = arith.constant 0 : i32
    %dma_wait3A_448 = tpu.memref_slice %arg6[%dma_wait3A_434, %dma_wait3A_446, %dma_wait3A_447] : memref<3x1280x32xf32, #tpu.memory_space<vmem>> -> memref<1x1280x32xf32, #tpu.memory_space<vmem>>
    %dma_wait3A_449 = tpu.memref_squeeze %dma_wait3A_448 : memref<1x1280x32xf32, #tpu.memory_space<vmem>> -> memref<1280x32xf32, #tpu.memory_space<vmem>>
    tpu.wait_dma2 semaphore(%dma_wait3A_443 : memref<!tpu.dma_semaphore, #tpu.memory_space<semaphore_mem>>) src(%dma_wait3A_449 : memref<1280x32xf32, #tpu.memory_space<vmem>>) dst(%dma_wait3A_445 : memref<1280x32xf32, #tpu.memory_space<hbm>>)
    %add3A_450 = arith.constant 10240 : i32
    %add3A_451 = arith.addi %mul3A_2, %add3A_450 : i32
    %run_scoped3A_452 = arith.constant 2 : i32
    "tpu.region"() ({
      %run_scoped3A_1380 = tpu.sem_alloc : memref<!tpu.dma_semaphore, #tpu.memory_space<semaphore_mem>>
      %dma_start3A_1381 = arith.constant 0 : i32
      %dma_start3A_1382 = tpu.memref_slice %arg5[%run_scoped3A_452, %dma_start3A_1381] : memref<3x1280xi32, #tpu.memory_space<vmem>> -> memref<1x1280xi32, #tpu.memory_space<vmem>>
      %dma_start3A_1383 = tpu.memref_squeeze %dma_start3A_1382 : memref<1x1280xi32, #tpu.memory_space<vmem>> -> memref<1280xi32, #tpu.memory_space<vmem>>
      %dma_start3A_1384 = tpu.memref_slice %arg2[%add3A_451] : memref<819200xi32, #tpu.memory_space<hbm>> -> memref<1280xi32, #tpu.memory_space<hbm>>
      %dma_start3A_1385 = arith.constant 0 : i32
      %dma_start3A_1386 = tpu.memref_slice %arg5[%run_scoped3A_452, %dma_start3A_1385] : memref<3x1280xi32, #tpu.memory_space<vmem>> -> memref<1x1280xi32, #tpu.memory_space<vmem>>
      %dma_start3A_1387 = tpu.memref_squeeze %dma_start3A_1386 : memref<1x1280xi32, #tpu.memory_space<vmem>> -> memref<1280xi32, #tpu.memory_space<vmem>>
      %dma_start3A_1388 = tpu.memref_slice %arg2[%add3A_451] : memref<819200xi32, #tpu.memory_space<hbm>> -> memref<1280xi32, #tpu.memory_space<hbm>>
      tpu.enqueue_dma source(%dma_start3A_1388 : memref<1280xi32, #tpu.memory_space<hbm>>) target(%dma_start3A_1387 : memref<1280xi32, #tpu.memory_space<vmem>>) target_semaphore(%run_scoped3A_1380 : memref<!tpu.dma_semaphore, #tpu.memory_space<semaphore_mem>>)
      %dma_wait3A_1389 = arith.constant 0 : i32
      %dma_wait3A_1390 = tpu.memref_slice %arg5[%run_scoped3A_452, %dma_wait3A_1389] : memref<3x1280xi32, #tpu.memory_space<vmem>> -> memref<1x1280xi32, #tpu.memory_space<vmem>>
      %dma_wait3A_1391 = tpu.memref_squeeze %dma_wait3A_1390 : memref<1x1280xi32, #tpu.memory_space<vmem>> -> memref<1280xi32, #tpu.memory_space<vmem>>
      %dma_wait3A_1392 = tpu.memref_slice %arg2[%add3A_451] : memref<819200xi32, #tpu.memory_space<hbm>> -> memref<1280xi32, #tpu.memory_space<hbm>>
      %dma_wait3A_1393 = arith.constant 0 : i32
      %dma_wait3A_1394 = tpu.memref_slice %arg5[%run_scoped3A_452, %dma_wait3A_1393] : memref<3x1280xi32, #tpu.memory_space<vmem>> -> memref<1x1280xi32, #tpu.memory_space<vmem>>
      %dma_wait3A_1395 = tpu.memref_squeeze %dma_wait3A_1394 : memref<1x1280xi32, #tpu.memory_space<vmem>> -> memref<1280xi32, #tpu.memory_space<vmem>>
      %dma_wait3A_1396 = tpu.memref_slice %arg2[%add3A_451] : memref<819200xi32, #tpu.memory_space<hbm>> -> memref<1280xi32, #tpu.memory_space<hbm>>
      tpu.wait_dma2 semaphore(%run_scoped3A_1380 : memref<!tpu.dma_semaphore, #tpu.memory_space<semaphore_mem>>) src(%dma_wait3A_1396 : memref<1280xi32, #tpu.memory_space<hbm>>) dst(%dma_wait3A_1395 : memref<1280xi32, #tpu.memory_space<vmem>>)
      tpu.yield
    }) : () -> ()
    %dma_start3A_453 = arith.constant 2 : i32
    %dma_start3A_454 = arith.constant 2 : i32
    %dma_start3A_455 = arith.constant 2 : i32
    %dma_start3A_456 = arith.constant 0 : i32
    %dma_start3A_457 = arith.constant 0 : i32
    %dma_start3A_458 = tpu.memref_slice %arg6[%dma_start3A_454, %dma_start3A_456, %dma_start3A_457] : memref<3x1280x32xf32, #tpu.memory_space<vmem>> -> memref<1x1280x32xf32, #tpu.memory_space<vmem>>
    %dma_start3A_459 = tpu.memref_squeeze %dma_start3A_458 : memref<1x1280x32xf32, #tpu.memory_space<vmem>> -> memref<1280x32xf32, #tpu.memory_space<vmem>>
    %dma_start3A_460 = arith.constant 0 : i32
    %dma_start3A_461 = tpu.memref_slice %arg5[%dma_start3A_453, %dma_start3A_460] : memref<3x1280xi32, #tpu.memory_space<vmem>> -> memref<1x1280xi32, #tpu.memory_space<vmem>>
    %dma_start3A_462 = tpu.memref_squeeze %dma_start3A_461 : memref<1x1280xi32, #tpu.memory_space<vmem>> -> memref<1280xi32, #tpu.memory_space<vmem>>
    %dma_start3A_463 = arith.constant 0 : i32
    %dma_start3A_464 = arith.constant 0 : i32
    %dma_start3A_465 = tpu.memref_slice %arg3[%dma_start3A_463, %dma_start3A_464] : memref<1000000x32xf32, #tpu.memory_space<hbm>> -> memref<1000000x32xf32, #tpu.memory_space<hbm>>
    %dma_start3A_466 = tpu.memref_slice %arg7[%dma_start3A_455] : memref<3x!tpu.dma_semaphore, #tpu.memory_space<semaphore_mem>> -> memref<1x!tpu.dma_semaphore, #tpu.memory_space<semaphore_mem>>
    %dma_start3A_467 = tpu.memref_squeeze %dma_start3A_466 : memref<1x!tpu.dma_semaphore, #tpu.memory_space<semaphore_mem>> -> memref<!tpu.dma_semaphore, #tpu.memory_space<semaphore_mem>>
    tpu.enqueue_indirect_dma source(%dma_start3A_465 : memref<1000000x32xf32, #tpu.memory_space<hbm>>) target(%dma_start3A_459 : memref<1280x32xf32, #tpu.memory_space<vmem>>) offsets(%dma_start3A_462 : memref<1280xi32, #tpu.memory_space<vmem>>) semaphore(%dma_start3A_467 : memref<!tpu.dma_semaphore, #tpu.memory_space<semaphore_mem>>)
    %dma_wait3A_468 = arith.constant 0 : i32
    %dma_wait3A_469 = arith.constant 0 : i32
    %dma_wait3A_470 = arith.constant 0 : i32
    %dma_wait3A_471 = arith.constant 0 : i32
    %dma_wait3A_472 = arith.constant 0 : i32
    %dma_wait3A_473 = tpu.memref_slice %arg6[%dma_wait3A_469, %dma_wait3A_471, %dma_wait3A_472] : memref<3x1280x32xf32, #tpu.memory_space<vmem>> -> memref<1x1280x32xf32, #tpu.memory_space<vmem>>
    %dma_wait3A_474 = tpu.memref_squeeze %dma_wait3A_473 : memref<1x1280x32xf32, #tpu.memory_space<vmem>> -> memref<1280x32xf32, #tpu.memory_space<vmem>>
    %dma_wait3A_475 = arith.constant 0 : i32
    %dma_wait3A_476 = tpu.memref_slice %arg5[%dma_wait3A_468, %dma_wait3A_475] : memref<3x1280xi32, #tpu.memory_space<vmem>> -> memref<1x1280xi32, #tpu.memory_space<vmem>>
    %dma_wait3A_477 = tpu.memref_squeeze %dma_wait3A_476 : memref<1x1280xi32, #tpu.memory_space<vmem>> -> memref<1280xi32, #tpu.memory_space<vmem>>
    %dma_wait3A_478 = arith.constant 0 : i32
    %dma_wait3A_479 = arith.constant 0 : i32
    %dma_wait3A_480 = tpu.memref_slice %arg3[%dma_wait3A_478, %dma_wait3A_479] : memref<1000000x32xf32, #tpu.memory_space<hbm>> -> memref<1000000x32xf32, #tpu.memory_space<hbm>>
    %dma_wait3A_481 = tpu.memref_slice %arg7[%dma_wait3A_470] : memref<3x!tpu.dma_semaphore, #tpu.memory_space<semaphore_mem>> -> memref<1x!tpu.dma_semaphore, #tpu.memory_space<semaphore_mem>>
    %dma_wait3A_482 = tpu.memref_squeeze %dma_wait3A_481 : memref<1x!tpu.dma_semaphore, #tpu.memory_space<semaphore_mem>> -> memref<!tpu.dma_semaphore, #tpu.memory_space<semaphore_mem>>
    tpu.wait_indirect_dma semaphore(%dma_wait3A_482 : memref<!tpu.dma_semaphore, #tpu.memory_space<semaphore_mem>>) src(%dma_wait3A_480 : memref<1000000x32xf32, #tpu.memory_space<hbm>>) dst(%dma_wait3A_474 : memref<1280x32xf32, #tpu.memory_space<vmem>>)
    %add3A_483 = arith.constant 7680 : i32
    %add3A_484 = arith.addi %mul3A_2, %add3A_483 : i32
    %dma_start3A_485 = arith.constant 0 : i32
    %dma_start3A_486 = arith.constant 0 : i32
    %dma_start3A_487 = arith.constant 0 : i32
    %dma_start3A_488 = arith.constant 0 : i32
    %dma_start3A_489 = tpu.memref_slice %arg6[%dma_start3A_485, %dma_start3A_487, %dma_start3A_488] : memref<3x1280x32xf32, #tpu.memory_space<vmem>> -> memref<1x1280x32xf32, #tpu.memory_space<vmem>>
    %dma_start3A_490 = tpu.memref_squeeze %dma_start3A_489 : memref<1x1280x32xf32, #tpu.memory_space<vmem>> -> memref<1280x32xf32, #tpu.memory_space<vmem>>
    %dma_start3A_491 = arith.constant 0 : i32
    %dma_start3A_492 = tpu.memref_slice %arg4[%add3A_484, %dma_start3A_491] : memref<819200x32xf32, #tpu.memory_space<hbm>> -> memref<1280x32xf32, #tpu.memory_space<hbm>>
    %dma_start3A_493 = tpu.memref_slice %arg8[%dma_start3A_486] : memref<3x!tpu.dma_semaphore, #tpu.memory_space<semaphore_mem>> -> memref<1x!tpu.dma_semaphore, #tpu.memory_space<semaphore_mem>>
    %dma_start3A_494 = tpu.memref_squeeze %dma_start3A_493 : memref<1x!tpu.dma_semaphore, #tpu.memory_space<semaphore_mem>> -> memref<!tpu.dma_semaphore, #tpu.memory_space<semaphore_mem>>
    %dma_start3A_495 = arith.constant 0 : i32
    %dma_start3A_496 = tpu.memref_slice %arg4[%add3A_484, %dma_start3A_495] : memref<819200x32xf32, #tpu.memory_space<hbm>> -> memref<1280x32xf32, #tpu.memory_space<hbm>>
    %dma_start3A_497 = arith.constant 0 : i32
    %dma_start3A_498 = arith.constant 0 : i32
    %dma_start3A_499 = tpu.memref_slice %arg6[%dma_start3A_485, %dma_start3A_497, %dma_start3A_498] : memref<3x1280x32xf32, #tpu.memory_space<vmem>> -> memref<1x1280x32xf32, #tpu.memory_space<vmem>>
    %dma_start3A_500 = tpu.memref_squeeze %dma_start3A_499 : memref<1x1280x32xf32, #tpu.memory_space<vmem>> -> memref<1280x32xf32, #tpu.memory_space<vmem>>
    tpu.enqueue_dma source(%dma_start3A_500 : memref<1280x32xf32, #tpu.memory_space<vmem>>) target(%dma_start3A_496 : memref<1280x32xf32, #tpu.memory_space<hbm>>) target_semaphore(%dma_start3A_494 : memref<!tpu.dma_semaphore, #tpu.memory_space<semaphore_mem>>)
    %add3A_501 = arith.constant 7680 : i32
    %add3A_502 = arith.addi %mul3A_2, %add3A_501 : i32
    %dma_wait3A_503 = arith.constant 0 : i32
    %dma_wait3A_504 = arith.constant 0 : i32
    %dma_wait3A_505 = arith.constant 0 : i32
    %dma_wait3A_506 = arith.constant 0 : i32
    %dma_wait3A_507 = tpu.memref_slice %arg6[%dma_wait3A_503, %dma_wait3A_505, %dma_wait3A_506] : memref<3x1280x32xf32, #tpu.memory_space<vmem>> -> memref<1x1280x32xf32, #tpu.memory_space<vmem>>
    %dma_wait3A_508 = tpu.memref_squeeze %dma_wait3A_507 : memref<1x1280x32xf32, #tpu.memory_space<vmem>> -> memref<1280x32xf32, #tpu.memory_space<vmem>>
    %dma_wait3A_509 = arith.constant 0 : i32
    %dma_wait3A_510 = tpu.memref_slice %arg4[%add3A_502, %dma_wait3A_509] : memref<819200x32xf32, #tpu.memory_space<hbm>> -> memref<1280x32xf32, #tpu.memory_space<hbm>>
    %dma_wait3A_511 = tpu.memref_slice %arg8[%dma_wait3A_504] : memref<3x!tpu.dma_semaphore, #tpu.memory_space<semaphore_mem>> -> memref<1x!tpu.dma_semaphore, #tpu.memory_space<semaphore_mem>>
    %dma_wait3A_512 = tpu.memref_squeeze %dma_wait3A_511 : memref<1x!tpu.dma_semaphore, #tpu.memory_space<semaphore_mem>> -> memref<!tpu.dma_semaphore, #tpu.memory_space<semaphore_mem>>
    %dma_wait3A_513 = arith.constant 0 : i32
    %dma_wait3A_514 = tpu.memref_slice %arg4[%add3A_502, %dma_wait3A_513] : memref<819200x32xf32, #tpu.memory_space<hbm>> -> memref<1280x32xf32, #tpu.memory_space<hbm>>
    %dma_wait3A_515 = arith.constant 0 : i32
    %dma_wait3A_516 = arith.constant 0 : i32
    %dma_wait3A_517 = tpu.memref_slice %arg6[%dma_wait3A_503, %dma_wait3A_515, %dma_wait3A_516] : memref<3x1280x32xf32, #tpu.memory_space<vmem>> -> memref<1x1280x32xf32, #tpu.memory_space<vmem>>
    %dma_wait3A_518 = tpu.memref_squeeze %dma_wait3A_517 : memref<1x1280x32xf32, #tpu.memory_space<vmem>> -> memref<1280x32xf32, #tpu.memory_space<vmem>>
    tpu.wait_dma2 semaphore(%dma_wait3A_512 : memref<!tpu.dma_semaphore, #tpu.memory_space<semaphore_mem>>) src(%dma_wait3A_518 : memref<1280x32xf32, #tpu.memory_space<vmem>>) dst(%dma_wait3A_514 : memref<1280x32xf32, #tpu.memory_space<hbm>>)
    %add3A_519 = arith.constant 11520 : i32
    %add3A_520 = arith.addi %mul3A_2, %add3A_519 : i32
    %run_scoped3A_521 = arith.constant 0 : i32
    "tpu.region"() ({
      %run_scoped3A_1380 = tpu.sem_alloc : memref<!tpu.dma_semaphore, #tpu.memory_space<semaphore_mem>>
      %dma_start3A_1381 = arith.constant 0 : i32
      %dma_start3A_1382 = tpu.memref_slice %arg5[%run_scoped3A_521, %dma_start3A_1381] : memref<3x1280xi32, #tpu.memory_space<vmem>> -> memref<1x1280xi32, #tpu.memory_space<vmem>>
      %dma_start3A_1383 = tpu.memref_squeeze %dma_start3A_1382 : memref<1x1280xi32, #tpu.memory_space<vmem>> -> memref<1280xi32, #tpu.memory_space<vmem>>
      %dma_start3A_1384 = tpu.memref_slice %arg2[%add3A_520] : memref<819200xi32, #tpu.memory_space<hbm>> -> memref<1280xi32, #tpu.memory_space<hbm>>
      %dma_start3A_1385 = arith.constant 0 : i32
      %dma_start3A_1386 = tpu.memref_slice %arg5[%run_scoped3A_521, %dma_start3A_1385] : memref<3x1280xi32, #tpu.memory_space<vmem>> -> memref<1x1280xi32, #tpu.memory_space<vmem>>
      %dma_start3A_1387 = tpu.memref_squeeze %dma_start3A_1386 : memref<1x1280xi32, #tpu.memory_space<vmem>> -> memref<1280xi32, #tpu.memory_space<vmem>>
      %dma_start3A_1388 = tpu.memref_slice %arg2[%add3A_520] : memref<819200xi32, #tpu.memory_space<hbm>> -> memref<1280xi32, #tpu.memory_space<hbm>>
      tpu.enqueue_dma source(%dma_start3A_1388 : memref<1280xi32, #tpu.memory_space<hbm>>) target(%dma_start3A_1387 : memref<1280xi32, #tpu.memory_space<vmem>>) target_semaphore(%run_scoped3A_1380 : memref<!tpu.dma_semaphore, #tpu.memory_space<semaphore_mem>>)
      %dma_wait3A_1389 = arith.constant 0 : i32
      %dma_wait3A_1390 = tpu.memref_slice %arg5[%run_scoped3A_521, %dma_wait3A_1389] : memref<3x1280xi32, #tpu.memory_space<vmem>> -> memref<1x1280xi32, #tpu.memory_space<vmem>>
      %dma_wait3A_1391 = tpu.memref_squeeze %dma_wait3A_1390 : memref<1x1280xi32, #tpu.memory_space<vmem>> -> memref<1280xi32, #tpu.memory_space<vmem>>
      %dma_wait3A_1392 = tpu.memref_slice %arg2[%add3A_520] : memref<819200xi32, #tpu.memory_space<hbm>> -> memref<1280xi32, #tpu.memory_space<hbm>>
      %dma_wait3A_1393 = arith.constant 0 : i32
      %dma_wait3A_1394 = tpu.memref_slice %arg5[%run_scoped3A_521, %dma_wait3A_1393] : memref<3x1280xi32, #tpu.memory_space<vmem>> -> memref<1x1280xi32, #tpu.memory_space<vmem>>
      %dma_wait3A_1395 = tpu.memref_squeeze %dma_wait3A_1394 : memref<1x1280xi32, #tpu.memory_space<vmem>> -> memref<1280xi32, #tpu.memory_space<vmem>>
      %dma_wait3A_1396 = tpu.memref_slice %arg2[%add3A_520] : memref<819200xi32, #tpu.memory_space<hbm>> -> memref<1280xi32, #tpu.memory_space<hbm>>
      tpu.wait_dma2 semaphore(%run_scoped3A_1380 : memref<!tpu.dma_semaphore, #tpu.memory_space<semaphore_mem>>) src(%dma_wait3A_1396 : memref<1280xi32, #tpu.memory_space<hbm>>) dst(%dma_wait3A_1395 : memref<1280xi32, #tpu.memory_space<vmem>>)
      tpu.yield
    }) : () -> ()
    %dma_start3A_522 = arith.constant 0 : i32
    %dma_start3A_523 = arith.constant 0 : i32
    %dma_start3A_524 = arith.constant 0 : i32
    %dma_start3A_525 = arith.constant 0 : i32
    %dma_start3A_526 = arith.constant 0 : i32
    %dma_start3A_527 = tpu.memref_slice %arg6[%dma_start3A_523, %dma_start3A_525, %dma_start3A_526] : memref<3x1280x32xf32, #tpu.memory_space<vmem>> -> memref<1x1280x32xf32, #tpu.memory_space<vmem>>
    %dma_start3A_528 = tpu.memref_squeeze %dma_start3A_527 : memref<1x1280x32xf32, #tpu.memory_space<vmem>> -> memref<1280x32xf32, #tpu.memory_space<vmem>>
    %dma_start3A_529 = arith.constant 0 : i32
    %dma_start3A_530 = tpu.memref_slice %arg5[%dma_start3A_522, %dma_start3A_529] : memref<3x1280xi32, #tpu.memory_space<vmem>> -> memref<1x1280xi32, #tpu.memory_space<vmem>>
    %dma_start3A_531 = tpu.memref_squeeze %dma_start3A_530 : memref<1x1280xi32, #tpu.memory_space<vmem>> -> memref<1280xi32, #tpu.memory_space<vmem>>
    %dma_start3A_532 = arith.constant 0 : i32
    %dma_start3A_533 = arith.constant 0 : i32
    %dma_start3A_534 = tpu.memref_slice %arg3[%dma_start3A_532, %dma_start3A_533] : memref<1000000x32xf32, #tpu.memory_space<hbm>> -> memref<1000000x32xf32, #tpu.memory_space<hbm>>
    %dma_start3A_535 = tpu.memref_slice %arg7[%dma_start3A_524] : memref<3x!tpu.dma_semaphore, #tpu.memory_space<semaphore_mem>> -> memref<1x!tpu.dma_semaphore, #tpu.memory_space<semaphore_mem>>
    %dma_start3A_536 = tpu.memref_squeeze %dma_start3A_535 : memref<1x!tpu.dma_semaphore, #tpu.memory_space<semaphore_mem>> -> memref<!tpu.dma_semaphore, #tpu.memory_space<semaphore_mem>>
    tpu.enqueue_indirect_dma source(%dma_start3A_534 : memref<1000000x32xf32, #tpu.memory_space<hbm>>) target(%dma_start3A_528 : memref<1280x32xf32, #tpu.memory_space<vmem>>) offsets(%dma_start3A_531 : memref<1280xi32, #tpu.memory_space<vmem>>) semaphore(%dma_start3A_536 : memref<!tpu.dma_semaphore, #tpu.memory_space<semaphore_mem>>)
    %dma_wait3A_537 = arith.constant 1 : i32
    %dma_wait3A_538 = arith.constant 1 : i32
    %dma_wait3A_539 = arith.constant 1 : i32
    %dma_wait3A_540 = arith.constant 0 : i32
    %dma_wait3A_541 = arith.constant 0 : i32
    %dma_wait3A_542 = tpu.memref_slice %arg6[%dma_wait3A_538, %dma_wait3A_540, %dma_wait3A_541] : memref<3x1280x32xf32, #tpu.memory_space<vmem>> -> memref<1x1280x32xf32, #tpu.memory_space<vmem>>
    %dma_wait3A_543 = tpu.memref_squeeze %dma_wait3A_542 : memref<1x1280x32xf32, #tpu.memory_space<vmem>> -> memref<1280x32xf32, #tpu.memory_space<vmem>>
    %dma_wait3A_544 = arith.constant 0 : i32
    %dma_wait3A_545 = tpu.memref_slice %arg5[%dma_wait3A_537, %dma_wait3A_544] : memref<3x1280xi32, #tpu.memory_space<vmem>> -> memref<1x1280xi32, #tpu.memory_space<vmem>>
    %dma_wait3A_546 = tpu.memref_squeeze %dma_wait3A_545 : memref<1x1280xi32, #tpu.memory_space<vmem>> -> memref<1280xi32, #tpu.memory_space<vmem>>
    %dma_wait3A_547 = arith.constant 0 : i32
    %dma_wait3A_548 = arith.constant 0 : i32
    %dma_wait3A_549 = tpu.memref_slice %arg3[%dma_wait3A_547, %dma_wait3A_548] : memref<1000000x32xf32, #tpu.memory_space<hbm>> -> memref<1000000x32xf32, #tpu.memory_space<hbm>>
    %dma_wait3A_550 = tpu.memref_slice %arg7[%dma_wait3A_539] : memref<3x!tpu.dma_semaphore, #tpu.memory_space<semaphore_mem>> -> memref<1x!tpu.dma_semaphore, #tpu.memory_space<semaphore_mem>>
    %dma_wait3A_551 = tpu.memref_squeeze %dma_wait3A_550 : memref<1x!tpu.dma_semaphore, #tpu.memory_space<semaphore_mem>> -> memref<!tpu.dma_semaphore, #tpu.memory_space<semaphore_mem>>
    tpu.wait_indirect_dma semaphore(%dma_wait3A_551 : memref<!tpu.dma_semaphore, #tpu.memory_space<semaphore_mem>>) src(%dma_wait3A_549 : memref<1000000x32xf32, #tpu.memory_space<hbm>>) dst(%dma_wait3A_543 : memref<1280x32xf32, #tpu.memory_space<vmem>>)
    %add3A_552 = arith.constant 8960 : i32
    %add3A_553 = arith.addi %mul3A_2, %add3A_552 : i32
    %dma_start3A_554 = arith.constant 1 : i32
    %dma_start3A_555 = arith.constant 1 : i32
    %dma_start3A_556 = arith.constant 0 : i32
    %dma_start3A_557 = arith.constant 0 : i32
    %dma_start3A_558 = tpu.memref_slice %arg6[%dma_start3A_554, %dma_start3A_556, %dma_start3A_557] : memref<3x1280x32xf32, #tpu.memory_space<vmem>> -> memref<1x1280x32xf32, #tpu.memory_space<vmem>>
    %dma_start3A_559 = tpu.memref_squeeze %dma_start3A_558 : memref<1x1280x32xf32, #tpu.memory_space<vmem>> -> memref<1280x32xf32, #tpu.memory_space<vmem>>
    %dma_start3A_560 = arith.constant 0 : i32
    %dma_start3A_561 = tpu.memref_slice %arg4[%add3A_553, %dma_start3A_560] : memref<819200x32xf32, #tpu.memory_space<hbm>> -> memref<1280x32xf32, #tpu.memory_space<hbm>>
    %dma_start3A_562 = tpu.memref_slice %arg8[%dma_start3A_555] : memref<3x!tpu.dma_semaphore, #tpu.memory_space<semaphore_mem>> -> memref<1x!tpu.dma_semaphore, #tpu.memory_space<semaphore_mem>>
    %dma_start3A_563 = tpu.memref_squeeze %dma_start3A_562 : memref<1x!tpu.dma_semaphore, #tpu.memory_space<semaphore_mem>> -> memref<!tpu.dma_semaphore, #tpu.memory_space<semaphore_mem>>
    %dma_start3A_564 = arith.constant 0 : i32
    %dma_start3A_565 = tpu.memref_slice %arg4[%add3A_553, %dma_start3A_564] : memref<819200x32xf32, #tpu.memory_space<hbm>> -> memref<1280x32xf32, #tpu.memory_space<hbm>>
    %dma_start3A_566 = arith.constant 0 : i32
    %dma_start3A_567 = arith.constant 0 : i32
    %dma_start3A_568 = tpu.memref_slice %arg6[%dma_start3A_554, %dma_start3A_566, %dma_start3A_567] : memref<3x1280x32xf32, #tpu.memory_space<vmem>> -> memref<1x1280x32xf32, #tpu.memory_space<vmem>>
    %dma_start3A_569 = tpu.memref_squeeze %dma_start3A_568 : memref<1x1280x32xf32, #tpu.memory_space<vmem>> -> memref<1280x32xf32, #tpu.memory_space<vmem>>
    tpu.enqueue_dma source(%dma_start3A_569 : memref<1280x32xf32, #tpu.memory_space<vmem>>) target(%dma_start3A_565 : memref<1280x32xf32, #tpu.memory_space<hbm>>) target_semaphore(%dma_start3A_563 : memref<!tpu.dma_semaphore, #tpu.memory_space<semaphore_mem>>)
    %add3A_570 = arith.constant 8960 : i32
    %add3A_571 = arith.addi %mul3A_2, %add3A_570 : i32
    %dma_wait3A_572 = arith.constant 1 : i32
    %dma_wait3A_573 = arith.constant 1 : i32
    %dma_wait3A_574 = arith.constant 0 : i32
    %dma_wait3A_575 = arith.constant 0 : i32
    %dma_wait3A_576 = tpu.memref_slice %arg6[%dma_wait3A_572, %dma_wait3A_574, %dma_wait3A_575] : memref<3x1280x32xf32, #tpu.memory_space<vmem>> -> memref<1x1280x32xf32, #tpu.memory_space<vmem>>
    %dma_wait3A_577 = tpu.memref_squeeze %dma_wait3A_576 : memref<1x1280x32xf32, #tpu.memory_space<vmem>> -> memref<1280x32xf32, #tpu.memory_space<vmem>>
    %dma_wait3A_578 = arith.constant 0 : i32
    %dma_wait3A_579 = tpu.memref_slice %arg4[%add3A_571, %dma_wait3A_578] : memref<819200x32xf32, #tpu.memory_space<hbm>> -> memref<1280x32xf32, #tpu.memory_space<hbm>>
    %dma_wait3A_580 = tpu.memref_slice %arg8[%dma_wait3A_573] : memref<3x!tpu.dma_semaphore, #tpu.memory_space<semaphore_mem>> -> memref<1x!tpu.dma_semaphore, #tpu.memory_space<semaphore_mem>>
    %dma_wait3A_581 = tpu.memref_squeeze %dma_wait3A_580 : memref<1x!tpu.dma_semaphore, #tpu.memory_space<semaphore_mem>> -> memref<!tpu.dma_semaphore, #tpu.memory_space<semaphore_mem>>
    %dma_wait3A_582 = arith.constant 0 : i32
    %dma_wait3A_583 = tpu.memref_slice %arg4[%add3A_571, %dma_wait3A_582] : memref<819200x32xf32, #tpu.memory_space<hbm>> -> memref<1280x32xf32, #tpu.memory_space<hbm>>
    %dma_wait3A_584 = arith.constant 0 : i32
    %dma_wait3A_585 = arith.constant 0 : i32
    %dma_wait3A_586 = tpu.memref_slice %arg6[%dma_wait3A_572, %dma_wait3A_584, %dma_wait3A_585] : memref<3x1280x32xf32, #tpu.memory_space<vmem>> -> memref<1x1280x32xf32, #tpu.memory_space<vmem>>
    %dma_wait3A_587 = tpu.memref_squeeze %dma_wait3A_586 : memref<1x1280x32xf32, #tpu.memory_space<vmem>> -> memref<1280x32xf32, #tpu.memory_space<vmem>>
    tpu.wait_dma2 semaphore(%dma_wait3A_581 : memref<!tpu.dma_semaphore, #tpu.memory_space<semaphore_mem>>) src(%dma_wait3A_587 : memref<1280x32xf32, #tpu.memory_space<vmem>>) dst(%dma_wait3A_583 : memref<1280x32xf32, #tpu.memory_space<hbm>>)
    %add3A_588 = arith.constant 12800 : i32
    %add3A_589 = arith.addi %mul3A_2, %add3A_588 : i32
    %run_scoped3A_590 = arith.constant 1 : i32
    "tpu.region"() ({
      %run_scoped3A_1380 = tpu.sem_alloc : memref<!tpu.dma_semaphore, #tpu.memory_space<semaphore_mem>>
      %dma_start3A_1381 = arith.constant 0 : i32
      %dma_start3A_1382 = tpu.memref_slice %arg5[%run_scoped3A_590, %dma_start3A_1381] : memref<3x1280xi32, #tpu.memory_space<vmem>> -> memref<1x1280xi32, #tpu.memory_space<vmem>>
      %dma_start3A_1383 = tpu.memref_squeeze %dma_start3A_1382 : memref<1x1280xi32, #tpu.memory_space<vmem>> -> memref<1280xi32, #tpu.memory_space<vmem>>
      %dma_start3A_1384 = tpu.memref_slice %arg2[%add3A_589] : memref<819200xi32, #tpu.memory_space<hbm>> -> memref<1280xi32, #tpu.memory_space<hbm>>
      %dma_start3A_1385 = arith.constant 0 : i32
      %dma_start3A_1386 = tpu.memref_slice %arg5[%run_scoped3A_590, %dma_start3A_1385] : memref<3x1280xi32, #tpu.memory_space<vmem>> -> memref<1x1280xi32, #tpu.memory_space<vmem>>
      %dma_start3A_1387 = tpu.memref_squeeze %dma_start3A_1386 : memref<1x1280xi32, #tpu.memory_space<vmem>> -> memref<1280xi32, #tpu.memory_space<vmem>>
      %dma_start3A_1388 = tpu.memref_slice %arg2[%add3A_589] : memref<819200xi32, #tpu.memory_space<hbm>> -> memref<1280xi32, #tpu.memory_space<hbm>>
      tpu.enqueue_dma source(%dma_start3A_1388 : memref<1280xi32, #tpu.memory_space<hbm>>) target(%dma_start3A_1387 : memref<1280xi32, #tpu.memory_space<vmem>>) target_semaphore(%run_scoped3A_1380 : memref<!tpu.dma_semaphore, #tpu.memory_space<semaphore_mem>>)
      %dma_wait3A_1389 = arith.constant 0 : i32
      %dma_wait3A_1390 = tpu.memref_slice %arg5[%run_scoped3A_590, %dma_wait3A_1389] : memref<3x1280xi32, #tpu.memory_space<vmem>> -> memref<1x1280xi32, #tpu.memory_space<vmem>>
      %dma_wait3A_1391 = tpu.memref_squeeze %dma_wait3A_1390 : memref<1x1280xi32, #tpu.memory_space<vmem>> -> memref<1280xi32, #tpu.memory_space<vmem>>
      %dma_wait3A_1392 = tpu.memref_slice %arg2[%add3A_589] : memref<819200xi32, #tpu.memory_space<hbm>> -> memref<1280xi32, #tpu.memory_space<hbm>>
      %dma_wait3A_1393 = arith.constant 0 : i32
      %dma_wait3A_1394 = tpu.memref_slice %arg5[%run_scoped3A_590, %dma_wait3A_1393] : memref<3x1280xi32, #tpu.memory_space<vmem>> -> memref<1x1280xi32, #tpu.memory_space<vmem>>
      %dma_wait3A_1395 = tpu.memref_squeeze %dma_wait3A_1394 : memref<1x1280xi32, #tpu.memory_space<vmem>> -> memref<1280xi32, #tpu.memory_space<vmem>>
      %dma_wait3A_1396 = tpu.memref_slice %arg2[%add3A_589] : memref<819200xi32, #tpu.memory_space<hbm>> -> memref<1280xi32, #tpu.memory_space<hbm>>
      tpu.wait_dma2 semaphore(%run_scoped3A_1380 : memref<!tpu.dma_semaphore, #tpu.memory_space<semaphore_mem>>) src(%dma_wait3A_1396 : memref<1280xi32, #tpu.memory_space<hbm>>) dst(%dma_wait3A_1395 : memref<1280xi32, #tpu.memory_space<vmem>>)
      tpu.yield
    }) : () -> ()
    %dma_start3A_591 = arith.constant 1 : i32
    %dma_start3A_592 = arith.constant 1 : i32
    %dma_start3A_593 = arith.constant 1 : i32
    %dma_start3A_594 = arith.constant 0 : i32
    %dma_start3A_595 = arith.constant 0 : i32
    %dma_start3A_596 = tpu.memref_slice %arg6[%dma_start3A_592, %dma_start3A_594, %dma_start3A_595] : memref<3x1280x32xf32, #tpu.memory_space<vmem>> -> memref<1x1280x32xf32, #tpu.memory_space<vmem>>
    %dma_start3A_597 = tpu.memref_squeeze %dma_start3A_596 : memref<1x1280x32xf32, #tpu.memory_space<vmem>> -> memref<1280x32xf32, #tpu.memory_space<vmem>>
    %dma_start3A_598 = arith.constant 0 : i32
    %dma_start3A_599 = tpu.memref_slice %arg5[%dma_start3A_591, %dma_start3A_598] : memref<3x1280xi32, #tpu.memory_space<vmem>> -> memref<1x1280xi32, #tpu.memory_space<vmem>>
    %dma_start3A_600 = tpu.memref_squeeze %dma_start3A_599 : memref<1x1280xi32, #tpu.memory_space<vmem>> -> memref<1280xi32, #tpu.memory_space<vmem>>
    %dma_start3A_601 = arith.constant 0 : i32
    %dma_start3A_602 = arith.constant 0 : i32
    %dma_start3A_603 = tpu.memref_slice %arg3[%dma_start3A_601, %dma_start3A_602] : memref<1000000x32xf32, #tpu.memory_space<hbm>> -> memref<1000000x32xf32, #tpu.memory_space<hbm>>
    %dma_start3A_604 = tpu.memref_slice %arg7[%dma_start3A_593] : memref<3x!tpu.dma_semaphore, #tpu.memory_space<semaphore_mem>> -> memref<1x!tpu.dma_semaphore, #tpu.memory_space<semaphore_mem>>
    %dma_start3A_605 = tpu.memref_squeeze %dma_start3A_604 : memref<1x!tpu.dma_semaphore, #tpu.memory_space<semaphore_mem>> -> memref<!tpu.dma_semaphore, #tpu.memory_space<semaphore_mem>>
    tpu.enqueue_indirect_dma source(%dma_start3A_603 : memref<1000000x32xf32, #tpu.memory_space<hbm>>) target(%dma_start3A_597 : memref<1280x32xf32, #tpu.memory_space<vmem>>) offsets(%dma_start3A_600 : memref<1280xi32, #tpu.memory_space<vmem>>) semaphore(%dma_start3A_605 : memref<!tpu.dma_semaphore, #tpu.memory_space<semaphore_mem>>)
    %dma_wait3A_606 = arith.constant 2 : i32
    %dma_wait3A_607 = arith.constant 2 : i32
    %dma_wait3A_608 = arith.constant 2 : i32
    %dma_wait3A_609 = arith.constant 0 : i32
    %dma_wait3A_610 = arith.constant 0 : i32
    %dma_wait3A_611 = tpu.memref_slice %arg6[%dma_wait3A_607, %dma_wait3A_609, %dma_wait3A_610] : memref<3x1280x32xf32, #tpu.memory_space<vmem>> -> memref<1x1280x32xf32, #tpu.memory_space<vmem>>
    %dma_wait3A_612 = tpu.memref_squeeze %dma_wait3A_611 : memref<1x1280x32xf32, #tpu.memory_space<vmem>> -> memref<1280x32xf32, #tpu.memory_space<vmem>>
    %dma_wait3A_613 = arith.constant 0 : i32
    %dma_wait3A_614 = tpu.memref_slice %arg5[%dma_wait3A_606, %dma_wait3A_613] : memref<3x1280xi32, #tpu.memory_space<vmem>> -> memref<1x1280xi32, #tpu.memory_space<vmem>>
    %dma_wait3A_615 = tpu.memref_squeeze %dma_wait3A_614 : memref<1x1280xi32, #tpu.memory_space<vmem>> -> memref<1280xi32, #tpu.memory_space<vmem>>
    %dma_wait3A_616 = arith.constant 0 : i32
    %dma_wait3A_617 = arith.constant 0 : i32
    %dma_wait3A_618 = tpu.memref_slice %arg3[%dma_wait3A_616, %dma_wait3A_617] : memref<1000000x32xf32, #tpu.memory_space<hbm>> -> memref<1000000x32xf32, #tpu.memory_space<hbm>>
    %dma_wait3A_619 = tpu.memref_slice %arg7[%dma_wait3A_608] : memref<3x!tpu.dma_semaphore, #tpu.memory_space<semaphore_mem>> -> memref<1x!tpu.dma_semaphore, #tpu.memory_space<semaphore_mem>>
    %dma_wait3A_620 = tpu.memref_squeeze %dma_wait3A_619 : memref<1x!tpu.dma_semaphore, #tpu.memory_space<semaphore_mem>> -> memref<!tpu.dma_semaphore, #tpu.memory_space<semaphore_mem>>
    tpu.wait_indirect_dma semaphore(%dma_wait3A_620 : memref<!tpu.dma_semaphore, #tpu.memory_space<semaphore_mem>>) src(%dma_wait3A_618 : memref<1000000x32xf32, #tpu.memory_space<hbm>>) dst(%dma_wait3A_612 : memref<1280x32xf32, #tpu.memory_space<vmem>>)
    %add3A_621 = arith.constant 10240 : i32
    %add3A_622 = arith.addi %mul3A_2, %add3A_621 : i32
    %dma_start3A_623 = arith.constant 2 : i32
    %dma_start3A_624 = arith.constant 2 : i32
    %dma_start3A_625 = arith.constant 0 : i32
    %dma_start3A_626 = arith.constant 0 : i32
    %dma_start3A_627 = tpu.memref_slice %arg6[%dma_start3A_623, %dma_start3A_625, %dma_start3A_626] : memref<3x1280x32xf32, #tpu.memory_space<vmem>> -> memref<1x1280x32xf32, #tpu.memory_space<vmem>>
    %dma_start3A_628 = tpu.memref_squeeze %dma_start3A_627 : memref<1x1280x32xf32, #tpu.memory_space<vmem>> -> memref<1280x32xf32, #tpu.memory_space<vmem>>
    %dma_start3A_629 = arith.constant 0 : i32
    %dma_start3A_630 = tpu.memref_slice %arg4[%add3A_622, %dma_start3A_629] : memref<819200x32xf32, #tpu.memory_space<hbm>> -> memref<1280x32xf32, #tpu.memory_space<hbm>>
    %dma_start3A_631 = tpu.memref_slice %arg8[%dma_start3A_624] : memref<3x!tpu.dma_semaphore, #tpu.memory_space<semaphore_mem>> -> memref<1x!tpu.dma_semaphore, #tpu.memory_space<semaphore_mem>>
    %dma_start3A_632 = tpu.memref_squeeze %dma_start3A_631 : memref<1x!tpu.dma_semaphore, #tpu.memory_space<semaphore_mem>> -> memref<!tpu.dma_semaphore, #tpu.memory_space<semaphore_mem>>
    %dma_start3A_633 = arith.constant 0 : i32
    %dma_start3A_634 = tpu.memref_slice %arg4[%add3A_622, %dma_start3A_633] : memref<819200x32xf32, #tpu.memory_space<hbm>> -> memref<1280x32xf32, #tpu.memory_space<hbm>>
    %dma_start3A_635 = arith.constant 0 : i32
    %dma_start3A_636 = arith.constant 0 : i32
    %dma_start3A_637 = tpu.memref_slice %arg6[%dma_start3A_623, %dma_start3A_635, %dma_start3A_636] : memref<3x1280x32xf32, #tpu.memory_space<vmem>> -> memref<1x1280x32xf32, #tpu.memory_space<vmem>>
    %dma_start3A_638 = tpu.memref_squeeze %dma_start3A_637 : memref<1x1280x32xf32, #tpu.memory_space<vmem>> -> memref<1280x32xf32, #tpu.memory_space<vmem>>
    tpu.enqueue_dma source(%dma_start3A_638 : memref<1280x32xf32, #tpu.memory_space<vmem>>) target(%dma_start3A_634 : memref<1280x32xf32, #tpu.memory_space<hbm>>) target_semaphore(%dma_start3A_632 : memref<!tpu.dma_semaphore, #tpu.memory_space<semaphore_mem>>)
    %add3A_639 = arith.constant 10240 : i32
    %add3A_640 = arith.addi %mul3A_2, %add3A_639 : i32
    %dma_wait3A_641 = arith.constant 2 : i32
    %dma_wait3A_642 = arith.constant 2 : i32
    %dma_wait3A_643 = arith.constant 0 : i32
    %dma_wait3A_644 = arith.constant 0 : i32
    %dma_wait3A_645 = tpu.memref_slice %arg6[%dma_wait3A_641, %dma_wait3A_643, %dma_wait3A_644] : memref<3x1280x32xf32, #tpu.memory_space<vmem>> -> memref<1x1280x32xf32, #tpu.memory_space<vmem>>
    %dma_wait3A_646 = tpu.memref_squeeze %dma_wait3A_645 : memref<1x1280x32xf32, #tpu.memory_space<vmem>> -> memref<1280x32xf32, #tpu.memory_space<vmem>>
    %dma_wait3A_647 = arith.constant 0 : i32
    %dma_wait3A_648 = tpu.memref_slice %arg4[%add3A_640, %dma_wait3A_647] : memref<819200x32xf32, #tpu.memory_space<hbm>> -> memref<1280x32xf32, #tpu.memory_space<hbm>>
    %dma_wait3A_649 = tpu.memref_slice %arg8[%dma_wait3A_642] : memref<3x!tpu.dma_semaphore, #tpu.memory_space<semaphore_mem>> -> memref<1x!tpu.dma_semaphore, #tpu.memory_space<semaphore_mem>>
    %dma_wait3A_650 = tpu.memref_squeeze %dma_wait3A_649 : memref<1x!tpu.dma_semaphore, #tpu.memory_space<semaphore_mem>> -> memref<!tpu.dma_semaphore, #tpu.memory_space<semaphore_mem>>
    %dma_wait3A_651 = arith.constant 0 : i32
    %dma_wait3A_652 = tpu.memref_slice %arg4[%add3A_640, %dma_wait3A_651] : memref<819200x32xf32, #tpu.memory_space<hbm>> -> memref<1280x32xf32, #tpu.memory_space<hbm>>
    %dma_wait3A_653 = arith.constant 0 : i32
    %dma_wait3A_654 = arith.constant 0 : i32
    %dma_wait3A_655 = tpu.memref_slice %arg6[%dma_wait3A_641, %dma_wait3A_653, %dma_wait3A_654] : memref<3x1280x32xf32, #tpu.memory_space<vmem>> -> memref<1x1280x32xf32, #tpu.memory_space<vmem>>
    %dma_wait3A_656 = tpu.memref_squeeze %dma_wait3A_655 : memref<1x1280x32xf32, #tpu.memory_space<vmem>> -> memref<1280x32xf32, #tpu.memory_space<vmem>>
    tpu.wait_dma2 semaphore(%dma_wait3A_650 : memref<!tpu.dma_semaphore, #tpu.memory_space<semaphore_mem>>) src(%dma_wait3A_656 : memref<1280x32xf32, #tpu.memory_space<vmem>>) dst(%dma_wait3A_652 : memref<1280x32xf32, #tpu.memory_space<hbm>>)
    %add3A_657 = arith.constant 14080 : i32
    %add3A_658 = arith.addi %mul3A_2, %add3A_657 : i32
    %run_scoped3A_659 = arith.constant 2 : i32
    "tpu.region"() ({
      %run_scoped3A_1380 = tpu.sem_alloc : memref<!tpu.dma_semaphore, #tpu.memory_space<semaphore_mem>>
      %dma_start3A_1381 = arith.constant 0 : i32
      %dma_start3A_1382 = tpu.memref_slice %arg5[%run_scoped3A_659, %dma_start3A_1381] : memref<3x1280xi32, #tpu.memory_space<vmem>> -> memref<1x1280xi32, #tpu.memory_space<vmem>>
      %dma_start3A_1383 = tpu.memref_squeeze %dma_start3A_1382 : memref<1x1280xi32, #tpu.memory_space<vmem>> -> memref<1280xi32, #tpu.memory_space<vmem>>
      %dma_start3A_1384 = tpu.memref_slice %arg2[%add3A_658] : memref<819200xi32, #tpu.memory_space<hbm>> -> memref<1280xi32, #tpu.memory_space<hbm>>
      %dma_start3A_1385 = arith.constant 0 : i32
      %dma_start3A_1386 = tpu.memref_slice %arg5[%run_scoped3A_659, %dma_start3A_1385] : memref<3x1280xi32, #tpu.memory_space<vmem>> -> memref<1x1280xi32, #tpu.memory_space<vmem>>
      %dma_start3A_1387 = tpu.memref_squeeze %dma_start3A_1386 : memref<1x1280xi32, #tpu.memory_space<vmem>> -> memref<1280xi32, #tpu.memory_space<vmem>>
      %dma_start3A_1388 = tpu.memref_slice %arg2[%add3A_658] : memref<819200xi32, #tpu.memory_space<hbm>> -> memref<1280xi32, #tpu.memory_space<hbm>>
      tpu.enqueue_dma source(%dma_start3A_1388 : memref<1280xi32, #tpu.memory_space<hbm>>) target(%dma_start3A_1387 : memref<1280xi32, #tpu.memory_space<vmem>>) target_semaphore(%run_scoped3A_1380 : memref<!tpu.dma_semaphore, #tpu.memory_space<semaphore_mem>>)
      %dma_wait3A_1389 = arith.constant 0 : i32
      %dma_wait3A_1390 = tpu.memref_slice %arg5[%run_scoped3A_659, %dma_wait3A_1389] : memref<3x1280xi32, #tpu.memory_space<vmem>> -> memref<1x1280xi32, #tpu.memory_space<vmem>>
      %dma_wait3A_1391 = tpu.memref_squeeze %dma_wait3A_1390 : memref<1x1280xi32, #tpu.memory_space<vmem>> -> memref<1280xi32, #tpu.memory_space<vmem>>
      %dma_wait3A_1392 = tpu.memref_slice %arg2[%add3A_658] : memref<819200xi32, #tpu.memory_space<hbm>> -> memref<1280xi32, #tpu.memory_space<hbm>>
      %dma_wait3A_1393 = arith.constant 0 : i32
      %dma_wait3A_1394 = tpu.memref_slice %arg5[%run_scoped3A_659, %dma_wait3A_1393] : memref<3x1280xi32, #tpu.memory_space<vmem>> -> memref<1x1280xi32, #tpu.memory_space<vmem>>
      %dma_wait3A_1395 = tpu.memref_squeeze %dma_wait3A_1394 : memref<1x1280xi32, #tpu.memory_space<vmem>> -> memref<1280xi32, #tpu.memory_space<vmem>>
      %dma_wait3A_1396 = tpu.memref_slice %arg2[%add3A_658] : memref<819200xi32, #tpu.memory_space<hbm>> -> memref<1280xi32, #tpu.memory_space<hbm>>
      tpu.wait_dma2 semaphore(%run_scoped3A_1380 : memref<!tpu.dma_semaphore, #tpu.memory_space<semaphore_mem>>) src(%dma_wait3A_1396 : memref<1280xi32, #tpu.memory_space<hbm>>) dst(%dma_wait3A_1395 : memref<1280xi32, #tpu.memory_space<vmem>>)
      tpu.yield
    }) : () -> ()
    %dma_start3A_660 = arith.constant 2 : i32
    %dma_start3A_661 = arith.constant 2 : i32
    %dma_start3A_662 = arith.constant 2 : i32
    %dma_start3A_663 = arith.constant 0 : i32
    %dma_start3A_664 = arith.constant 0 : i32
    %dma_start3A_665 = tpu.memref_slice %arg6[%dma_start3A_661, %dma_start3A_663, %dma_start3A_664] : memref<3x1280x32xf32, #tpu.memory_space<vmem>> -> memref<1x1280x32xf32, #tpu.memory_space<vmem>>
    %dma_start3A_666 = tpu.memref_squeeze %dma_start3A_665 : memref<1x1280x32xf32, #tpu.memory_space<vmem>> -> memref<1280x32xf32, #tpu.memory_space<vmem>>
    %dma_start3A_667 = arith.constant 0 : i32
    %dma_start3A_668 = tpu.memref_slice %arg5[%dma_start3A_660, %dma_start3A_667] : memref<3x1280xi32, #tpu.memory_space<vmem>> -> memref<1x1280xi32, #tpu.memory_space<vmem>>
    %dma_start3A_669 = tpu.memref_squeeze %dma_start3A_668 : memref<1x1280xi32, #tpu.memory_space<vmem>> -> memref<1280xi32, #tpu.memory_space<vmem>>
    %dma_start3A_670 = arith.constant 0 : i32
    %dma_start3A_671 = arith.constant 0 : i32
    %dma_start3A_672 = tpu.memref_slice %arg3[%dma_start3A_670, %dma_start3A_671] : memref<1000000x32xf32, #tpu.memory_space<hbm>> -> memref<1000000x32xf32, #tpu.memory_space<hbm>>
    %dma_start3A_673 = tpu.memref_slice %arg7[%dma_start3A_662] : memref<3x!tpu.dma_semaphore, #tpu.memory_space<semaphore_mem>> -> memref<1x!tpu.dma_semaphore, #tpu.memory_space<semaphore_mem>>
    %dma_start3A_674 = tpu.memref_squeeze %dma_start3A_673 : memref<1x!tpu.dma_semaphore, #tpu.memory_space<semaphore_mem>> -> memref<!tpu.dma_semaphore, #tpu.memory_space<semaphore_mem>>
    tpu.enqueue_indirect_dma source(%dma_start3A_672 : memref<1000000x32xf32, #tpu.memory_space<hbm>>) target(%dma_start3A_666 : memref<1280x32xf32, #tpu.memory_space<vmem>>) offsets(%dma_start3A_669 : memref<1280xi32, #tpu.memory_space<vmem>>) semaphore(%dma_start3A_674 : memref<!tpu.dma_semaphore, #tpu.memory_space<semaphore_mem>>)
    %dma_wait3A_675 = arith.constant 0 : i32
    %dma_wait3A_676 = arith.constant 0 : i32
    %dma_wait3A_677 = arith.constant 0 : i32
    %dma_wait3A_678 = arith.constant 0 : i32
    %dma_wait3A_679 = arith.constant 0 : i32
    %dma_wait3A_680 = tpu.memref_slice %arg6[%dma_wait3A_676, %dma_wait3A_678, %dma_wait3A_679] : memref<3x1280x32xf32, #tpu.memory_space<vmem>> -> memref<1x1280x32xf32, #tpu.memory_space<vmem>>
    %dma_wait3A_681 = tpu.memref_squeeze %dma_wait3A_680 : memref<1x1280x32xf32, #tpu.memory_space<vmem>> -> memref<1280x32xf32, #tpu.memory_space<vmem>>
    %dma_wait3A_682 = arith.constant 0 : i32
    %dma_wait3A_683 = tpu.memref_slice %arg5[%dma_wait3A_675, %dma_wait3A_682] : memref<3x1280xi32, #tpu.memory_space<vmem>> -> memref<1x1280xi32, #tpu.memory_space<vmem>>
    %dma_wait3A_684 = tpu.memref_squeeze %dma_wait3A_683 : memref<1x1280xi32, #tpu.memory_space<vmem>> -> memref<1280xi32, #tpu.memory_space<vmem>>
    %dma_wait3A_685 = arith.constant 0 : i32
    %dma_wait3A_686 = arith.constant 0 : i32
    %dma_wait3A_687 = tpu.memref_slice %arg3[%dma_wait3A_685, %dma_wait3A_686] : memref<1000000x32xf32, #tpu.memory_space<hbm>> -> memref<1000000x32xf32, #tpu.memory_space<hbm>>
    %dma_wait3A_688 = tpu.memref_slice %arg7[%dma_wait3A_677] : memref<3x!tpu.dma_semaphore, #tpu.memory_space<semaphore_mem>> -> memref<1x!tpu.dma_semaphore, #tpu.memory_space<semaphore_mem>>
    %dma_wait3A_689 = tpu.memref_squeeze %dma_wait3A_688 : memref<1x!tpu.dma_semaphore, #tpu.memory_space<semaphore_mem>> -> memref<!tpu.dma_semaphore, #tpu.memory_space<semaphore_mem>>
    tpu.wait_indirect_dma semaphore(%dma_wait3A_689 : memref<!tpu.dma_semaphore, #tpu.memory_space<semaphore_mem>>) src(%dma_wait3A_687 : memref<1000000x32xf32, #tpu.memory_space<hbm>>) dst(%dma_wait3A_681 : memref<1280x32xf32, #tpu.memory_space<vmem>>)
    %add3A_690 = arith.constant 11520 : i32
    %add3A_691 = arith.addi %mul3A_2, %add3A_690 : i32
    %dma_start3A_692 = arith.constant 0 : i32
    %dma_start3A_693 = arith.constant 0 : i32
    %dma_start3A_694 = arith.constant 0 : i32
    %dma_start3A_695 = arith.constant 0 : i32
    %dma_start3A_696 = tpu.memref_slice %arg6[%dma_start3A_692, %dma_start3A_694, %dma_start3A_695] : memref<3x1280x32xf32, #tpu.memory_space<vmem>> -> memref<1x1280x32xf32, #tpu.memory_space<vmem>>
    %dma_start3A_697 = tpu.memref_squeeze %dma_start3A_696 : memref<1x1280x32xf32, #tpu.memory_space<vmem>> -> memref<1280x32xf32, #tpu.memory_space<vmem>>
    %dma_start3A_698 = arith.constant 0 : i32
    %dma_start3A_699 = tpu.memref_slice %arg4[%add3A_691, %dma_start3A_698] : memref<819200x32xf32, #tpu.memory_space<hbm>> -> memref<1280x32xf32, #tpu.memory_space<hbm>>
    %dma_start3A_700 = tpu.memref_slice %arg8[%dma_start3A_693] : memref<3x!tpu.dma_semaphore, #tpu.memory_space<semaphore_mem>> -> memref<1x!tpu.dma_semaphore, #tpu.memory_space<semaphore_mem>>
    %dma_start3A_701 = tpu.memref_squeeze %dma_start3A_700 : memref<1x!tpu.dma_semaphore, #tpu.memory_space<semaphore_mem>> -> memref<!tpu.dma_semaphore, #tpu.memory_space<semaphore_mem>>
    %dma_start3A_702 = arith.constant 0 : i32
    %dma_start3A_703 = tpu.memref_slice %arg4[%add3A_691, %dma_start3A_702] : memref<819200x32xf32, #tpu.memory_space<hbm>> -> memref<1280x32xf32, #tpu.memory_space<hbm>>
    %dma_start3A_704 = arith.constant 0 : i32
    %dma_start3A_705 = arith.constant 0 : i32
    %dma_start3A_706 = tpu.memref_slice %arg6[%dma_start3A_692, %dma_start3A_704, %dma_start3A_705] : memref<3x1280x32xf32, #tpu.memory_space<vmem>> -> memref<1x1280x32xf32, #tpu.memory_space<vmem>>
    %dma_start3A_707 = tpu.memref_squeeze %dma_start3A_706 : memref<1x1280x32xf32, #tpu.memory_space<vmem>> -> memref<1280x32xf32, #tpu.memory_space<vmem>>
    tpu.enqueue_dma source(%dma_start3A_707 : memref<1280x32xf32, #tpu.memory_space<vmem>>) target(%dma_start3A_703 : memref<1280x32xf32, #tpu.memory_space<hbm>>) target_semaphore(%dma_start3A_701 : memref<!tpu.dma_semaphore, #tpu.memory_space<semaphore_mem>>)
    %add3A_708 = arith.constant 11520 : i32
    %add3A_709 = arith.addi %mul3A_2, %add3A_708 : i32
    %dma_wait3A_710 = arith.constant 0 : i32
    %dma_wait3A_711 = arith.constant 0 : i32
    %dma_wait3A_712 = arith.constant 0 : i32
    %dma_wait3A_713 = arith.constant 0 : i32
    %dma_wait3A_714 = tpu.memref_slice %arg6[%dma_wait3A_710, %dma_wait3A_712, %dma_wait3A_713] : memref<3x1280x32xf32, #tpu.memory_space<vmem>> -> memref<1x1280x32xf32, #tpu.memory_space<vmem>>
    %dma_wait3A_715 = tpu.memref_squeeze %dma_wait3A_714 : memref<1x1280x32xf32, #tpu.memory_space<vmem>> -> memref<1280x32xf32, #tpu.memory_space<vmem>>
    %dma_wait3A_716 = arith.constant 0 : i32
    %dma_wait3A_717 = tpu.memref_slice %arg4[%add3A_709, %dma_wait3A_716] : memref<819200x32xf32, #tpu.memory_space<hbm>> -> memref<1280x32xf32, #tpu.memory_space<hbm>>
    %dma_wait3A_718 = tpu.memref_slice %arg8[%dma_wait3A_711] : memref<3x!tpu.dma_semaphore, #tpu.memory_space<semaphore_mem>> -> memref<1x!tpu.dma_semaphore, #tpu.memory_space<semaphore_mem>>
    %dma_wait3A_719 = tpu.memref_squeeze %dma_wait3A_718 : memref<1x!tpu.dma_semaphore, #tpu.memory_space<semaphore_mem>> -> memref<!tpu.dma_semaphore, #tpu.memory_space<semaphore_mem>>
    %dma_wait3A_720 = arith.constant 0 : i32
    %dma_wait3A_721 = tpu.memref_slice %arg4[%add3A_709, %dma_wait3A_720] : memref<819200x32xf32, #tpu.memory_space<hbm>> -> memref<1280x32xf32, #tpu.memory_space<hbm>>
    %dma_wait3A_722 = arith.constant 0 : i32
    %dma_wait3A_723 = arith.constant 0 : i32
    %dma_wait3A_724 = tpu.memref_slice %arg6[%dma_wait3A_710, %dma_wait3A_722, %dma_wait3A_723] : memref<3x1280x32xf32, #tpu.memory_space<vmem>> -> memref<1x1280x32xf32, #tpu.memory_space<vmem>>
    %dma_wait3A_725 = tpu.memref_squeeze %dma_wait3A_724 : memref<1x1280x32xf32, #tpu.memory_space<vmem>> -> memref<1280x32xf32, #tpu.memory_space<vmem>>
    tpu.wait_dma2 semaphore(%dma_wait3A_719 : memref<!tpu.dma_semaphore, #tpu.memory_space<semaphore_mem>>) src(%dma_wait3A_725 : memref<1280x32xf32, #tpu.memory_space<vmem>>) dst(%dma_wait3A_721 : memref<1280x32xf32, #tpu.memory_space<hbm>>)
    %add3A_726 = arith.constant 15360 : i32
    %add3A_727 = arith.addi %mul3A_2, %add3A_726 : i32
    %run_scoped3A_728 = arith.constant 0 : i32
    "tpu.region"() ({
      %run_scoped3A_1380 = tpu.sem_alloc : memref<!tpu.dma_semaphore, #tpu.memory_space<semaphore_mem>>
      %dma_start3A_1381 = arith.constant 0 : i32
      %dma_start3A_1382 = tpu.memref_slice %arg5[%run_scoped3A_728, %dma_start3A_1381] : memref<3x1280xi32, #tpu.memory_space<vmem>> -> memref<1x1280xi32, #tpu.memory_space<vmem>>
      %dma_start3A_1383 = tpu.memref_squeeze %dma_start3A_1382 : memref<1x1280xi32, #tpu.memory_space<vmem>> -> memref<1280xi32, #tpu.memory_space<vmem>>
      %dma_start3A_1384 = tpu.memref_slice %arg2[%add3A_727] : memref<819200xi32, #tpu.memory_space<hbm>> -> memref<1280xi32, #tpu.memory_space<hbm>>
      %dma_start3A_1385 = arith.constant 0 : i32
      %dma_start3A_1386 = tpu.memref_slice %arg5[%run_scoped3A_728, %dma_start3A_1385] : memref<3x1280xi32, #tpu.memory_space<vmem>> -> memref<1x1280xi32, #tpu.memory_space<vmem>>
      %dma_start3A_1387 = tpu.memref_squeeze %dma_start3A_1386 : memref<1x1280xi32, #tpu.memory_space<vmem>> -> memref<1280xi32, #tpu.memory_space<vmem>>
      %dma_start3A_1388 = tpu.memref_slice %arg2[%add3A_727] : memref<819200xi32, #tpu.memory_space<hbm>> -> memref<1280xi32, #tpu.memory_space<hbm>>
      tpu.enqueue_dma source(%dma_start3A_1388 : memref<1280xi32, #tpu.memory_space<hbm>>) target(%dma_start3A_1387 : memref<1280xi32, #tpu.memory_space<vmem>>) target_semaphore(%run_scoped3A_1380 : memref<!tpu.dma_semaphore, #tpu.memory_space<semaphore_mem>>)
      %dma_wait3A_1389 = arith.constant 0 : i32
      %dma_wait3A_1390 = tpu.memref_slice %arg5[%run_scoped3A_728, %dma_wait3A_1389] : memref<3x1280xi32, #tpu.memory_space<vmem>> -> memref<1x1280xi32, #tpu.memory_space<vmem>>
      %dma_wait3A_1391 = tpu.memref_squeeze %dma_wait3A_1390 : memref<1x1280xi32, #tpu.memory_space<vmem>> -> memref<1280xi32, #tpu.memory_space<vmem>>
      %dma_wait3A_1392 = tpu.memref_slice %arg2[%add3A_727] : memref<819200xi32, #tpu.memory_space<hbm>> -> memref<1280xi32, #tpu.memory_space<hbm>>
      %dma_wait3A_1393 = arith.constant 0 : i32
      %dma_wait3A_1394 = tpu.memref_slice %arg5[%run_scoped3A_728, %dma_wait3A_1393] : memref<3x1280xi32, #tpu.memory_space<vmem>> -> memref<1x1280xi32, #tpu.memory_space<vmem>>
      %dma_wait3A_1395 = tpu.memref_squeeze %dma_wait3A_1394 : memref<1x1280xi32, #tpu.memory_space<vmem>> -> memref<1280xi32, #tpu.memory_space<vmem>>
      %dma_wait3A_1396 = tpu.memref_slice %arg2[%add3A_727] : memref<819200xi32, #tpu.memory_space<hbm>> -> memref<1280xi32, #tpu.memory_space<hbm>>
      tpu.wait_dma2 semaphore(%run_scoped3A_1380 : memref<!tpu.dma_semaphore, #tpu.memory_space<semaphore_mem>>) src(%dma_wait3A_1396 : memref<1280xi32, #tpu.memory_space<hbm>>) dst(%dma_wait3A_1395 : memref<1280xi32, #tpu.memory_space<vmem>>)
      tpu.yield
    }) : () -> ()
    %dma_start3A_729 = arith.constant 0 : i32
    %dma_start3A_730 = arith.constant 0 : i32
    %dma_start3A_731 = arith.constant 0 : i32
    %dma_start3A_732 = arith.constant 0 : i32
    %dma_start3A_733 = arith.constant 0 : i32
    %dma_start3A_734 = tpu.memref_slice %arg6[%dma_start3A_730, %dma_start3A_732, %dma_start3A_733] : memref<3x1280x32xf32, #tpu.memory_space<vmem>> -> memref<1x1280x32xf32, #tpu.memory_space<vmem>>
    %dma_start3A_735 = tpu.memref_squeeze %dma_start3A_734 : memref<1x1280x32xf32, #tpu.memory_space<vmem>> -> memref<1280x32xf32, #tpu.memory_space<vmem>>
    %dma_start3A_736 = arith.constant 0 : i32
    %dma_start3A_737 = tpu.memref_slice %arg5[%dma_start3A_729, %dma_start3A_736] : memref<3x1280xi32, #tpu.memory_space<vmem>> -> memref<1x1280xi32, #tpu.memory_space<vmem>>
    %dma_start3A_738 = tpu.memref_squeeze %dma_start3A_737 : memref<1x1280xi32, #tpu.memory_space<vmem>> -> memref<1280xi32, #tpu.memory_space<vmem>>
    %dma_start3A_739 = arith.constant 0 : i32
    %dma_start3A_740 = arith.constant 0 : i32
    %dma_start3A_741 = tpu.memref_slice %arg3[%dma_start3A_739, %dma_start3A_740] : memref<1000000x32xf32, #tpu.memory_space<hbm>> -> memref<1000000x32xf32, #tpu.memory_space<hbm>>
    %dma_start3A_742 = tpu.memref_slice %arg7[%dma_start3A_731] : memref<3x!tpu.dma_semaphore, #tpu.memory_space<semaphore_mem>> -> memref<1x!tpu.dma_semaphore, #tpu.memory_space<semaphore_mem>>
    %dma_start3A_743 = tpu.memref_squeeze %dma_start3A_742 : memref<1x!tpu.dma_semaphore, #tpu.memory_space<semaphore_mem>> -> memref<!tpu.dma_semaphore, #tpu.memory_space<semaphore_mem>>
    tpu.enqueue_indirect_dma source(%dma_start3A_741 : memref<1000000x32xf32, #tpu.memory_space<hbm>>) target(%dma_start3A_735 : memref<1280x32xf32, #tpu.memory_space<vmem>>) offsets(%dma_start3A_738 : memref<1280xi32, #tpu.memory_space<vmem>>) semaphore(%dma_start3A_743 : memref<!tpu.dma_semaphore, #tpu.memory_space<semaphore_mem>>)
    %dma_wait3A_744 = arith.constant 1 : i32
    %dma_wait3A_745 = arith.constant 1 : i32
    %dma_wait3A_746 = arith.constant 1 : i32
    %dma_wait3A_747 = arith.constant 0 : i32
    %dma_wait3A_748 = arith.constant 0 : i32
    %dma_wait3A_749 = tpu.memref_slice %arg6[%dma_wait3A_745, %dma_wait3A_747, %dma_wait3A_748] : memref<3x1280x32xf32, #tpu.memory_space<vmem>> -> memref<1x1280x32xf32, #tpu.memory_space<vmem>>
    %dma_wait3A_750 = tpu.memref_squeeze %dma_wait3A_749 : memref<1x1280x32xf32, #tpu.memory_space<vmem>> -> memref<1280x32xf32, #tpu.memory_space<vmem>>
    %dma_wait3A_751 = arith.constant 0 : i32
    %dma_wait3A_752 = tpu.memref_slice %arg5[%dma_wait3A_744, %dma_wait3A_751] : memref<3x1280xi32, #tpu.memory_space<vmem>> -> memref<1x1280xi32, #tpu.memory_space<vmem>>
    %dma_wait3A_753 = tpu.memref_squeeze %dma_wait3A_752 : memref<1x1280xi32, #tpu.memory_space<vmem>> -> memref<1280xi32, #tpu.memory_space<vmem>>
    %dma_wait3A_754 = arith.constant 0 : i32
    %dma_wait3A_755 = arith.constant 0 : i32
    %dma_wait3A_756 = tpu.memref_slice %arg3[%dma_wait3A_754, %dma_wait3A_755] : memref<1000000x32xf32, #tpu.memory_space<hbm>> -> memref<1000000x32xf32, #tpu.memory_space<hbm>>
    %dma_wait3A_757 = tpu.memref_slice %arg7[%dma_wait3A_746] : memref<3x!tpu.dma_semaphore, #tpu.memory_space<semaphore_mem>> -> memref<1x!tpu.dma_semaphore, #tpu.memory_space<semaphore_mem>>
    %dma_wait3A_758 = tpu.memref_squeeze %dma_wait3A_757 : memref<1x!tpu.dma_semaphore, #tpu.memory_space<semaphore_mem>> -> memref<!tpu.dma_semaphore, #tpu.memory_space<semaphore_mem>>
    tpu.wait_indirect_dma semaphore(%dma_wait3A_758 : memref<!tpu.dma_semaphore, #tpu.memory_space<semaphore_mem>>) src(%dma_wait3A_756 : memref<1000000x32xf32, #tpu.memory_space<hbm>>) dst(%dma_wait3A_750 : memref<1280x32xf32, #tpu.memory_space<vmem>>)
    %add3A_759 = arith.constant 12800 : i32
    %add3A_760 = arith.addi %mul3A_2, %add3A_759 : i32
    %dma_start3A_761 = arith.constant 1 : i32
    %dma_start3A_762 = arith.constant 1 : i32
    %dma_start3A_763 = arith.constant 0 : i32
    %dma_start3A_764 = arith.constant 0 : i32
    %dma_start3A_765 = tpu.memref_slice %arg6[%dma_start3A_761, %dma_start3A_763, %dma_start3A_764] : memref<3x1280x32xf32, #tpu.memory_space<vmem>> -> memref<1x1280x32xf32, #tpu.memory_space<vmem>>
    %dma_start3A_766 = tpu.memref_squeeze %dma_start3A_765 : memref<1x1280x32xf32, #tpu.memory_space<vmem>> -> memref<1280x32xf32, #tpu.memory_space<vmem>>
    %dma_start3A_767 = arith.constant 0 : i32
    %dma_start3A_768 = tpu.memref_slice %arg4[%add3A_760, %dma_start3A_767] : memref<819200x32xf32, #tpu.memory_space<hbm>> -> memref<1280x32xf32, #tpu.memory_space<hbm>>
    %dma_start3A_769 = tpu.memref_slice %arg8[%dma_start3A_762] : memref<3x!tpu.dma_semaphore, #tpu.memory_space<semaphore_mem>> -> memref<1x!tpu.dma_semaphore, #tpu.memory_space<semaphore_mem>>
    %dma_start3A_770 = tpu.memref_squeeze %dma_start3A_769 : memref<1x!tpu.dma_semaphore, #tpu.memory_space<semaphore_mem>> -> memref<!tpu.dma_semaphore, #tpu.memory_space<semaphore_mem>>
    %dma_start3A_771 = arith.constant 0 : i32
    %dma_start3A_772 = tpu.memref_slice %arg4[%add3A_760, %dma_start3A_771] : memref<819200x32xf32, #tpu.memory_space<hbm>> -> memref<1280x32xf32, #tpu.memory_space<hbm>>
    %dma_start3A_773 = arith.constant 0 : i32
    %dma_start3A_774 = arith.constant 0 : i32
    %dma_start3A_775 = tpu.memref_slice %arg6[%dma_start3A_761, %dma_start3A_773, %dma_start3A_774] : memref<3x1280x32xf32, #tpu.memory_space<vmem>> -> memref<1x1280x32xf32, #tpu.memory_space<vmem>>
    %dma_start3A_776 = tpu.memref_squeeze %dma_start3A_775 : memref<1x1280x32xf32, #tpu.memory_space<vmem>> -> memref<1280x32xf32, #tpu.memory_space<vmem>>
    tpu.enqueue_dma source(%dma_start3A_776 : memref<1280x32xf32, #tpu.memory_space<vmem>>) target(%dma_start3A_772 : memref<1280x32xf32, #tpu.memory_space<hbm>>) target_semaphore(%dma_start3A_770 : memref<!tpu.dma_semaphore, #tpu.memory_space<semaphore_mem>>)
    %add3A_777 = arith.constant 12800 : i32
    %add3A_778 = arith.addi %mul3A_2, %add3A_777 : i32
    %dma_wait3A_779 = arith.constant 1 : i32
    %dma_wait3A_780 = arith.constant 1 : i32
    %dma_wait3A_781 = arith.constant 0 : i32
    %dma_wait3A_782 = arith.constant 0 : i32
    %dma_wait3A_783 = tpu.memref_slice %arg6[%dma_wait3A_779, %dma_wait3A_781, %dma_wait3A_782] : memref<3x1280x32xf32, #tpu.memory_space<vmem>> -> memref<1x1280x32xf32, #tpu.memory_space<vmem>>
    %dma_wait3A_784 = tpu.memref_squeeze %dma_wait3A_783 : memref<1x1280x32xf32, #tpu.memory_space<vmem>> -> memref<1280x32xf32, #tpu.memory_space<vmem>>
    %dma_wait3A_785 = arith.constant 0 : i32
    %dma_wait3A_786 = tpu.memref_slice %arg4[%add3A_778, %dma_wait3A_785] : memref<819200x32xf32, #tpu.memory_space<hbm>> -> memref<1280x32xf32, #tpu.memory_space<hbm>>
    %dma_wait3A_787 = tpu.memref_slice %arg8[%dma_wait3A_780] : memref<3x!tpu.dma_semaphore, #tpu.memory_space<semaphore_mem>> -> memref<1x!tpu.dma_semaphore, #tpu.memory_space<semaphore_mem>>
    %dma_wait3A_788 = tpu.memref_squeeze %dma_wait3A_787 : memref<1x!tpu.dma_semaphore, #tpu.memory_space<semaphore_mem>> -> memref<!tpu.dma_semaphore, #tpu.memory_space<semaphore_mem>>
    %dma_wait3A_789 = arith.constant 0 : i32
    %dma_wait3A_790 = tpu.memref_slice %arg4[%add3A_778, %dma_wait3A_789] : memref<819200x32xf32, #tpu.memory_space<hbm>> -> memref<1280x32xf32, #tpu.memory_space<hbm>>
    %dma_wait3A_791 = arith.constant 0 : i32
    %dma_wait3A_792 = arith.constant 0 : i32
    %dma_wait3A_793 = tpu.memref_slice %arg6[%dma_wait3A_779, %dma_wait3A_791, %dma_wait3A_792] : memref<3x1280x32xf32, #tpu.memory_space<vmem>> -> memref<1x1280x32xf32, #tpu.memory_space<vmem>>
    %dma_wait3A_794 = tpu.memref_squeeze %dma_wait3A_793 : memref<1x1280x32xf32, #tpu.memory_space<vmem>> -> memref<1280x32xf32, #tpu.memory_space<vmem>>
    tpu.wait_dma2 semaphore(%dma_wait3A_788 : memref<!tpu.dma_semaphore, #tpu.memory_space<semaphore_mem>>) src(%dma_wait3A_794 : memref<1280x32xf32, #tpu.memory_space<vmem>>) dst(%dma_wait3A_790 : memref<1280x32xf32, #tpu.memory_space<hbm>>)
    %add3A_795 = arith.constant 16640 : i32
    %add3A_796 = arith.addi %mul3A_2, %add3A_795 : i32
    %run_scoped3A_797 = arith.constant 1 : i32
    "tpu.region"() ({
      %run_scoped3A_1380 = tpu.sem_alloc : memref<!tpu.dma_semaphore, #tpu.memory_space<semaphore_mem>>
      %dma_start3A_1381 = arith.constant 0 : i32
      %dma_start3A_1382 = tpu.memref_slice %arg5[%run_scoped3A_797, %dma_start3A_1381] : memref<3x1280xi32, #tpu.memory_space<vmem>> -> memref<1x1280xi32, #tpu.memory_space<vmem>>
      %dma_start3A_1383 = tpu.memref_squeeze %dma_start3A_1382 : memref<1x1280xi32, #tpu.memory_space<vmem>> -> memref<1280xi32, #tpu.memory_space<vmem>>
      %dma_start3A_1384 = tpu.memref_slice %arg2[%add3A_796] : memref<819200xi32, #tpu.memory_space<hbm>> -> memref<1280xi32, #tpu.memory_space<hbm>>
      %dma_start3A_1385 = arith.constant 0 : i32
      %dma_start3A_1386 = tpu.memref_slice %arg5[%run_scoped3A_797, %dma_start3A_1385] : memref<3x1280xi32, #tpu.memory_space<vmem>> -> memref<1x1280xi32, #tpu.memory_space<vmem>>
      %dma_start3A_1387 = tpu.memref_squeeze %dma_start3A_1386 : memref<1x1280xi32, #tpu.memory_space<vmem>> -> memref<1280xi32, #tpu.memory_space<vmem>>
      %dma_start3A_1388 = tpu.memref_slice %arg2[%add3A_796] : memref<819200xi32, #tpu.memory_space<hbm>> -> memref<1280xi32, #tpu.memory_space<hbm>>
      tpu.enqueue_dma source(%dma_start3A_1388 : memref<1280xi32, #tpu.memory_space<hbm>>) target(%dma_start3A_1387 : memref<1280xi32, #tpu.memory_space<vmem>>) target_semaphore(%run_scoped3A_1380 : memref<!tpu.dma_semaphore, #tpu.memory_space<semaphore_mem>>)
      %dma_wait3A_1389 = arith.constant 0 : i32
      %dma_wait3A_1390 = tpu.memref_slice %arg5[%run_scoped3A_797, %dma_wait3A_1389] : memref<3x1280xi32, #tpu.memory_space<vmem>> -> memref<1x1280xi32, #tpu.memory_space<vmem>>
      %dma_wait3A_1391 = tpu.memref_squeeze %dma_wait3A_1390 : memref<1x1280xi32, #tpu.memory_space<vmem>> -> memref<1280xi32, #tpu.memory_space<vmem>>
      %dma_wait3A_1392 = tpu.memref_slice %arg2[%add3A_796] : memref<819200xi32, #tpu.memory_space<hbm>> -> memref<1280xi32, #tpu.memory_space<hbm>>
      %dma_wait3A_1393 = arith.constant 0 : i32
      %dma_wait3A_1394 = tpu.memref_slice %arg5[%run_scoped3A_797, %dma_wait3A_1393] : memref<3x1280xi32, #tpu.memory_space<vmem>> -> memref<1x1280xi32, #tpu.memory_space<vmem>>
      %dma_wait3A_1395 = tpu.memref_squeeze %dma_wait3A_1394 : memref<1x1280xi32, #tpu.memory_space<vmem>> -> memref<1280xi32, #tpu.memory_space<vmem>>
      %dma_wait3A_1396 = tpu.memref_slice %arg2[%add3A_796] : memref<819200xi32, #tpu.memory_space<hbm>> -> memref<1280xi32, #tpu.memory_space<hbm>>
      tpu.wait_dma2 semaphore(%run_scoped3A_1380 : memref<!tpu.dma_semaphore, #tpu.memory_space<semaphore_mem>>) src(%dma_wait3A_1396 : memref<1280xi32, #tpu.memory_space<hbm>>) dst(%dma_wait3A_1395 : memref<1280xi32, #tpu.memory_space<vmem>>)
      tpu.yield
    }) : () -> ()
    %dma_start3A_798 = arith.constant 1 : i32
    %dma_start3A_799 = arith.constant 1 : i32
    %dma_start3A_800 = arith.constant 1 : i32
    %dma_start3A_801 = arith.constant 0 : i32
    %dma_start3A_802 = arith.constant 0 : i32
    %dma_start3A_803 = tpu.memref_slice %arg6[%dma_start3A_799, %dma_start3A_801, %dma_start3A_802] : memref<3x1280x32xf32, #tpu.memory_space<vmem>> -> memref<1x1280x32xf32, #tpu.memory_space<vmem>>
    %dma_start3A_804 = tpu.memref_squeeze %dma_start3A_803 : memref<1x1280x32xf32, #tpu.memory_space<vmem>> -> memref<1280x32xf32, #tpu.memory_space<vmem>>
    %dma_start3A_805 = arith.constant 0 : i32
    %dma_start3A_806 = tpu.memref_slice %arg5[%dma_start3A_798, %dma_start3A_805] : memref<3x1280xi32, #tpu.memory_space<vmem>> -> memref<1x1280xi32, #tpu.memory_space<vmem>>
    %dma_start3A_807 = tpu.memref_squeeze %dma_start3A_806 : memref<1x1280xi32, #tpu.memory_space<vmem>> -> memref<1280xi32, #tpu.memory_space<vmem>>
    %dma_start3A_808 = arith.constant 0 : i32
    %dma_start3A_809 = arith.constant 0 : i32
    %dma_start3A_810 = tpu.memref_slice %arg3[%dma_start3A_808, %dma_start3A_809] : memref<1000000x32xf32, #tpu.memory_space<hbm>> -> memref<1000000x32xf32, #tpu.memory_space<hbm>>
    %dma_start3A_811 = tpu.memref_slice %arg7[%dma_start3A_800] : memref<3x!tpu.dma_semaphore, #tpu.memory_space<semaphore_mem>> -> memref<1x!tpu.dma_semaphore, #tpu.memory_space<semaphore_mem>>
    %dma_start3A_812 = tpu.memref_squeeze %dma_start3A_811 : memref<1x!tpu.dma_semaphore, #tpu.memory_space<semaphore_mem>> -> memref<!tpu.dma_semaphore, #tpu.memory_space<semaphore_mem>>
    tpu.enqueue_indirect_dma source(%dma_start3A_810 : memref<1000000x32xf32, #tpu.memory_space<hbm>>) target(%dma_start3A_804 : memref<1280x32xf32, #tpu.memory_space<vmem>>) offsets(%dma_start3A_807 : memref<1280xi32, #tpu.memory_space<vmem>>) semaphore(%dma_start3A_812 : memref<!tpu.dma_semaphore, #tpu.memory_space<semaphore_mem>>)
    %dma_wait3A_813 = arith.constant 2 : i32
    %dma_wait3A_814 = arith.constant 2 : i32
    %dma_wait3A_815 = arith.constant 2 : i32
    %dma_wait3A_816 = arith.constant 0 : i32
    %dma_wait3A_817 = arith.constant 0 : i32
    %dma_wait3A_818 = tpu.memref_slice %arg6[%dma_wait3A_814, %dma_wait3A_816, %dma_wait3A_817] : memref<3x1280x32xf32, #tpu.memory_space<vmem>> -> memref<1x1280x32xf32, #tpu.memory_space<vmem>>
    %dma_wait3A_819 = tpu.memref_squeeze %dma_wait3A_818 : memref<1x1280x32xf32, #tpu.memory_space<vmem>> -> memref<1280x32xf32, #tpu.memory_space<vmem>>
    %dma_wait3A_820 = arith.constant 0 : i32
    %dma_wait3A_821 = tpu.memref_slice %arg5[%dma_wait3A_813, %dma_wait3A_820] : memref<3x1280xi32, #tpu.memory_space<vmem>> -> memref<1x1280xi32, #tpu.memory_space<vmem>>
    %dma_wait3A_822 = tpu.memref_squeeze %dma_wait3A_821 : memref<1x1280xi32, #tpu.memory_space<vmem>> -> memref<1280xi32, #tpu.memory_space<vmem>>
    %dma_wait3A_823 = arith.constant 0 : i32
    %dma_wait3A_824 = arith.constant 0 : i32
    %dma_wait3A_825 = tpu.memref_slice %arg3[%dma_wait3A_823, %dma_wait3A_824] : memref<1000000x32xf32, #tpu.memory_space<hbm>> -> memref<1000000x32xf32, #tpu.memory_space<hbm>>
    %dma_wait3A_826 = tpu.memref_slice %arg7[%dma_wait3A_815] : memref<3x!tpu.dma_semaphore, #tpu.memory_space<semaphore_mem>> -> memref<1x!tpu.dma_semaphore, #tpu.memory_space<semaphore_mem>>
    %dma_wait3A_827 = tpu.memref_squeeze %dma_wait3A_826 : memref<1x!tpu.dma_semaphore, #tpu.memory_space<semaphore_mem>> -> memref<!tpu.dma_semaphore, #tpu.memory_space<semaphore_mem>>
    tpu.wait_indirect_dma semaphore(%dma_wait3A_827 : memref<!tpu.dma_semaphore, #tpu.memory_space<semaphore_mem>>) src(%dma_wait3A_825 : memref<1000000x32xf32, #tpu.memory_space<hbm>>) dst(%dma_wait3A_819 : memref<1280x32xf32, #tpu.memory_space<vmem>>)
    %add3A_828 = arith.constant 14080 : i32
    %add3A_829 = arith.addi %mul3A_2, %add3A_828 : i32
    %dma_start3A_830 = arith.constant 2 : i32
    %dma_start3A_831 = arith.constant 2 : i32
    %dma_start3A_832 = arith.constant 0 : i32
    %dma_start3A_833 = arith.constant 0 : i32
    %dma_start3A_834 = tpu.memref_slice %arg6[%dma_start3A_830, %dma_start3A_832, %dma_start3A_833] : memref<3x1280x32xf32, #tpu.memory_space<vmem>> -> memref<1x1280x32xf32, #tpu.memory_space<vmem>>
    %dma_start3A_835 = tpu.memref_squeeze %dma_start3A_834 : memref<1x1280x32xf32, #tpu.memory_space<vmem>> -> memref<1280x32xf32, #tpu.memory_space<vmem>>
    %dma_start3A_836 = arith.constant 0 : i32
    %dma_start3A_837 = tpu.memref_slice %arg4[%add3A_829, %dma_start3A_836] : memref<819200x32xf32, #tpu.memory_space<hbm>> -> memref<1280x32xf32, #tpu.memory_space<hbm>>
    %dma_start3A_838 = tpu.memref_slice %arg8[%dma_start3A_831] : memref<3x!tpu.dma_semaphore, #tpu.memory_space<semaphore_mem>> -> memref<1x!tpu.dma_semaphore, #tpu.memory_space<semaphore_mem>>
    %dma_start3A_839 = tpu.memref_squeeze %dma_start3A_838 : memref<1x!tpu.dma_semaphore, #tpu.memory_space<semaphore_mem>> -> memref<!tpu.dma_semaphore, #tpu.memory_space<semaphore_mem>>
    %dma_start3A_840 = arith.constant 0 : i32
    %dma_start3A_841 = tpu.memref_slice %arg4[%add3A_829, %dma_start3A_840] : memref<819200x32xf32, #tpu.memory_space<hbm>> -> memref<1280x32xf32, #tpu.memory_space<hbm>>
    %dma_start3A_842 = arith.constant 0 : i32
    %dma_start3A_843 = arith.constant 0 : i32
    %dma_start3A_844 = tpu.memref_slice %arg6[%dma_start3A_830, %dma_start3A_842, %dma_start3A_843] : memref<3x1280x32xf32, #tpu.memory_space<vmem>> -> memref<1x1280x32xf32, #tpu.memory_space<vmem>>
    %dma_start3A_845 = tpu.memref_squeeze %dma_start3A_844 : memref<1x1280x32xf32, #tpu.memory_space<vmem>> -> memref<1280x32xf32, #tpu.memory_space<vmem>>
    tpu.enqueue_dma source(%dma_start3A_845 : memref<1280x32xf32, #tpu.memory_space<vmem>>) target(%dma_start3A_841 : memref<1280x32xf32, #tpu.memory_space<hbm>>) target_semaphore(%dma_start3A_839 : memref<!tpu.dma_semaphore, #tpu.memory_space<semaphore_mem>>)
    %add3A_846 = arith.constant 14080 : i32
    %add3A_847 = arith.addi %mul3A_2, %add3A_846 : i32
    %dma_wait3A_848 = arith.constant 2 : i32
    %dma_wait3A_849 = arith.constant 2 : i32
    %dma_wait3A_850 = arith.constant 0 : i32
    %dma_wait3A_851 = arith.constant 0 : i32
    %dma_wait3A_852 = tpu.memref_slice %arg6[%dma_wait3A_848, %dma_wait3A_850, %dma_wait3A_851] : memref<3x1280x32xf32, #tpu.memory_space<vmem>> -> memref<1x1280x32xf32, #tpu.memory_space<vmem>>
    %dma_wait3A_853 = tpu.memref_squeeze %dma_wait3A_852 : memref<1x1280x32xf32, #tpu.memory_space<vmem>> -> memref<1280x32xf32, #tpu.memory_space<vmem>>
    %dma_wait3A_854 = arith.constant 0 : i32
    %dma_wait3A_855 = tpu.memref_slice %arg4[%add3A_847, %dma_wait3A_854] : memref<819200x32xf32, #tpu.memory_space<hbm>> -> memref<1280x32xf32, #tpu.memory_space<hbm>>
    %dma_wait3A_856 = tpu.memref_slice %arg8[%dma_wait3A_849] : memref<3x!tpu.dma_semaphore, #tpu.memory_space<semaphore_mem>> -> memref<1x!tpu.dma_semaphore, #tpu.memory_space<semaphore_mem>>
    %dma_wait3A_857 = tpu.memref_squeeze %dma_wait3A_856 : memref<1x!tpu.dma_semaphore, #tpu.memory_space<semaphore_mem>> -> memref<!tpu.dma_semaphore, #tpu.memory_space<semaphore_mem>>
    %dma_wait3A_858 = arith.constant 0 : i32
    %dma_wait3A_859 = tpu.memref_slice %arg4[%add3A_847, %dma_wait3A_858] : memref<819200x32xf32, #tpu.memory_space<hbm>> -> memref<1280x32xf32, #tpu.memory_space<hbm>>
    %dma_wait3A_860 = arith.constant 0 : i32
    %dma_wait3A_861 = arith.constant 0 : i32
    %dma_wait3A_862 = tpu.memref_slice %arg6[%dma_wait3A_848, %dma_wait3A_860, %dma_wait3A_861] : memref<3x1280x32xf32, #tpu.memory_space<vmem>> -> memref<1x1280x32xf32, #tpu.memory_space<vmem>>
    %dma_wait3A_863 = tpu.memref_squeeze %dma_wait3A_862 : memref<1x1280x32xf32, #tpu.memory_space<vmem>> -> memref<1280x32xf32, #tpu.memory_space<vmem>>
    tpu.wait_dma2 semaphore(%dma_wait3A_857 : memref<!tpu.dma_semaphore, #tpu.memory_space<semaphore_mem>>) src(%dma_wait3A_863 : memref<1280x32xf32, #tpu.memory_space<vmem>>) dst(%dma_wait3A_859 : memref<1280x32xf32, #tpu.memory_space<hbm>>)
    %add3A_864 = arith.constant 17920 : i32
    %add3A_865 = arith.addi %mul3A_2, %add3A_864 : i32
    %run_scoped3A_866 = arith.constant 2 : i32
    "tpu.region"() ({
      %run_scoped3A_1380 = tpu.sem_alloc : memref<!tpu.dma_semaphore, #tpu.memory_space<semaphore_mem>>
      %dma_start3A_1381 = arith.constant 0 : i32
      %dma_start3A_1382 = tpu.memref_slice %arg5[%run_scoped3A_866, %dma_start3A_1381] : memref<3x1280xi32, #tpu.memory_space<vmem>> -> memref<1x1280xi32, #tpu.memory_space<vmem>>
      %dma_start3A_1383 = tpu.memref_squeeze %dma_start3A_1382 : memref<1x1280xi32, #tpu.memory_space<vmem>> -> memref<1280xi32, #tpu.memory_space<vmem>>
      %dma_start3A_1384 = tpu.memref_slice %arg2[%add3A_865] : memref<819200xi32, #tpu.memory_space<hbm>> -> memref<1280xi32, #tpu.memory_space<hbm>>
      %dma_start3A_1385 = arith.constant 0 : i32
      %dma_start3A_1386 = tpu.memref_slice %arg5[%run_scoped3A_866, %dma_start3A_1385] : memref<3x1280xi32, #tpu.memory_space<vmem>> -> memref<1x1280xi32, #tpu.memory_space<vmem>>
      %dma_start3A_1387 = tpu.memref_squeeze %dma_start3A_1386 : memref<1x1280xi32, #tpu.memory_space<vmem>> -> memref<1280xi32, #tpu.memory_space<vmem>>
      %dma_start3A_1388 = tpu.memref_slice %arg2[%add3A_865] : memref<819200xi32, #tpu.memory_space<hbm>> -> memref<1280xi32, #tpu.memory_space<hbm>>
      tpu.enqueue_dma source(%dma_start3A_1388 : memref<1280xi32, #tpu.memory_space<hbm>>) target(%dma_start3A_1387 : memref<1280xi32, #tpu.memory_space<vmem>>) target_semaphore(%run_scoped3A_1380 : memref<!tpu.dma_semaphore, #tpu.memory_space<semaphore_mem>>)
      %dma_wait3A_1389 = arith.constant 0 : i32
      %dma_wait3A_1390 = tpu.memref_slice %arg5[%run_scoped3A_866, %dma_wait3A_1389] : memref<3x1280xi32, #tpu.memory_space<vmem>> -> memref<1x1280xi32, #tpu.memory_space<vmem>>
      %dma_wait3A_1391 = tpu.memref_squeeze %dma_wait3A_1390 : memref<1x1280xi32, #tpu.memory_space<vmem>> -> memref<1280xi32, #tpu.memory_space<vmem>>
      %dma_wait3A_1392 = tpu.memref_slice %arg2[%add3A_865] : memref<819200xi32, #tpu.memory_space<hbm>> -> memref<1280xi32, #tpu.memory_space<hbm>>
      %dma_wait3A_1393 = arith.constant 0 : i32
      %dma_wait3A_1394 = tpu.memref_slice %arg5[%run_scoped3A_866, %dma_wait3A_1393] : memref<3x1280xi32, #tpu.memory_space<vmem>> -> memref<1x1280xi32, #tpu.memory_space<vmem>>
      %dma_wait3A_1395 = tpu.memref_squeeze %dma_wait3A_1394 : memref<1x1280xi32, #tpu.memory_space<vmem>> -> memref<1280xi32, #tpu.memory_space<vmem>>
      %dma_wait3A_1396 = tpu.memref_slice %arg2[%add3A_865] : memref<819200xi32, #tpu.memory_space<hbm>> -> memref<1280xi32, #tpu.memory_space<hbm>>
      tpu.wait_dma2 semaphore(%run_scoped3A_1380 : memref<!tpu.dma_semaphore, #tpu.memory_space<semaphore_mem>>) src(%dma_wait3A_1396 : memref<1280xi32, #tpu.memory_space<hbm>>) dst(%dma_wait3A_1395 : memref<1280xi32, #tpu.memory_space<vmem>>)
      tpu.yield
    }) : () -> ()
    %dma_start3A_867 = arith.constant 2 : i32
    %dma_start3A_868 = arith.constant 2 : i32
    %dma_start3A_869 = arith.constant 2 : i32
    %dma_start3A_870 = arith.constant 0 : i32
    %dma_start3A_871 = arith.constant 0 : i32
    %dma_start3A_872 = tpu.memref_slice %arg6[%dma_start3A_868, %dma_start3A_870, %dma_start3A_871] : memref<3x1280x32xf32, #tpu.memory_space<vmem>> -> memref<1x1280x32xf32, #tpu.memory_space<vmem>>
    %dma_start3A_873 = tpu.memref_squeeze %dma_start3A_872 : memref<1x1280x32xf32, #tpu.memory_space<vmem>> -> memref<1280x32xf32, #tpu.memory_space<vmem>>
    %dma_start3A_874 = arith.constant 0 : i32
    %dma_start3A_875 = tpu.memref_slice %arg5[%dma_start3A_867, %dma_start3A_874] : memref<3x1280xi32, #tpu.memory_space<vmem>> -> memref<1x1280xi32, #tpu.memory_space<vmem>>
    %dma_start3A_876 = tpu.memref_squeeze %dma_start3A_875 : memref<1x1280xi32, #tpu.memory_space<vmem>> -> memref<1280xi32, #tpu.memory_space<vmem>>
    %dma_start3A_877 = arith.constant 0 : i32
    %dma_start3A_878 = arith.constant 0 : i32
    %dma_start3A_879 = tpu.memref_slice %arg3[%dma_start3A_877, %dma_start3A_878] : memref<1000000x32xf32, #tpu.memory_space<hbm>> -> memref<1000000x32xf32, #tpu.memory_space<hbm>>
    %dma_start3A_880 = tpu.memref_slice %arg7[%dma_start3A_869] : memref<3x!tpu.dma_semaphore, #tpu.memory_space<semaphore_mem>> -> memref<1x!tpu.dma_semaphore, #tpu.memory_space<semaphore_mem>>
    %dma_start3A_881 = tpu.memref_squeeze %dma_start3A_880 : memref<1x!tpu.dma_semaphore, #tpu.memory_space<semaphore_mem>> -> memref<!tpu.dma_semaphore, #tpu.memory_space<semaphore_mem>>
    tpu.enqueue_indirect_dma source(%dma_start3A_879 : memref<1000000x32xf32, #tpu.memory_space<hbm>>) target(%dma_start3A_873 : memref<1280x32xf32, #tpu.memory_space<vmem>>) offsets(%dma_start3A_876 : memref<1280xi32, #tpu.memory_space<vmem>>) semaphore(%dma_start3A_881 : memref<!tpu.dma_semaphore, #tpu.memory_space<semaphore_mem>>)
    %dma_wait3A_882 = arith.constant 0 : i32
    %dma_wait3A_883 = arith.constant 0 : i32
    %dma_wait3A_884 = arith.constant 0 : i32
    %dma_wait3A_885 = arith.constant 0 : i32
    %dma_wait3A_886 = arith.constant 0 : i32
    %dma_wait3A_887 = tpu.memref_slice %arg6[%dma_wait3A_883, %dma_wait3A_885, %dma_wait3A_886] : memref<3x1280x32xf32, #tpu.memory_space<vmem>> -> memref<1x1280x32xf32, #tpu.memory_space<vmem>>
    %dma_wait3A_888 = tpu.memref_squeeze %dma_wait3A_887 : memref<1x1280x32xf32, #tpu.memory_space<vmem>> -> memref<1280x32xf32, #tpu.memory_space<vmem>>
    %dma_wait3A_889 = arith.constant 0 : i32
    %dma_wait3A_890 = tpu.memref_slice %arg5[%dma_wait3A_882, %dma_wait3A_889] : memref<3x1280xi32, #tpu.memory_space<vmem>> -> memref<1x1280xi32, #tpu.memory_space<vmem>>
    %dma_wait3A_891 = tpu.memref_squeeze %dma_wait3A_890 : memref<1x1280xi32, #tpu.memory_space<vmem>> -> memref<1280xi32, #tpu.memory_space<vmem>>
    %dma_wait3A_892 = arith.constant 0 : i32
    %dma_wait3A_893 = arith.constant 0 : i32
    %dma_wait3A_894 = tpu.memref_slice %arg3[%dma_wait3A_892, %dma_wait3A_893] : memref<1000000x32xf32, #tpu.memory_space<hbm>> -> memref<1000000x32xf32, #tpu.memory_space<hbm>>
    %dma_wait3A_895 = tpu.memref_slice %arg7[%dma_wait3A_884] : memref<3x!tpu.dma_semaphore, #tpu.memory_space<semaphore_mem>> -> memref<1x!tpu.dma_semaphore, #tpu.memory_space<semaphore_mem>>
    %dma_wait3A_896 = tpu.memref_squeeze %dma_wait3A_895 : memref<1x!tpu.dma_semaphore, #tpu.memory_space<semaphore_mem>> -> memref<!tpu.dma_semaphore, #tpu.memory_space<semaphore_mem>>
    tpu.wait_indirect_dma semaphore(%dma_wait3A_896 : memref<!tpu.dma_semaphore, #tpu.memory_space<semaphore_mem>>) src(%dma_wait3A_894 : memref<1000000x32xf32, #tpu.memory_space<hbm>>) dst(%dma_wait3A_888 : memref<1280x32xf32, #tpu.memory_space<vmem>>)
    %add3A_897 = arith.constant 15360 : i32
    %add3A_898 = arith.addi %mul3A_2, %add3A_897 : i32
    %dma_start3A_899 = arith.constant 0 : i32
    %dma_start3A_900 = arith.constant 0 : i32
    %dma_start3A_901 = arith.constant 0 : i32
    %dma_start3A_902 = arith.constant 0 : i32
    %dma_start3A_903 = tpu.memref_slice %arg6[%dma_start3A_899, %dma_start3A_901, %dma_start3A_902] : memref<3x1280x32xf32, #tpu.memory_space<vmem>> -> memref<1x1280x32xf32, #tpu.memory_space<vmem>>
    %dma_start3A_904 = tpu.memref_squeeze %dma_start3A_903 : memref<1x1280x32xf32, #tpu.memory_space<vmem>> -> memref<1280x32xf32, #tpu.memory_space<vmem>>
    %dma_start3A_905 = arith.constant 0 : i32
    %dma_start3A_906 = tpu.memref_slice %arg4[%add3A_898, %dma_start3A_905] : memref<819200x32xf32, #tpu.memory_space<hbm>> -> memref<1280x32xf32, #tpu.memory_space<hbm>>
    %dma_start3A_907 = tpu.memref_slice %arg8[%dma_start3A_900] : memref<3x!tpu.dma_semaphore, #tpu.memory_space<semaphore_mem>> -> memref<1x!tpu.dma_semaphore, #tpu.memory_space<semaphore_mem>>
    %dma_start3A_908 = tpu.memref_squeeze %dma_start3A_907 : memref<1x!tpu.dma_semaphore, #tpu.memory_space<semaphore_mem>> -> memref<!tpu.dma_semaphore, #tpu.memory_space<semaphore_mem>>
    %dma_start3A_909 = arith.constant 0 : i32
    %dma_start3A_910 = tpu.memref_slice %arg4[%add3A_898, %dma_start3A_909] : memref<819200x32xf32, #tpu.memory_space<hbm>> -> memref<1280x32xf32, #tpu.memory_space<hbm>>
    %dma_start3A_911 = arith.constant 0 : i32
    %dma_start3A_912 = arith.constant 0 : i32
    %dma_start3A_913 = tpu.memref_slice %arg6[%dma_start3A_899, %dma_start3A_911, %dma_start3A_912] : memref<3x1280x32xf32, #tpu.memory_space<vmem>> -> memref<1x1280x32xf32, #tpu.memory_space<vmem>>
    %dma_start3A_914 = tpu.memref_squeeze %dma_start3A_913 : memref<1x1280x32xf32, #tpu.memory_space<vmem>> -> memref<1280x32xf32, #tpu.memory_space<vmem>>
    tpu.enqueue_dma source(%dma_start3A_914 : memref<1280x32xf32, #tpu.memory_space<vmem>>) target(%dma_start3A_910 : memref<1280x32xf32, #tpu.memory_space<hbm>>) target_semaphore(%dma_start3A_908 : memref<!tpu.dma_semaphore, #tpu.memory_space<semaphore_mem>>)
    %add3A_915 = arith.constant 15360 : i32
    %add3A_916 = arith.addi %mul3A_2, %add3A_915 : i32
    %dma_wait3A_917 = arith.constant 0 : i32
    %dma_wait3A_918 = arith.constant 0 : i32
    %dma_wait3A_919 = arith.constant 0 : i32
    %dma_wait3A_920 = arith.constant 0 : i32
    %dma_wait3A_921 = tpu.memref_slice %arg6[%dma_wait3A_917, %dma_wait3A_919, %dma_wait3A_920] : memref<3x1280x32xf32, #tpu.memory_space<vmem>> -> memref<1x1280x32xf32, #tpu.memory_space<vmem>>
    %dma_wait3A_922 = tpu.memref_squeeze %dma_wait3A_921 : memref<1x1280x32xf32, #tpu.memory_space<vmem>> -> memref<1280x32xf32, #tpu.memory_space<vmem>>
    %dma_wait3A_923 = arith.constant 0 : i32
    %dma_wait3A_924 = tpu.memref_slice %arg4[%add3A_916, %dma_wait3A_923] : memref<819200x32xf32, #tpu.memory_space<hbm>> -> memref<1280x32xf32, #tpu.memory_space<hbm>>
    %dma_wait3A_925 = tpu.memref_slice %arg8[%dma_wait3A_918] : memref<3x!tpu.dma_semaphore, #tpu.memory_space<semaphore_mem>> -> memref<1x!tpu.dma_semaphore, #tpu.memory_space<semaphore_mem>>
    %dma_wait3A_926 = tpu.memref_squeeze %dma_wait3A_925 : memref<1x!tpu.dma_semaphore, #tpu.memory_space<semaphore_mem>> -> memref<!tpu.dma_semaphore, #tpu.memory_space<semaphore_mem>>
    %dma_wait3A_927 = arith.constant 0 : i32
    %dma_wait3A_928 = tpu.memref_slice %arg4[%add3A_916, %dma_wait3A_927] : memref<819200x32xf32, #tpu.memory_space<hbm>> -> memref<1280x32xf32, #tpu.memory_space<hbm>>
    %dma_wait3A_929 = arith.constant 0 : i32
    %dma_wait3A_930 = arith.constant 0 : i32
    %dma_wait3A_931 = tpu.memref_slice %arg6[%dma_wait3A_917, %dma_wait3A_929, %dma_wait3A_930] : memref<3x1280x32xf32, #tpu.memory_space<vmem>> -> memref<1x1280x32xf32, #tpu.memory_space<vmem>>
    %dma_wait3A_932 = tpu.memref_squeeze %dma_wait3A_931 : memref<1x1280x32xf32, #tpu.memory_space<vmem>> -> memref<1280x32xf32, #tpu.memory_space<vmem>>
    tpu.wait_dma2 semaphore(%dma_wait3A_926 : memref<!tpu.dma_semaphore, #tpu.memory_space<semaphore_mem>>) src(%dma_wait3A_932 : memref<1280x32xf32, #tpu.memory_space<vmem>>) dst(%dma_wait3A_928 : memref<1280x32xf32, #tpu.memory_space<hbm>>)
    %add3A_933 = arith.constant 19200 : i32
    %add3A_934 = arith.addi %mul3A_2, %add3A_933 : i32
    %run_scoped3A_935 = arith.constant 0 : i32
    "tpu.region"() ({
      %run_scoped3A_1380 = tpu.sem_alloc : memref<!tpu.dma_semaphore, #tpu.memory_space<semaphore_mem>>
      %dma_start3A_1381 = arith.constant 0 : i32
      %dma_start3A_1382 = tpu.memref_slice %arg5[%run_scoped3A_935, %dma_start3A_1381] : memref<3x1280xi32, #tpu.memory_space<vmem>> -> memref<1x1280xi32, #tpu.memory_space<vmem>>
      %dma_start3A_1383 = tpu.memref_squeeze %dma_start3A_1382 : memref<1x1280xi32, #tpu.memory_space<vmem>> -> memref<1280xi32, #tpu.memory_space<vmem>>
      %dma_start3A_1384 = tpu.memref_slice %arg2[%add3A_934] : memref<819200xi32, #tpu.memory_space<hbm>> -> memref<1280xi32, #tpu.memory_space<hbm>>
      %dma_start3A_1385 = arith.constant 0 : i32
      %dma_start3A_1386 = tpu.memref_slice %arg5[%run_scoped3A_935, %dma_start3A_1385] : memref<3x1280xi32, #tpu.memory_space<vmem>> -> memref<1x1280xi32, #tpu.memory_space<vmem>>
      %dma_start3A_1387 = tpu.memref_squeeze %dma_start3A_1386 : memref<1x1280xi32, #tpu.memory_space<vmem>> -> memref<1280xi32, #tpu.memory_space<vmem>>
      %dma_start3A_1388 = tpu.memref_slice %arg2[%add3A_934] : memref<819200xi32, #tpu.memory_space<hbm>> -> memref<1280xi32, #tpu.memory_space<hbm>>
      tpu.enqueue_dma source(%dma_start3A_1388 : memref<1280xi32, #tpu.memory_space<hbm>>) target(%dma_start3A_1387 : memref<1280xi32, #tpu.memory_space<vmem>>) target_semaphore(%run_scoped3A_1380 : memref<!tpu.dma_semaphore, #tpu.memory_space<semaphore_mem>>)
      %dma_wait3A_1389 = arith.constant 0 : i32
      %dma_wait3A_1390 = tpu.memref_slice %arg5[%run_scoped3A_935, %dma_wait3A_1389] : memref<3x1280xi32, #tpu.memory_space<vmem>> -> memref<1x1280xi32, #tpu.memory_space<vmem>>
      %dma_wait3A_1391 = tpu.memref_squeeze %dma_wait3A_1390 : memref<1x1280xi32, #tpu.memory_space<vmem>> -> memref<1280xi32, #tpu.memory_space<vmem>>
      %dma_wait3A_1392 = tpu.memref_slice %arg2[%add3A_934] : memref<819200xi32, #tpu.memory_space<hbm>> -> memref<1280xi32, #tpu.memory_space<hbm>>
      %dma_wait3A_1393 = arith.constant 0 : i32
      %dma_wait3A_1394 = tpu.memref_slice %arg5[%run_scoped3A_935, %dma_wait3A_1393] : memref<3x1280xi32, #tpu.memory_space<vmem>> -> memref<1x1280xi32, #tpu.memory_space<vmem>>
      %dma_wait3A_1395 = tpu.memref_squeeze %dma_wait3A_1394 : memref<1x1280xi32, #tpu.memory_space<vmem>> -> memref<1280xi32, #tpu.memory_space<vmem>>
      %dma_wait3A_1396 = tpu.memref_slice %arg2[%add3A_934] : memref<819200xi32, #tpu.memory_space<hbm>> -> memref<1280xi32, #tpu.memory_space<hbm>>
      tpu.wait_dma2 semaphore(%run_scoped3A_1380 : memref<!tpu.dma_semaphore, #tpu.memory_space<semaphore_mem>>) src(%dma_wait3A_1396 : memref<1280xi32, #tpu.memory_space<hbm>>) dst(%dma_wait3A_1395 : memref<1280xi32, #tpu.memory_space<vmem>>)
      tpu.yield
    }) : () -> ()
    %dma_start3A_936 = arith.constant 0 : i32
    %dma_start3A_937 = arith.constant 0 : i32
    %dma_start3A_938 = arith.constant 0 : i32
    %dma_start3A_939 = arith.constant 0 : i32
    %dma_start3A_940 = arith.constant 0 : i32
    %dma_start3A_941 = tpu.memref_slice %arg6[%dma_start3A_937, %dma_start3A_939, %dma_start3A_940] : memref<3x1280x32xf32, #tpu.memory_space<vmem>> -> memref<1x1280x32xf32, #tpu.memory_space<vmem>>
    %dma_start3A_942 = tpu.memref_squeeze %dma_start3A_941 : memref<1x1280x32xf32, #tpu.memory_space<vmem>> -> memref<1280x32xf32, #tpu.memory_space<vmem>>
    %dma_start3A_943 = arith.constant 0 : i32
    %dma_start3A_944 = tpu.memref_slice %arg5[%dma_start3A_936, %dma_start3A_943] : memref<3x1280xi32, #tpu.memory_space<vmem>> -> memref<1x1280xi32, #tpu.memory_space<vmem>>
    %dma_start3A_945 = tpu.memref_squeeze %dma_start3A_944 : memref<1x1280xi32, #tpu.memory_space<vmem>> -> memref<1280xi32, #tpu.memory_space<vmem>>
    %dma_start3A_946 = arith.constant 0 : i32
    %dma_start3A_947 = arith.constant 0 : i32
    %dma_start3A_948 = tpu.memref_slice %arg3[%dma_start3A_946, %dma_start3A_947] : memref<1000000x32xf32, #tpu.memory_space<hbm>> -> memref<1000000x32xf32, #tpu.memory_space<hbm>>
    %dma_start3A_949 = tpu.memref_slice %arg7[%dma_start3A_938] : memref<3x!tpu.dma_semaphore, #tpu.memory_space<semaphore_mem>> -> memref<1x!tpu.dma_semaphore, #tpu.memory_space<semaphore_mem>>
    %dma_start3A_950 = tpu.memref_squeeze %dma_start3A_949 : memref<1x!tpu.dma_semaphore, #tpu.memory_space<semaphore_mem>> -> memref<!tpu.dma_semaphore, #tpu.memory_space<semaphore_mem>>
    tpu.enqueue_indirect_dma source(%dma_start3A_948 : memref<1000000x32xf32, #tpu.memory_space<hbm>>) target(%dma_start3A_942 : memref<1280x32xf32, #tpu.memory_space<vmem>>) offsets(%dma_start3A_945 : memref<1280xi32, #tpu.memory_space<vmem>>) semaphore(%dma_start3A_950 : memref<!tpu.dma_semaphore, #tpu.memory_space<semaphore_mem>>)
    %dma_wait3A_951 = arith.constant 1 : i32
    %dma_wait3A_952 = arith.constant 1 : i32
    %dma_wait3A_953 = arith.constant 1 : i32
    %dma_wait3A_954 = arith.constant 0 : i32
    %dma_wait3A_955 = arith.constant 0 : i32
    %dma_wait3A_956 = tpu.memref_slice %arg6[%dma_wait3A_952, %dma_wait3A_954, %dma_wait3A_955] : memref<3x1280x32xf32, #tpu.memory_space<vmem>> -> memref<1x1280x32xf32, #tpu.memory_space<vmem>>
    %dma_wait3A_957 = tpu.memref_squeeze %dma_wait3A_956 : memref<1x1280x32xf32, #tpu.memory_space<vmem>> -> memref<1280x32xf32, #tpu.memory_space<vmem>>
    %dma_wait3A_958 = arith.constant 0 : i32
    %dma_wait3A_959 = tpu.memref_slice %arg5[%dma_wait3A_951, %dma_wait3A_958] : memref<3x1280xi32, #tpu.memory_space<vmem>> -> memref<1x1280xi32, #tpu.memory_space<vmem>>
    %dma_wait3A_960 = tpu.memref_squeeze %dma_wait3A_959 : memref<1x1280xi32, #tpu.memory_space<vmem>> -> memref<1280xi32, #tpu.memory_space<vmem>>
    %dma_wait3A_961 = arith.constant 0 : i32
    %dma_wait3A_962 = arith.constant 0 : i32
    %dma_wait3A_963 = tpu.memref_slice %arg3[%dma_wait3A_961, %dma_wait3A_962] : memref<1000000x32xf32, #tpu.memory_space<hbm>> -> memref<1000000x32xf32, #tpu.memory_space<hbm>>
    %dma_wait3A_964 = tpu.memref_slice %arg7[%dma_wait3A_953] : memref<3x!tpu.dma_semaphore, #tpu.memory_space<semaphore_mem>> -> memref<1x!tpu.dma_semaphore, #tpu.memory_space<semaphore_mem>>
    %dma_wait3A_965 = tpu.memref_squeeze %dma_wait3A_964 : memref<1x!tpu.dma_semaphore, #tpu.memory_space<semaphore_mem>> -> memref<!tpu.dma_semaphore, #tpu.memory_space<semaphore_mem>>
    tpu.wait_indirect_dma semaphore(%dma_wait3A_965 : memref<!tpu.dma_semaphore, #tpu.memory_space<semaphore_mem>>) src(%dma_wait3A_963 : memref<1000000x32xf32, #tpu.memory_space<hbm>>) dst(%dma_wait3A_957 : memref<1280x32xf32, #tpu.memory_space<vmem>>)
    %add3A_966 = arith.constant 16640 : i32
    %add3A_967 = arith.addi %mul3A_2, %add3A_966 : i32
    %dma_start3A_968 = arith.constant 1 : i32
    %dma_start3A_969 = arith.constant 1 : i32
    %dma_start3A_970 = arith.constant 0 : i32
    %dma_start3A_971 = arith.constant 0 : i32
    %dma_start3A_972 = tpu.memref_slice %arg6[%dma_start3A_968, %dma_start3A_970, %dma_start3A_971] : memref<3x1280x32xf32, #tpu.memory_space<vmem>> -> memref<1x1280x32xf32, #tpu.memory_space<vmem>>
    %dma_start3A_973 = tpu.memref_squeeze %dma_start3A_972 : memref<1x1280x32xf32, #tpu.memory_space<vmem>> -> memref<1280x32xf32, #tpu.memory_space<vmem>>
    %dma_start3A_974 = arith.constant 0 : i32
    %dma_start3A_975 = tpu.memref_slice %arg4[%add3A_967, %dma_start3A_974] : memref<819200x32xf32, #tpu.memory_space<hbm>> -> memref<1280x32xf32, #tpu.memory_space<hbm>>
    %dma_start3A_976 = tpu.memref_slice %arg8[%dma_start3A_969] : memref<3x!tpu.dma_semaphore, #tpu.memory_space<semaphore_mem>> -> memref<1x!tpu.dma_semaphore, #tpu.memory_space<semaphore_mem>>
    %dma_start3A_977 = tpu.memref_squeeze %dma_start3A_976 : memref<1x!tpu.dma_semaphore, #tpu.memory_space<semaphore_mem>> -> memref<!tpu.dma_semaphore, #tpu.memory_space<semaphore_mem>>
    %dma_start3A_978 = arith.constant 0 : i32
    %dma_start3A_979 = tpu.memref_slice %arg4[%add3A_967, %dma_start3A_978] : memref<819200x32xf32, #tpu.memory_space<hbm>> -> memref<1280x32xf32, #tpu.memory_space<hbm>>
    %dma_start3A_980 = arith.constant 0 : i32
    %dma_start3A_981 = arith.constant 0 : i32
    %dma_start3A_982 = tpu.memref_slice %arg6[%dma_start3A_968, %dma_start3A_980, %dma_start3A_981] : memref<3x1280x32xf32, #tpu.memory_space<vmem>> -> memref<1x1280x32xf32, #tpu.memory_space<vmem>>
    %dma_start3A_983 = tpu.memref_squeeze %dma_start3A_982 : memref<1x1280x32xf32, #tpu.memory_space<vmem>> -> memref<1280x32xf32, #tpu.memory_space<vmem>>
    tpu.enqueue_dma source(%dma_start3A_983 : memref<1280x32xf32, #tpu.memory_space<vmem>>) target(%dma_start3A_979 : memref<1280x32xf32, #tpu.memory_space<hbm>>) target_semaphore(%dma_start3A_977 : memref<!tpu.dma_semaphore, #tpu.memory_space<semaphore_mem>>)
    %add3A_984 = arith.constant 16640 : i32
    %add3A_985 = arith.addi %mul3A_2, %add3A_984 : i32
    %dma_wait3A_986 = arith.constant 1 : i32
    %dma_wait3A_987 = arith.constant 1 : i32
    %dma_wait3A_988 = arith.constant 0 : i32
    %dma_wait3A_989 = arith.constant 0 : i32
    %dma_wait3A_990 = tpu.memref_slice %arg6[%dma_wait3A_986, %dma_wait3A_988, %dma_wait3A_989] : memref<3x1280x32xf32, #tpu.memory_space<vmem>> -> memref<1x1280x32xf32, #tpu.memory_space<vmem>>
    %dma_wait3A_991 = tpu.memref_squeeze %dma_wait3A_990 : memref<1x1280x32xf32, #tpu.memory_space<vmem>> -> memref<1280x32xf32, #tpu.memory_space<vmem>>
    %dma_wait3A_992 = arith.constant 0 : i32
    %dma_wait3A_993 = tpu.memref_slice %arg4[%add3A_985, %dma_wait3A_992] : memref<819200x32xf32, #tpu.memory_space<hbm>> -> memref<1280x32xf32, #tpu.memory_space<hbm>>
    %dma_wait3A_994 = tpu.memref_slice %arg8[%dma_wait3A_987] : memref<3x!tpu.dma_semaphore, #tpu.memory_space<semaphore_mem>> -> memref<1x!tpu.dma_semaphore, #tpu.memory_space<semaphore_mem>>
    %dma_wait3A_995 = tpu.memref_squeeze %dma_wait3A_994 : memref<1x!tpu.dma_semaphore, #tpu.memory_space<semaphore_mem>> -> memref<!tpu.dma_semaphore, #tpu.memory_space<semaphore_mem>>
    %dma_wait3A_996 = arith.constant 0 : i32
    %dma_wait3A_997 = tpu.memref_slice %arg4[%add3A_985, %dma_wait3A_996] : memref<819200x32xf32, #tpu.memory_space<hbm>> -> memref<1280x32xf32, #tpu.memory_space<hbm>>
    %dma_wait3A_998 = arith.constant 0 : i32
    %dma_wait3A_999 = arith.constant 0 : i32
    %dma_wait3A_1000 = tpu.memref_slice %arg6[%dma_wait3A_986, %dma_wait3A_998, %dma_wait3A_999] : memref<3x1280x32xf32, #tpu.memory_space<vmem>> -> memref<1x1280x32xf32, #tpu.memory_space<vmem>>
    %dma_wait3A_1001 = tpu.memref_squeeze %dma_wait3A_1000 : memref<1x1280x32xf32, #tpu.memory_space<vmem>> -> memref<1280x32xf32, #tpu.memory_space<vmem>>
    tpu.wait_dma2 semaphore(%dma_wait3A_995 : memref<!tpu.dma_semaphore, #tpu.memory_space<semaphore_mem>>) src(%dma_wait3A_1001 : memref<1280x32xf32, #tpu.memory_space<vmem>>) dst(%dma_wait3A_997 : memref<1280x32xf32, #tpu.memory_space<hbm>>)
    %add3A_1002 = arith.constant 20480 : i32
    %add3A_1003 = arith.addi %mul3A_2, %add3A_1002 : i32
    %run_scoped3A_1004 = arith.constant 1 : i32
    "tpu.region"() ({
      %run_scoped3A_1380 = tpu.sem_alloc : memref<!tpu.dma_semaphore, #tpu.memory_space<semaphore_mem>>
      %dma_start3A_1381 = arith.constant 0 : i32
      %dma_start3A_1382 = tpu.memref_slice %arg5[%run_scoped3A_1004, %dma_start3A_1381] : memref<3x1280xi32, #tpu.memory_space<vmem>> -> memref<1x1280xi32, #tpu.memory_space<vmem>>
      %dma_start3A_1383 = tpu.memref_squeeze %dma_start3A_1382 : memref<1x1280xi32, #tpu.memory_space<vmem>> -> memref<1280xi32, #tpu.memory_space<vmem>>
      %dma_start3A_1384 = tpu.memref_slice %arg2[%add3A_1003] : memref<819200xi32, #tpu.memory_space<hbm>> -> memref<1280xi32, #tpu.memory_space<hbm>>
      %dma_start3A_1385 = arith.constant 0 : i32
      %dma_start3A_1386 = tpu.memref_slice %arg5[%run_scoped3A_1004, %dma_start3A_1385] : memref<3x1280xi32, #tpu.memory_space<vmem>> -> memref<1x1280xi32, #tpu.memory_space<vmem>>
      %dma_start3A_1387 = tpu.memref_squeeze %dma_start3A_1386 : memref<1x1280xi32, #tpu.memory_space<vmem>> -> memref<1280xi32, #tpu.memory_space<vmem>>
      %dma_start3A_1388 = tpu.memref_slice %arg2[%add3A_1003] : memref<819200xi32, #tpu.memory_space<hbm>> -> memref<1280xi32, #tpu.memory_space<hbm>>
      tpu.enqueue_dma source(%dma_start3A_1388 : memref<1280xi32, #tpu.memory_space<hbm>>) target(%dma_start3A_1387 : memref<1280xi32, #tpu.memory_space<vmem>>) target_semaphore(%run_scoped3A_1380 : memref<!tpu.dma_semaphore, #tpu.memory_space<semaphore_mem>>)
      %dma_wait3A_1389 = arith.constant 0 : i32
      %dma_wait3A_1390 = tpu.memref_slice %arg5[%run_scoped3A_1004, %dma_wait3A_1389] : memref<3x1280xi32, #tpu.memory_space<vmem>> -> memref<1x1280xi32, #tpu.memory_space<vmem>>
      %dma_wait3A_1391 = tpu.memref_squeeze %dma_wait3A_1390 : memref<1x1280xi32, #tpu.memory_space<vmem>> -> memref<1280xi32, #tpu.memory_space<vmem>>
      %dma_wait3A_1392 = tpu.memref_slice %arg2[%add3A_1003] : memref<819200xi32, #tpu.memory_space<hbm>> -> memref<1280xi32, #tpu.memory_space<hbm>>
      %dma_wait3A_1393 = arith.constant 0 : i32
      %dma_wait3A_1394 = tpu.memref_slice %arg5[%run_scoped3A_1004, %dma_wait3A_1393] : memref<3x1280xi32, #tpu.memory_space<vmem>> -> memref<1x1280xi32, #tpu.memory_space<vmem>>
      %dma_wait3A_1395 = tpu.memref_squeeze %dma_wait3A_1394 : memref<1x1280xi32, #tpu.memory_space<vmem>> -> memref<1280xi32, #tpu.memory_space<vmem>>
      %dma_wait3A_1396 = tpu.memref_slice %arg2[%add3A_1003] : memref<819200xi32, #tpu.memory_space<hbm>> -> memref<1280xi32, #tpu.memory_space<hbm>>
      tpu.wait_dma2 semaphore(%run_scoped3A_1380 : memref<!tpu.dma_semaphore, #tpu.memory_space<semaphore_mem>>) src(%dma_wait3A_1396 : memref<1280xi32, #tpu.memory_space<hbm>>) dst(%dma_wait3A_1395 : memref<1280xi32, #tpu.memory_space<vmem>>)
      tpu.yield
    }) : () -> ()
    %dma_start3A_1005 = arith.constant 1 : i32
    %dma_start3A_1006 = arith.constant 1 : i32
    %dma_start3A_1007 = arith.constant 1 : i32
    %dma_start3A_1008 = arith.constant 0 : i32
    %dma_start3A_1009 = arith.constant 0 : i32
    %dma_start3A_1010 = tpu.memref_slice %arg6[%dma_start3A_1006, %dma_start3A_1008, %dma_start3A_1009] : memref<3x1280x32xf32, #tpu.memory_space<vmem>> -> memref<1x1280x32xf32, #tpu.memory_space<vmem>>
    %dma_start3A_1011 = tpu.memref_squeeze %dma_start3A_1010 : memref<1x1280x32xf32, #tpu.memory_space<vmem>> -> memref<1280x32xf32, #tpu.memory_space<vmem>>
    %dma_start3A_1012 = arith.constant 0 : i32
    %dma_start3A_1013 = tpu.memref_slice %arg5[%dma_start3A_1005, %dma_start3A_1012] : memref<3x1280xi32, #tpu.memory_space<vmem>> -> memref<1x1280xi32, #tpu.memory_space<vmem>>
    %dma_start3A_1014 = tpu.memref_squeeze %dma_start3A_1013 : memref<1x1280xi32, #tpu.memory_space<vmem>> -> memref<1280xi32, #tpu.memory_space<vmem>>
    %dma_start3A_1015 = arith.constant 0 : i32
    %dma_start3A_1016 = arith.constant 0 : i32
    %dma_start3A_1017 = tpu.memref_slice %arg3[%dma_start3A_1015, %dma_start3A_1016] : memref<1000000x32xf32, #tpu.memory_space<hbm>> -> memref<1000000x32xf32, #tpu.memory_space<hbm>>
    %dma_start3A_1018 = tpu.memref_slice %arg7[%dma_start3A_1007] : memref<3x!tpu.dma_semaphore, #tpu.memory_space<semaphore_mem>> -> memref<1x!tpu.dma_semaphore, #tpu.memory_space<semaphore_mem>>
    %dma_start3A_1019 = tpu.memref_squeeze %dma_start3A_1018 : memref<1x!tpu.dma_semaphore, #tpu.memory_space<semaphore_mem>> -> memref<!tpu.dma_semaphore, #tpu.memory_space<semaphore_mem>>
    tpu.enqueue_indirect_dma source(%dma_start3A_1017 : memref<1000000x32xf32, #tpu.memory_space<hbm>>) target(%dma_start3A_1011 : memref<1280x32xf32, #tpu.memory_space<vmem>>) offsets(%dma_start3A_1014 : memref<1280xi32, #tpu.memory_space<vmem>>) semaphore(%dma_start3A_1019 : memref<!tpu.dma_semaphore, #tpu.memory_space<semaphore_mem>>)
    %dma_wait3A_1020 = arith.constant 2 : i32
    %dma_wait3A_1021 = arith.constant 2 : i32
    %dma_wait3A_1022 = arith.constant 2 : i32
    %dma_wait3A_1023 = arith.constant 0 : i32
    %dma_wait3A_1024 = arith.constant 0 : i32
    %dma_wait3A_1025 = tpu.memref_slice %arg6[%dma_wait3A_1021, %dma_wait3A_1023, %dma_wait3A_1024] : memref<3x1280x32xf32, #tpu.memory_space<vmem>> -> memref<1x1280x32xf32, #tpu.memory_space<vmem>>
    %dma_wait3A_1026 = tpu.memref_squeeze %dma_wait3A_1025 : memref<1x1280x32xf32, #tpu.memory_space<vmem>> -> memref<1280x32xf32, #tpu.memory_space<vmem>>
    %dma_wait3A_1027 = arith.constant 0 : i32
    %dma_wait3A_1028 = tpu.memref_slice %arg5[%dma_wait3A_1020, %dma_wait3A_1027] : memref<3x1280xi32, #tpu.memory_space<vmem>> -> memref<1x1280xi32, #tpu.memory_space<vmem>>
    %dma_wait3A_1029 = tpu.memref_squeeze %dma_wait3A_1028 : memref<1x1280xi32, #tpu.memory_space<vmem>> -> memref<1280xi32, #tpu.memory_space<vmem>>
    %dma_wait3A_1030 = arith.constant 0 : i32
    %dma_wait3A_1031 = arith.constant 0 : i32
    %dma_wait3A_1032 = tpu.memref_slice %arg3[%dma_wait3A_1030, %dma_wait3A_1031] : memref<1000000x32xf32, #tpu.memory_space<hbm>> -> memref<1000000x32xf32, #tpu.memory_space<hbm>>
    %dma_wait3A_1033 = tpu.memref_slice %arg7[%dma_wait3A_1022] : memref<3x!tpu.dma_semaphore, #tpu.memory_space<semaphore_mem>> -> memref<1x!tpu.dma_semaphore, #tpu.memory_space<semaphore_mem>>
    %dma_wait3A_1034 = tpu.memref_squeeze %dma_wait3A_1033 : memref<1x!tpu.dma_semaphore, #tpu.memory_space<semaphore_mem>> -> memref<!tpu.dma_semaphore, #tpu.memory_space<semaphore_mem>>
    tpu.wait_indirect_dma semaphore(%dma_wait3A_1034 : memref<!tpu.dma_semaphore, #tpu.memory_space<semaphore_mem>>) src(%dma_wait3A_1032 : memref<1000000x32xf32, #tpu.memory_space<hbm>>) dst(%dma_wait3A_1026 : memref<1280x32xf32, #tpu.memory_space<vmem>>)
    %add3A_1035 = arith.constant 17920 : i32
    %add3A_1036 = arith.addi %mul3A_2, %add3A_1035 : i32
    %dma_start3A_1037 = arith.constant 2 : i32
    %dma_start3A_1038 = arith.constant 2 : i32
    %dma_start3A_1039 = arith.constant 0 : i32
    %dma_start3A_1040 = arith.constant 0 : i32
    %dma_start3A_1041 = tpu.memref_slice %arg6[%dma_start3A_1037, %dma_start3A_1039, %dma_start3A_1040] : memref<3x1280x32xf32, #tpu.memory_space<vmem>> -> memref<1x1280x32xf32, #tpu.memory_space<vmem>>
    %dma_start3A_1042 = tpu.memref_squeeze %dma_start3A_1041 : memref<1x1280x32xf32, #tpu.memory_space<vmem>> -> memref<1280x32xf32, #tpu.memory_space<vmem>>
    %dma_start3A_1043 = arith.constant 0 : i32
    %dma_start3A_1044 = tpu.memref_slice %arg4[%add3A_1036, %dma_start3A_1043] : memref<819200x32xf32, #tpu.memory_space<hbm>> -> memref<1280x32xf32, #tpu.memory_space<hbm>>
    %dma_start3A_1045 = tpu.memref_slice %arg8[%dma_start3A_1038] : memref<3x!tpu.dma_semaphore, #tpu.memory_space<semaphore_mem>> -> memref<1x!tpu.dma_semaphore, #tpu.memory_space<semaphore_mem>>
    %dma_start3A_1046 = tpu.memref_squeeze %dma_start3A_1045 : memref<1x!tpu.dma_semaphore, #tpu.memory_space<semaphore_mem>> -> memref<!tpu.dma_semaphore, #tpu.memory_space<semaphore_mem>>
    %dma_start3A_1047 = arith.constant 0 : i32
    %dma_start3A_1048 = tpu.memref_slice %arg4[%add3A_1036, %dma_start3A_1047] : memref<819200x32xf32, #tpu.memory_space<hbm>> -> memref<1280x32xf32, #tpu.memory_space<hbm>>
    %dma_start3A_1049 = arith.constant 0 : i32
    %dma_start3A_1050 = arith.constant 0 : i32
    %dma_start3A_1051 = tpu.memref_slice %arg6[%dma_start3A_1037, %dma_start3A_1049, %dma_start3A_1050] : memref<3x1280x32xf32, #tpu.memory_space<vmem>> -> memref<1x1280x32xf32, #tpu.memory_space<vmem>>
    %dma_start3A_1052 = tpu.memref_squeeze %dma_start3A_1051 : memref<1x1280x32xf32, #tpu.memory_space<vmem>> -> memref<1280x32xf32, #tpu.memory_space<vmem>>
    tpu.enqueue_dma source(%dma_start3A_1052 : memref<1280x32xf32, #tpu.memory_space<vmem>>) target(%dma_start3A_1048 : memref<1280x32xf32, #tpu.memory_space<hbm>>) target_semaphore(%dma_start3A_1046 : memref<!tpu.dma_semaphore, #tpu.memory_space<semaphore_mem>>)
    %add3A_1053 = arith.constant 17920 : i32
    %add3A_1054 = arith.addi %mul3A_2, %add3A_1053 : i32
    %dma_wait3A_1055 = arith.constant 2 : i32
    %dma_wait3A_1056 = arith.constant 2 : i32
    %dma_wait3A_1057 = arith.constant 0 : i32
    %dma_wait3A_1058 = arith.constant 0 : i32
    %dma_wait3A_1059 = tpu.memref_slice %arg6[%dma_wait3A_1055, %dma_wait3A_1057, %dma_wait3A_1058] : memref<3x1280x32xf32, #tpu.memory_space<vmem>> -> memref<1x1280x32xf32, #tpu.memory_space<vmem>>
    %dma_wait3A_1060 = tpu.memref_squeeze %dma_wait3A_1059 : memref<1x1280x32xf32, #tpu.memory_space<vmem>> -> memref<1280x32xf32, #tpu.memory_space<vmem>>
    %dma_wait3A_1061 = arith.constant 0 : i32
    %dma_wait3A_1062 = tpu.memref_slice %arg4[%add3A_1054, %dma_wait3A_1061] : memref<819200x32xf32, #tpu.memory_space<hbm>> -> memref<1280x32xf32, #tpu.memory_space<hbm>>
    %dma_wait3A_1063 = tpu.memref_slice %arg8[%dma_wait3A_1056] : memref<3x!tpu.dma_semaphore, #tpu.memory_space<semaphore_mem>> -> memref<1x!tpu.dma_semaphore, #tpu.memory_space<semaphore_mem>>
    %dma_wait3A_1064 = tpu.memref_squeeze %dma_wait3A_1063 : memref<1x!tpu.dma_semaphore, #tpu.memory_space<semaphore_mem>> -> memref<!tpu.dma_semaphore, #tpu.memory_space<semaphore_mem>>
    %dma_wait3A_1065 = arith.constant 0 : i32
    %dma_wait3A_1066 = tpu.memref_slice %arg4[%add3A_1054, %dma_wait3A_1065] : memref<819200x32xf32, #tpu.memory_space<hbm>> -> memref<1280x32xf32, #tpu.memory_space<hbm>>
    %dma_wait3A_1067 = arith.constant 0 : i32
    %dma_wait3A_1068 = arith.constant 0 : i32
    %dma_wait3A_1069 = tpu.memref_slice %arg6[%dma_wait3A_1055, %dma_wait3A_1067, %dma_wait3A_1068] : memref<3x1280x32xf32, #tpu.memory_space<vmem>> -> memref<1x1280x32xf32, #tpu.memory_space<vmem>>
    %dma_wait3A_1070 = tpu.memref_squeeze %dma_wait3A_1069 : memref<1x1280x32xf32, #tpu.memory_space<vmem>> -> memref<1280x32xf32, #tpu.memory_space<vmem>>
    tpu.wait_dma2 semaphore(%dma_wait3A_1064 : memref<!tpu.dma_semaphore, #tpu.memory_space<semaphore_mem>>) src(%dma_wait3A_1070 : memref<1280x32xf32, #tpu.memory_space<vmem>>) dst(%dma_wait3A_1066 : memref<1280x32xf32, #tpu.memory_space<hbm>>)
    %add3A_1071 = arith.constant 21760 : i32
    %add3A_1072 = arith.addi %mul3A_2, %add3A_1071 : i32
    %run_scoped3A_1073 = arith.constant 2 : i32
    "tpu.region"() ({
      %run_scoped3A_1380 = tpu.sem_alloc : memref<!tpu.dma_semaphore, #tpu.memory_space<semaphore_mem>>
      %dma_start3A_1381 = arith.constant 0 : i32
      %dma_start3A_1382 = tpu.memref_slice %arg5[%run_scoped3A_1073, %dma_start3A_1381] : memref<3x1280xi32, #tpu.memory_space<vmem>> -> memref<1x1280xi32, #tpu.memory_space<vmem>>
      %dma_start3A_1383 = tpu.memref_squeeze %dma_start3A_1382 : memref<1x1280xi32, #tpu.memory_space<vmem>> -> memref<1280xi32, #tpu.memory_space<vmem>>
      %dma_start3A_1384 = tpu.memref_slice %arg2[%add3A_1072] : memref<819200xi32, #tpu.memory_space<hbm>> -> memref<1280xi32, #tpu.memory_space<hbm>>
      %dma_start3A_1385 = arith.constant 0 : i32
      %dma_start3A_1386 = tpu.memref_slice %arg5[%run_scoped3A_1073, %dma_start3A_1385] : memref<3x1280xi32, #tpu.memory_space<vmem>> -> memref<1x1280xi32, #tpu.memory_space<vmem>>
      %dma_start3A_1387 = tpu.memref_squeeze %dma_start3A_1386 : memref<1x1280xi32, #tpu.memory_space<vmem>> -> memref<1280xi32, #tpu.memory_space<vmem>>
      %dma_start3A_1388 = tpu.memref_slice %arg2[%add3A_1072] : memref<819200xi32, #tpu.memory_space<hbm>> -> memref<1280xi32, #tpu.memory_space<hbm>>
      tpu.enqueue_dma source(%dma_start3A_1388 : memref<1280xi32, #tpu.memory_space<hbm>>) target(%dma_start3A_1387 : memref<1280xi32, #tpu.memory_space<vmem>>) target_semaphore(%run_scoped3A_1380 : memref<!tpu.dma_semaphore, #tpu.memory_space<semaphore_mem>>)
      %dma_wait3A_1389 = arith.constant 0 : i32
      %dma_wait3A_1390 = tpu.memref_slice %arg5[%run_scoped3A_1073, %dma_wait3A_1389] : memref<3x1280xi32, #tpu.memory_space<vmem>> -> memref<1x1280xi32, #tpu.memory_space<vmem>>
      %dma_wait3A_1391 = tpu.memref_squeeze %dma_wait3A_1390 : memref<1x1280xi32, #tpu.memory_space<vmem>> -> memref<1280xi32, #tpu.memory_space<vmem>>
      %dma_wait3A_1392 = tpu.memref_slice %arg2[%add3A_1072] : memref<819200xi32, #tpu.memory_space<hbm>> -> memref<1280xi32, #tpu.memory_space<hbm>>
      %dma_wait3A_1393 = arith.constant 0 : i32
      %dma_wait3A_1394 = tpu.memref_slice %arg5[%run_scoped3A_1073, %dma_wait3A_1393] : memref<3x1280xi32, #tpu.memory_space<vmem>> -> memref<1x1280xi32, #tpu.memory_space<vmem>>
      %dma_wait3A_1395 = tpu.memref_squeeze %dma_wait3A_1394 : memref<1x1280xi32, #tpu.memory_space<vmem>> -> memref<1280xi32, #tpu.memory_space<vmem>>
      %dma_wait3A_1396 = tpu.memref_slice %arg2[%add3A_1072] : memref<819200xi32, #tpu.memory_space<hbm>> -> memref<1280xi32, #tpu.memory_space<hbm>>
      tpu.wait_dma2 semaphore(%run_scoped3A_1380 : memref<!tpu.dma_semaphore, #tpu.memory_space<semaphore_mem>>) src(%dma_wait3A_1396 : memref<1280xi32, #tpu.memory_space<hbm>>) dst(%dma_wait3A_1395 : memref<1280xi32, #tpu.memory_space<vmem>>)
      tpu.yield
    }) : () -> ()
    %dma_start3A_1074 = arith.constant 2 : i32
    %dma_start3A_1075 = arith.constant 2 : i32
    %dma_start3A_1076 = arith.constant 2 : i32
    %dma_start3A_1077 = arith.constant 0 : i32
    %dma_start3A_1078 = arith.constant 0 : i32
    %dma_start3A_1079 = tpu.memref_slice %arg6[%dma_start3A_1075, %dma_start3A_1077, %dma_start3A_1078] : memref<3x1280x32xf32, #tpu.memory_space<vmem>> -> memref<1x1280x32xf32, #tpu.memory_space<vmem>>
    %dma_start3A_1080 = tpu.memref_squeeze %dma_start3A_1079 : memref<1x1280x32xf32, #tpu.memory_space<vmem>> -> memref<1280x32xf32, #tpu.memory_space<vmem>>
    %dma_start3A_1081 = arith.constant 0 : i32
    %dma_start3A_1082 = tpu.memref_slice %arg5[%dma_start3A_1074, %dma_start3A_1081] : memref<3x1280xi32, #tpu.memory_space<vmem>> -> memref<1x1280xi32, #tpu.memory_space<vmem>>
    %dma_start3A_1083 = tpu.memref_squeeze %dma_start3A_1082 : memref<1x1280xi32, #tpu.memory_space<vmem>> -> memref<1280xi32, #tpu.memory_space<vmem>>
    %dma_start3A_1084 = arith.constant 0 : i32
    %dma_start3A_1085 = arith.constant 0 : i32
    %dma_start3A_1086 = tpu.memref_slice %arg3[%dma_start3A_1084, %dma_start3A_1085] : memref<1000000x32xf32, #tpu.memory_space<hbm>> -> memref<1000000x32xf32, #tpu.memory_space<hbm>>
    %dma_start3A_1087 = tpu.memref_slice %arg7[%dma_start3A_1076] : memref<3x!tpu.dma_semaphore, #tpu.memory_space<semaphore_mem>> -> memref<1x!tpu.dma_semaphore, #tpu.memory_space<semaphore_mem>>
    %dma_start3A_1088 = tpu.memref_squeeze %dma_start3A_1087 : memref<1x!tpu.dma_semaphore, #tpu.memory_space<semaphore_mem>> -> memref<!tpu.dma_semaphore, #tpu.memory_space<semaphore_mem>>
    tpu.enqueue_indirect_dma source(%dma_start3A_1086 : memref<1000000x32xf32, #tpu.memory_space<hbm>>) target(%dma_start3A_1080 : memref<1280x32xf32, #tpu.memory_space<vmem>>) offsets(%dma_start3A_1083 : memref<1280xi32, #tpu.memory_space<vmem>>) semaphore(%dma_start3A_1088 : memref<!tpu.dma_semaphore, #tpu.memory_space<semaphore_mem>>)
    %dma_wait3A_1089 = arith.constant 0 : i32
    %dma_wait3A_1090 = arith.constant 0 : i32
    %dma_wait3A_1091 = arith.constant 0 : i32
    %dma_wait3A_1092 = arith.constant 0 : i32
    %dma_wait3A_1093 = arith.constant 0 : i32
    %dma_wait3A_1094 = tpu.memref_slice %arg6[%dma_wait3A_1090, %dma_wait3A_1092, %dma_wait3A_1093] : memref<3x1280x32xf32, #tpu.memory_space<vmem>> -> memref<1x1280x32xf32, #tpu.memory_space<vmem>>
    %dma_wait3A_1095 = tpu.memref_squeeze %dma_wait3A_1094 : memref<1x1280x32xf32, #tpu.memory_space<vmem>> -> memref<1280x32xf32, #tpu.memory_space<vmem>>
    %dma_wait3A_1096 = arith.constant 0 : i32
    %dma_wait3A_1097 = tpu.memref_slice %arg5[%dma_wait3A_1089, %dma_wait3A_1096] : memref<3x1280xi32, #tpu.memory_space<vmem>> -> memref<1x1280xi32, #tpu.memory_space<vmem>>
    %dma_wait3A_1098 = tpu.memref_squeeze %dma_wait3A_1097 : memref<1x1280xi32, #tpu.memory_space<vmem>> -> memref<1280xi32, #tpu.memory_space<vmem>>
    %dma_wait3A_1099 = arith.constant 0 : i32
    %dma_wait3A_1100 = arith.constant 0 : i32
    %dma_wait3A_1101 = tpu.memref_slice %arg3[%dma_wait3A_1099, %dma_wait3A_1100] : memref<1000000x32xf32, #tpu.memory_space<hbm>> -> memref<1000000x32xf32, #tpu.memory_space<hbm>>
    %dma_wait3A_1102 = tpu.memref_slice %arg7[%dma_wait3A_1091] : memref<3x!tpu.dma_semaphore, #tpu.memory_space<semaphore_mem>> -> memref<1x!tpu.dma_semaphore, #tpu.memory_space<semaphore_mem>>
    %dma_wait3A_1103 = tpu.memref_squeeze %dma_wait3A_1102 : memref<1x!tpu.dma_semaphore, #tpu.memory_space<semaphore_mem>> -> memref<!tpu.dma_semaphore, #tpu.memory_space<semaphore_mem>>
    tpu.wait_indirect_dma semaphore(%dma_wait3A_1103 : memref<!tpu.dma_semaphore, #tpu.memory_space<semaphore_mem>>) src(%dma_wait3A_1101 : memref<1000000x32xf32, #tpu.memory_space<hbm>>) dst(%dma_wait3A_1095 : memref<1280x32xf32, #tpu.memory_space<vmem>>)
    %add3A_1104 = arith.constant 19200 : i32
    %add3A_1105 = arith.addi %mul3A_2, %add3A_1104 : i32
    %dma_start3A_1106 = arith.constant 0 : i32
    %dma_start3A_1107 = arith.constant 0 : i32
    %dma_start3A_1108 = arith.constant 0 : i32
    %dma_start3A_1109 = arith.constant 0 : i32
    %dma_start3A_1110 = tpu.memref_slice %arg6[%dma_start3A_1106, %dma_start3A_1108, %dma_start3A_1109] : memref<3x1280x32xf32, #tpu.memory_space<vmem>> -> memref<1x1280x32xf32, #tpu.memory_space<vmem>>
    %dma_start3A_1111 = tpu.memref_squeeze %dma_start3A_1110 : memref<1x1280x32xf32, #tpu.memory_space<vmem>> -> memref<1280x32xf32, #tpu.memory_space<vmem>>
    %dma_start3A_1112 = arith.constant 0 : i32
    %dma_start3A_1113 = tpu.memref_slice %arg4[%add3A_1105, %dma_start3A_1112] : memref<819200x32xf32, #tpu.memory_space<hbm>> -> memref<1280x32xf32, #tpu.memory_space<hbm>>
    %dma_start3A_1114 = tpu.memref_slice %arg8[%dma_start3A_1107] : memref<3x!tpu.dma_semaphore, #tpu.memory_space<semaphore_mem>> -> memref<1x!tpu.dma_semaphore, #tpu.memory_space<semaphore_mem>>
    %dma_start3A_1115 = tpu.memref_squeeze %dma_start3A_1114 : memref<1x!tpu.dma_semaphore, #tpu.memory_space<semaphore_mem>> -> memref<!tpu.dma_semaphore, #tpu.memory_space<semaphore_mem>>
    %dma_start3A_1116 = arith.constant 0 : i32
    %dma_start3A_1117 = tpu.memref_slice %arg4[%add3A_1105, %dma_start3A_1116] : memref<819200x32xf32, #tpu.memory_space<hbm>> -> memref<1280x32xf32, #tpu.memory_space<hbm>>
    %dma_start3A_1118 = arith.constant 0 : i32
    %dma_start3A_1119 = arith.constant 0 : i32
    %dma_start3A_1120 = tpu.memref_slice %arg6[%dma_start3A_1106, %dma_start3A_1118, %dma_start3A_1119] : memref<3x1280x32xf32, #tpu.memory_space<vmem>> -> memref<1x1280x32xf32, #tpu.memory_space<vmem>>
    %dma_start3A_1121 = tpu.memref_squeeze %dma_start3A_1120 : memref<1x1280x32xf32, #tpu.memory_space<vmem>> -> memref<1280x32xf32, #tpu.memory_space<vmem>>
    tpu.enqueue_dma source(%dma_start3A_1121 : memref<1280x32xf32, #tpu.memory_space<vmem>>) target(%dma_start3A_1117 : memref<1280x32xf32, #tpu.memory_space<hbm>>) target_semaphore(%dma_start3A_1115 : memref<!tpu.dma_semaphore, #tpu.memory_space<semaphore_mem>>)
    %add3A_1122 = arith.constant 19200 : i32
    %add3A_1123 = arith.addi %mul3A_2, %add3A_1122 : i32
    %dma_wait3A_1124 = arith.constant 0 : i32
    %dma_wait3A_1125 = arith.constant 0 : i32
    %dma_wait3A_1126 = arith.constant 0 : i32
    %dma_wait3A_1127 = arith.constant 0 : i32
    %dma_wait3A_1128 = tpu.memref_slice %arg6[%dma_wait3A_1124, %dma_wait3A_1126, %dma_wait3A_1127] : memref<3x1280x32xf32, #tpu.memory_space<vmem>> -> memref<1x1280x32xf32, #tpu.memory_space<vmem>>
    %dma_wait3A_1129 = tpu.memref_squeeze %dma_wait3A_1128 : memref<1x1280x32xf32, #tpu.memory_space<vmem>> -> memref<1280x32xf32, #tpu.memory_space<vmem>>
    %dma_wait3A_1130 = arith.constant 0 : i32
    %dma_wait3A_1131 = tpu.memref_slice %arg4[%add3A_1123, %dma_wait3A_1130] : memref<819200x32xf32, #tpu.memory_space<hbm>> -> memref<1280x32xf32, #tpu.memory_space<hbm>>
    %dma_wait3A_1132 = tpu.memref_slice %arg8[%dma_wait3A_1125] : memref<3x!tpu.dma_semaphore, #tpu.memory_space<semaphore_mem>> -> memref<1x!tpu.dma_semaphore, #tpu.memory_space<semaphore_mem>>
    %dma_wait3A_1133 = tpu.memref_squeeze %dma_wait3A_1132 : memref<1x!tpu.dma_semaphore, #tpu.memory_space<semaphore_mem>> -> memref<!tpu.dma_semaphore, #tpu.memory_space<semaphore_mem>>
    %dma_wait3A_1134 = arith.constant 0 : i32
    %dma_wait3A_1135 = tpu.memref_slice %arg4[%add3A_1123, %dma_wait3A_1134] : memref<819200x32xf32, #tpu.memory_space<hbm>> -> memref<1280x32xf32, #tpu.memory_space<hbm>>
    %dma_wait3A_1136 = arith.constant 0 : i32
    %dma_wait3A_1137 = arith.constant 0 : i32
    %dma_wait3A_1138 = tpu.memref_slice %arg6[%dma_wait3A_1124, %dma_wait3A_1136, %dma_wait3A_1137] : memref<3x1280x32xf32, #tpu.memory_space<vmem>> -> memref<1x1280x32xf32, #tpu.memory_space<vmem>>
    %dma_wait3A_1139 = tpu.memref_squeeze %dma_wait3A_1138 : memref<1x1280x32xf32, #tpu.memory_space<vmem>> -> memref<1280x32xf32, #tpu.memory_space<vmem>>
    tpu.wait_dma2 semaphore(%dma_wait3A_1133 : memref<!tpu.dma_semaphore, #tpu.memory_space<semaphore_mem>>) src(%dma_wait3A_1139 : memref<1280x32xf32, #tpu.memory_space<vmem>>) dst(%dma_wait3A_1135 : memref<1280x32xf32, #tpu.memory_space<hbm>>)
    %add3A_1140 = arith.constant 23040 : i32
    %add3A_1141 = arith.addi %mul3A_2, %add3A_1140 : i32
    %run_scoped3A_1142 = arith.constant 0 : i32
    "tpu.region"() ({
      %run_scoped3A_1380 = tpu.sem_alloc : memref<!tpu.dma_semaphore, #tpu.memory_space<semaphore_mem>>
      %dma_start3A_1381 = arith.constant 0 : i32
      %dma_start3A_1382 = tpu.memref_slice %arg5[%run_scoped3A_1142, %dma_start3A_1381] : memref<3x1280xi32, #tpu.memory_space<vmem>> -> memref<1x1280xi32, #tpu.memory_space<vmem>>
      %dma_start3A_1383 = tpu.memref_squeeze %dma_start3A_1382 : memref<1x1280xi32, #tpu.memory_space<vmem>> -> memref<1280xi32, #tpu.memory_space<vmem>>
      %dma_start3A_1384 = tpu.memref_slice %arg2[%add3A_1141] : memref<819200xi32, #tpu.memory_space<hbm>> -> memref<1280xi32, #tpu.memory_space<hbm>>
      %dma_start3A_1385 = arith.constant 0 : i32
      %dma_start3A_1386 = tpu.memref_slice %arg5[%run_scoped3A_1142, %dma_start3A_1385] : memref<3x1280xi32, #tpu.memory_space<vmem>> -> memref<1x1280xi32, #tpu.memory_space<vmem>>
      %dma_start3A_1387 = tpu.memref_squeeze %dma_start3A_1386 : memref<1x1280xi32, #tpu.memory_space<vmem>> -> memref<1280xi32, #tpu.memory_space<vmem>>
      %dma_start3A_1388 = tpu.memref_slice %arg2[%add3A_1141] : memref<819200xi32, #tpu.memory_space<hbm>> -> memref<1280xi32, #tpu.memory_space<hbm>>
      tpu.enqueue_dma source(%dma_start3A_1388 : memref<1280xi32, #tpu.memory_space<hbm>>) target(%dma_start3A_1387 : memref<1280xi32, #tpu.memory_space<vmem>>) target_semaphore(%run_scoped3A_1380 : memref<!tpu.dma_semaphore, #tpu.memory_space<semaphore_mem>>)
      %dma_wait3A_1389 = arith.constant 0 : i32
      %dma_wait3A_1390 = tpu.memref_slice %arg5[%run_scoped3A_1142, %dma_wait3A_1389] : memref<3x1280xi32, #tpu.memory_space<vmem>> -> memref<1x1280xi32, #tpu.memory_space<vmem>>
      %dma_wait3A_1391 = tpu.memref_squeeze %dma_wait3A_1390 : memref<1x1280xi32, #tpu.memory_space<vmem>> -> memref<1280xi32, #tpu.memory_space<vmem>>
      %dma_wait3A_1392 = tpu.memref_slice %arg2[%add3A_1141] : memref<819200xi32, #tpu.memory_space<hbm>> -> memref<1280xi32, #tpu.memory_space<hbm>>
      %dma_wait3A_1393 = arith.constant 0 : i32
      %dma_wait3A_1394 = tpu.memref_slice %arg5[%run_scoped3A_1142, %dma_wait3A_1393] : memref<3x1280xi32, #tpu.memory_space<vmem>> -> memref<1x1280xi32, #tpu.memory_space<vmem>>
      %dma_wait3A_1395 = tpu.memref_squeeze %dma_wait3A_1394 : memref<1x1280xi32, #tpu.memory_space<vmem>> -> memref<1280xi32, #tpu.memory_space<vmem>>
      %dma_wait3A_1396 = tpu.memref_slice %arg2[%add3A_1141] : memref<819200xi32, #tpu.memory_space<hbm>> -> memref<1280xi32, #tpu.memory_space<hbm>>
      tpu.wait_dma2 semaphore(%run_scoped3A_1380 : memref<!tpu.dma_semaphore, #tpu.memory_space<semaphore_mem>>) src(%dma_wait3A_1396 : memref<1280xi32, #tpu.memory_space<hbm>>) dst(%dma_wait3A_1395 : memref<1280xi32, #tpu.memory_space<vmem>>)
      tpu.yield
    }) : () -> ()
    %dma_start3A_1143 = arith.constant 0 : i32
    %dma_start3A_1144 = arith.constant 0 : i32
    %dma_start3A_1145 = arith.constant 0 : i32
    %dma_start3A_1146 = arith.constant 0 : i32
    %dma_start3A_1147 = arith.constant 0 : i32
    %dma_start3A_1148 = tpu.memref_slice %arg6[%dma_start3A_1144, %dma_start3A_1146, %dma_start3A_1147] : memref<3x1280x32xf32, #tpu.memory_space<vmem>> -> memref<1x1280x32xf32, #tpu.memory_space<vmem>>
    %dma_start3A_1149 = tpu.memref_squeeze %dma_start3A_1148 : memref<1x1280x32xf32, #tpu.memory_space<vmem>> -> memref<1280x32xf32, #tpu.memory_space<vmem>>
    %dma_start3A_1150 = arith.constant 0 : i32
    %dma_start3A_1151 = tpu.memref_slice %arg5[%dma_start3A_1143, %dma_start3A_1150] : memref<3x1280xi32, #tpu.memory_space<vmem>> -> memref<1x1280xi32, #tpu.memory_space<vmem>>
    %dma_start3A_1152 = tpu.memref_squeeze %dma_start3A_1151 : memref<1x1280xi32, #tpu.memory_space<vmem>> -> memref<1280xi32, #tpu.memory_space<vmem>>
    %dma_start3A_1153 = arith.constant 0 : i32
    %dma_start3A_1154 = arith.constant 0 : i32
    %dma_start3A_1155 = tpu.memref_slice %arg3[%dma_start3A_1153, %dma_start3A_1154] : memref<1000000x32xf32, #tpu.memory_space<hbm>> -> memref<1000000x32xf32, #tpu.memory_space<hbm>>
    %dma_start3A_1156 = tpu.memref_slice %arg7[%dma_start3A_1145] : memref<3x!tpu.dma_semaphore, #tpu.memory_space<semaphore_mem>> -> memref<1x!tpu.dma_semaphore, #tpu.memory_space<semaphore_mem>>
    %dma_start3A_1157 = tpu.memref_squeeze %dma_start3A_1156 : memref<1x!tpu.dma_semaphore, #tpu.memory_space<semaphore_mem>> -> memref<!tpu.dma_semaphore, #tpu.memory_space<semaphore_mem>>
    tpu.enqueue_indirect_dma source(%dma_start3A_1155 : memref<1000000x32xf32, #tpu.memory_space<hbm>>) target(%dma_start3A_1149 : memref<1280x32xf32, #tpu.memory_space<vmem>>) offsets(%dma_start3A_1152 : memref<1280xi32, #tpu.memory_space<vmem>>) semaphore(%dma_start3A_1157 : memref<!tpu.dma_semaphore, #tpu.memory_space<semaphore_mem>>)
    %dma_wait3A_1158 = arith.constant 1 : i32
    %dma_wait3A_1159 = arith.constant 1 : i32
    %dma_wait3A_1160 = arith.constant 1 : i32
    %dma_wait3A_1161 = arith.constant 0 : i32
    %dma_wait3A_1162 = arith.constant 0 : i32
    %dma_wait3A_1163 = tpu.memref_slice %arg6[%dma_wait3A_1159, %dma_wait3A_1161, %dma_wait3A_1162] : memref<3x1280x32xf32, #tpu.memory_space<vmem>> -> memref<1x1280x32xf32, #tpu.memory_space<vmem>>
    %dma_wait3A_1164 = tpu.memref_squeeze %dma_wait3A_1163 : memref<1x1280x32xf32, #tpu.memory_space<vmem>> -> memref<1280x32xf32, #tpu.memory_space<vmem>>
    %dma_wait3A_1165 = arith.constant 0 : i32
    %dma_wait3A_1166 = tpu.memref_slice %arg5[%dma_wait3A_1158, %dma_wait3A_1165] : memref<3x1280xi32, #tpu.memory_space<vmem>> -> memref<1x1280xi32, #tpu.memory_space<vmem>>
    %dma_wait3A_1167 = tpu.memref_squeeze %dma_wait3A_1166 : memref<1x1280xi32, #tpu.memory_space<vmem>> -> memref<1280xi32, #tpu.memory_space<vmem>>
    %dma_wait3A_1168 = arith.constant 0 : i32
    %dma_wait3A_1169 = arith.constant 0 : i32
    %dma_wait3A_1170 = tpu.memref_slice %arg3[%dma_wait3A_1168, %dma_wait3A_1169] : memref<1000000x32xf32, #tpu.memory_space<hbm>> -> memref<1000000x32xf32, #tpu.memory_space<hbm>>
    %dma_wait3A_1171 = tpu.memref_slice %arg7[%dma_wait3A_1160] : memref<3x!tpu.dma_semaphore, #tpu.memory_space<semaphore_mem>> -> memref<1x!tpu.dma_semaphore, #tpu.memory_space<semaphore_mem>>
    %dma_wait3A_1172 = tpu.memref_squeeze %dma_wait3A_1171 : memref<1x!tpu.dma_semaphore, #tpu.memory_space<semaphore_mem>> -> memref<!tpu.dma_semaphore, #tpu.memory_space<semaphore_mem>>
    tpu.wait_indirect_dma semaphore(%dma_wait3A_1172 : memref<!tpu.dma_semaphore, #tpu.memory_space<semaphore_mem>>) src(%dma_wait3A_1170 : memref<1000000x32xf32, #tpu.memory_space<hbm>>) dst(%dma_wait3A_1164 : memref<1280x32xf32, #tpu.memory_space<vmem>>)
    %add3A_1173 = arith.constant 20480 : i32
    %add3A_1174 = arith.addi %mul3A_2, %add3A_1173 : i32
    %dma_start3A_1175 = arith.constant 1 : i32
    %dma_start3A_1176 = arith.constant 1 : i32
    %dma_start3A_1177 = arith.constant 0 : i32
    %dma_start3A_1178 = arith.constant 0 : i32
    %dma_start3A_1179 = tpu.memref_slice %arg6[%dma_start3A_1175, %dma_start3A_1177, %dma_start3A_1178] : memref<3x1280x32xf32, #tpu.memory_space<vmem>> -> memref<1x1280x32xf32, #tpu.memory_space<vmem>>
    %dma_start3A_1180 = tpu.memref_squeeze %dma_start3A_1179 : memref<1x1280x32xf32, #tpu.memory_space<vmem>> -> memref<1280x32xf32, #tpu.memory_space<vmem>>
    %dma_start3A_1181 = arith.constant 0 : i32
    %dma_start3A_1182 = tpu.memref_slice %arg4[%add3A_1174, %dma_start3A_1181] : memref<819200x32xf32, #tpu.memory_space<hbm>> -> memref<1280x32xf32, #tpu.memory_space<hbm>>
    %dma_start3A_1183 = tpu.memref_slice %arg8[%dma_start3A_1176] : memref<3x!tpu.dma_semaphore, #tpu.memory_space<semaphore_mem>> -> memref<1x!tpu.dma_semaphore, #tpu.memory_space<semaphore_mem>>
    %dma_start3A_1184 = tpu.memref_squeeze %dma_start3A_1183 : memref<1x!tpu.dma_semaphore, #tpu.memory_space<semaphore_mem>> -> memref<!tpu.dma_semaphore, #tpu.memory_space<semaphore_mem>>
    %dma_start3A_1185 = arith.constant 0 : i32
    %dma_start3A_1186 = tpu.memref_slice %arg4[%add3A_1174, %dma_start3A_1185] : memref<819200x32xf32, #tpu.memory_space<hbm>> -> memref<1280x32xf32, #tpu.memory_space<hbm>>
    %dma_start3A_1187 = arith.constant 0 : i32
    %dma_start3A_1188 = arith.constant 0 : i32
    %dma_start3A_1189 = tpu.memref_slice %arg6[%dma_start3A_1175, %dma_start3A_1187, %dma_start3A_1188] : memref<3x1280x32xf32, #tpu.memory_space<vmem>> -> memref<1x1280x32xf32, #tpu.memory_space<vmem>>
    %dma_start3A_1190 = tpu.memref_squeeze %dma_start3A_1189 : memref<1x1280x32xf32, #tpu.memory_space<vmem>> -> memref<1280x32xf32, #tpu.memory_space<vmem>>
    tpu.enqueue_dma source(%dma_start3A_1190 : memref<1280x32xf32, #tpu.memory_space<vmem>>) target(%dma_start3A_1186 : memref<1280x32xf32, #tpu.memory_space<hbm>>) target_semaphore(%dma_start3A_1184 : memref<!tpu.dma_semaphore, #tpu.memory_space<semaphore_mem>>)
    %add3A_1191 = arith.constant 20480 : i32
    %add3A_1192 = arith.addi %mul3A_2, %add3A_1191 : i32
    %dma_wait3A_1193 = arith.constant 1 : i32
    %dma_wait3A_1194 = arith.constant 1 : i32
    %dma_wait3A_1195 = arith.constant 0 : i32
    %dma_wait3A_1196 = arith.constant 0 : i32
    %dma_wait3A_1197 = tpu.memref_slice %arg6[%dma_wait3A_1193, %dma_wait3A_1195, %dma_wait3A_1196] : memref<3x1280x32xf32, #tpu.memory_space<vmem>> -> memref<1x1280x32xf32, #tpu.memory_space<vmem>>
    %dma_wait3A_1198 = tpu.memref_squeeze %dma_wait3A_1197 : memref<1x1280x32xf32, #tpu.memory_space<vmem>> -> memref<1280x32xf32, #tpu.memory_space<vmem>>
    %dma_wait3A_1199 = arith.constant 0 : i32
    %dma_wait3A_1200 = tpu.memref_slice %arg4[%add3A_1192, %dma_wait3A_1199] : memref<819200x32xf32, #tpu.memory_space<hbm>> -> memref<1280x32xf32, #tpu.memory_space<hbm>>
    %dma_wait3A_1201 = tpu.memref_slice %arg8[%dma_wait3A_1194] : memref<3x!tpu.dma_semaphore, #tpu.memory_space<semaphore_mem>> -> memref<1x!tpu.dma_semaphore, #tpu.memory_space<semaphore_mem>>
    %dma_wait3A_1202 = tpu.memref_squeeze %dma_wait3A_1201 : memref<1x!tpu.dma_semaphore, #tpu.memory_space<semaphore_mem>> -> memref<!tpu.dma_semaphore, #tpu.memory_space<semaphore_mem>>
    %dma_wait3A_1203 = arith.constant 0 : i32
    %dma_wait3A_1204 = tpu.memref_slice %arg4[%add3A_1192, %dma_wait3A_1203] : memref<819200x32xf32, #tpu.memory_space<hbm>> -> memref<1280x32xf32, #tpu.memory_space<hbm>>
    %dma_wait3A_1205 = arith.constant 0 : i32
    %dma_wait3A_1206 = arith.constant 0 : i32
    %dma_wait3A_1207 = tpu.memref_slice %arg6[%dma_wait3A_1193, %dma_wait3A_1205, %dma_wait3A_1206] : memref<3x1280x32xf32, #tpu.memory_space<vmem>> -> memref<1x1280x32xf32, #tpu.memory_space<vmem>>
    %dma_wait3A_1208 = tpu.memref_squeeze %dma_wait3A_1207 : memref<1x1280x32xf32, #tpu.memory_space<vmem>> -> memref<1280x32xf32, #tpu.memory_space<vmem>>
    tpu.wait_dma2 semaphore(%dma_wait3A_1202 : memref<!tpu.dma_semaphore, #tpu.memory_space<semaphore_mem>>) src(%dma_wait3A_1208 : memref<1280x32xf32, #tpu.memory_space<vmem>>) dst(%dma_wait3A_1204 : memref<1280x32xf32, #tpu.memory_space<hbm>>)
    %add3A_1209 = arith.constant 24320 : i32
    %add3A_1210 = arith.addi %mul3A_2, %add3A_1209 : i32
    %run_scoped3A_1211 = arith.constant 1 : i32
    "tpu.region"() ({
      %run_scoped3A_1380 = tpu.sem_alloc : memref<!tpu.dma_semaphore, #tpu.memory_space<semaphore_mem>>
      %dma_start3A_1381 = arith.constant 0 : i32
      %dma_start3A_1382 = tpu.memref_slice %arg5[%run_scoped3A_1211, %dma_start3A_1381] : memref<3x1280xi32, #tpu.memory_space<vmem>> -> memref<1x1280xi32, #tpu.memory_space<vmem>>
      %dma_start3A_1383 = tpu.memref_squeeze %dma_start3A_1382 : memref<1x1280xi32, #tpu.memory_space<vmem>> -> memref<1280xi32, #tpu.memory_space<vmem>>
      %dma_start3A_1384 = tpu.memref_slice %arg2[%add3A_1210] : memref<819200xi32, #tpu.memory_space<hbm>> -> memref<1280xi32, #tpu.memory_space<hbm>>
      %dma_start3A_1385 = arith.constant 0 : i32
      %dma_start3A_1386 = tpu.memref_slice %arg5[%run_scoped3A_1211, %dma_start3A_1385] : memref<3x1280xi32, #tpu.memory_space<vmem>> -> memref<1x1280xi32, #tpu.memory_space<vmem>>
      %dma_start3A_1387 = tpu.memref_squeeze %dma_start3A_1386 : memref<1x1280xi32, #tpu.memory_space<vmem>> -> memref<1280xi32, #tpu.memory_space<vmem>>
      %dma_start3A_1388 = tpu.memref_slice %arg2[%add3A_1210] : memref<819200xi32, #tpu.memory_space<hbm>> -> memref<1280xi32, #tpu.memory_space<hbm>>
      tpu.enqueue_dma source(%dma_start3A_1388 : memref<1280xi32, #tpu.memory_space<hbm>>) target(%dma_start3A_1387 : memref<1280xi32, #tpu.memory_space<vmem>>) target_semaphore(%run_scoped3A_1380 : memref<!tpu.dma_semaphore, #tpu.memory_space<semaphore_mem>>)
      %dma_wait3A_1389 = arith.constant 0 : i32
      %dma_wait3A_1390 = tpu.memref_slice %arg5[%run_scoped3A_1211, %dma_wait3A_1389] : memref<3x1280xi32, #tpu.memory_space<vmem>> -> memref<1x1280xi32, #tpu.memory_space<vmem>>
      %dma_wait3A_1391 = tpu.memref_squeeze %dma_wait3A_1390 : memref<1x1280xi32, #tpu.memory_space<vmem>> -> memref<1280xi32, #tpu.memory_space<vmem>>
      %dma_wait3A_1392 = tpu.memref_slice %arg2[%add3A_1210] : memref<819200xi32, #tpu.memory_space<hbm>> -> memref<1280xi32, #tpu.memory_space<hbm>>
      %dma_wait3A_1393 = arith.constant 0 : i32
      %dma_wait3A_1394 = tpu.memref_slice %arg5[%run_scoped3A_1211, %dma_wait3A_1393] : memref<3x1280xi32, #tpu.memory_space<vmem>> -> memref<1x1280xi32, #tpu.memory_space<vmem>>
      %dma_wait3A_1395 = tpu.memref_squeeze %dma_wait3A_1394 : memref<1x1280xi32, #tpu.memory_space<vmem>> -> memref<1280xi32, #tpu.memory_space<vmem>>
      %dma_wait3A_1396 = tpu.memref_slice %arg2[%add3A_1210] : memref<819200xi32, #tpu.memory_space<hbm>> -> memref<1280xi32, #tpu.memory_space<hbm>>
      tpu.wait_dma2 semaphore(%run_scoped3A_1380 : memref<!tpu.dma_semaphore, #tpu.memory_space<semaphore_mem>>) src(%dma_wait3A_1396 : memref<1280xi32, #tpu.memory_space<hbm>>) dst(%dma_wait3A_1395 : memref<1280xi32, #tpu.memory_space<vmem>>)
      tpu.yield
    }) : () -> ()
    %dma_start3A_1212 = arith.constant 1 : i32
    %dma_start3A_1213 = arith.constant 1 : i32
    %dma_start3A_1214 = arith.constant 1 : i32
    %dma_start3A_1215 = arith.constant 0 : i32
    %dma_start3A_1216 = arith.constant 0 : i32
    %dma_start3A_1217 = tpu.memref_slice %arg6[%dma_start3A_1213, %dma_start3A_1215, %dma_start3A_1216] : memref<3x1280x32xf32, #tpu.memory_space<vmem>> -> memref<1x1280x32xf32, #tpu.memory_space<vmem>>
    %dma_start3A_1218 = tpu.memref_squeeze %dma_start3A_1217 : memref<1x1280x32xf32, #tpu.memory_space<vmem>> -> memref<1280x32xf32, #tpu.memory_space<vmem>>
    %dma_start3A_1219 = arith.constant 0 : i32
    %dma_start3A_1220 = tpu.memref_slice %arg5[%dma_start3A_1212, %dma_start3A_1219] : memref<3x1280xi32, #tpu.memory_space<vmem>> -> memref<1x1280xi32, #tpu.memory_space<vmem>>
    %dma_start3A_1221 = tpu.memref_squeeze %dma_start3A_1220 : memref<1x1280xi32, #tpu.memory_space<vmem>> -> memref<1280xi32, #tpu.memory_space<vmem>>
    %dma_start3A_1222 = arith.constant 0 : i32
    %dma_start3A_1223 = arith.constant 0 : i32
    %dma_start3A_1224 = tpu.memref_slice %arg3[%dma_start3A_1222, %dma_start3A_1223] : memref<1000000x32xf32, #tpu.memory_space<hbm>> -> memref<1000000x32xf32, #tpu.memory_space<hbm>>
    %dma_start3A_1225 = tpu.memref_slice %arg7[%dma_start3A_1214] : memref<3x!tpu.dma_semaphore, #tpu.memory_space<semaphore_mem>> -> memref<1x!tpu.dma_semaphore, #tpu.memory_space<semaphore_mem>>
    %dma_start3A_1226 = tpu.memref_squeeze %dma_start3A_1225 : memref<1x!tpu.dma_semaphore, #tpu.memory_space<semaphore_mem>> -> memref<!tpu.dma_semaphore, #tpu.memory_space<semaphore_mem>>
    tpu.enqueue_indirect_dma source(%dma_start3A_1224 : memref<1000000x32xf32, #tpu.memory_space<hbm>>) target(%dma_start3A_1218 : memref<1280x32xf32, #tpu.memory_space<vmem>>) offsets(%dma_start3A_1221 : memref<1280xi32, #tpu.memory_space<vmem>>) semaphore(%dma_start3A_1226 : memref<!tpu.dma_semaphore, #tpu.memory_space<semaphore_mem>>)
    %dma_wait3A_1227 = arith.constant 2 : i32
    %dma_wait3A_1228 = arith.constant 2 : i32
    %dma_wait3A_1229 = arith.constant 2 : i32
    %dma_wait3A_1230 = arith.constant 0 : i32
    %dma_wait3A_1231 = arith.constant 0 : i32
    %dma_wait3A_1232 = tpu.memref_slice %arg6[%dma_wait3A_1228, %dma_wait3A_1230, %dma_wait3A_1231] : memref<3x1280x32xf32, #tpu.memory_space<vmem>> -> memref<1x1280x32xf32, #tpu.memory_space<vmem>>
    %dma_wait3A_1233 = tpu.memref_squeeze %dma_wait3A_1232 : memref<1x1280x32xf32, #tpu.memory_space<vmem>> -> memref<1280x32xf32, #tpu.memory_space<vmem>>
    %dma_wait3A_1234 = arith.constant 0 : i32
    %dma_wait3A_1235 = tpu.memref_slice %arg5[%dma_wait3A_1227, %dma_wait3A_1234] : memref<3x1280xi32, #tpu.memory_space<vmem>> -> memref<1x1280xi32, #tpu.memory_space<vmem>>
    %dma_wait3A_1236 = tpu.memref_squeeze %dma_wait3A_1235 : memref<1x1280xi32, #tpu.memory_space<vmem>> -> memref<1280xi32, #tpu.memory_space<vmem>>
    %dma_wait3A_1237 = arith.constant 0 : i32
    %dma_wait3A_1238 = arith.constant 0 : i32
    %dma_wait3A_1239 = tpu.memref_slice %arg3[%dma_wait3A_1237, %dma_wait3A_1238] : memref<1000000x32xf32, #tpu.memory_space<hbm>> -> memref<1000000x32xf32, #tpu.memory_space<hbm>>
    %dma_wait3A_1240 = tpu.memref_slice %arg7[%dma_wait3A_1229] : memref<3x!tpu.dma_semaphore, #tpu.memory_space<semaphore_mem>> -> memref<1x!tpu.dma_semaphore, #tpu.memory_space<semaphore_mem>>
    %dma_wait3A_1241 = tpu.memref_squeeze %dma_wait3A_1240 : memref<1x!tpu.dma_semaphore, #tpu.memory_space<semaphore_mem>> -> memref<!tpu.dma_semaphore, #tpu.memory_space<semaphore_mem>>
    tpu.wait_indirect_dma semaphore(%dma_wait3A_1241 : memref<!tpu.dma_semaphore, #tpu.memory_space<semaphore_mem>>) src(%dma_wait3A_1239 : memref<1000000x32xf32, #tpu.memory_space<hbm>>) dst(%dma_wait3A_1233 : memref<1280x32xf32, #tpu.memory_space<vmem>>)
    %add3A_1242 = arith.constant 21760 : i32
    %add3A_1243 = arith.addi %mul3A_2, %add3A_1242 : i32
    %dma_start3A_1244 = arith.constant 2 : i32
    %dma_start3A_1245 = arith.constant 2 : i32
    %dma_start3A_1246 = arith.constant 0 : i32
    %dma_start3A_1247 = arith.constant 0 : i32
    %dma_start3A_1248 = tpu.memref_slice %arg6[%dma_start3A_1244, %dma_start3A_1246, %dma_start3A_1247] : memref<3x1280x32xf32, #tpu.memory_space<vmem>> -> memref<1x1280x32xf32, #tpu.memory_space<vmem>>
    %dma_start3A_1249 = tpu.memref_squeeze %dma_start3A_1248 : memref<1x1280x32xf32, #tpu.memory_space<vmem>> -> memref<1280x32xf32, #tpu.memory_space<vmem>>
    %dma_start3A_1250 = arith.constant 0 : i32
    %dma_start3A_1251 = tpu.memref_slice %arg4[%add3A_1243, %dma_start3A_1250] : memref<819200x32xf32, #tpu.memory_space<hbm>> -> memref<1280x32xf32, #tpu.memory_space<hbm>>
    %dma_start3A_1252 = tpu.memref_slice %arg8[%dma_start3A_1245] : memref<3x!tpu.dma_semaphore, #tpu.memory_space<semaphore_mem>> -> memref<1x!tpu.dma_semaphore, #tpu.memory_space<semaphore_mem>>
    %dma_start3A_1253 = tpu.memref_squeeze %dma_start3A_1252 : memref<1x!tpu.dma_semaphore, #tpu.memory_space<semaphore_mem>> -> memref<!tpu.dma_semaphore, #tpu.memory_space<semaphore_mem>>
    %dma_start3A_1254 = arith.constant 0 : i32
    %dma_start3A_1255 = tpu.memref_slice %arg4[%add3A_1243, %dma_start3A_1254] : memref<819200x32xf32, #tpu.memory_space<hbm>> -> memref<1280x32xf32, #tpu.memory_space<hbm>>
    %dma_start3A_1256 = arith.constant 0 : i32
    %dma_start3A_1257 = arith.constant 0 : i32
    %dma_start3A_1258 = tpu.memref_slice %arg6[%dma_start3A_1244, %dma_start3A_1256, %dma_start3A_1257] : memref<3x1280x32xf32, #tpu.memory_space<vmem>> -> memref<1x1280x32xf32, #tpu.memory_space<vmem>>
    %dma_start3A_1259 = tpu.memref_squeeze %dma_start3A_1258 : memref<1x1280x32xf32, #tpu.memory_space<vmem>> -> memref<1280x32xf32, #tpu.memory_space<vmem>>
    tpu.enqueue_dma source(%dma_start3A_1259 : memref<1280x32xf32, #tpu.memory_space<vmem>>) target(%dma_start3A_1255 : memref<1280x32xf32, #tpu.memory_space<hbm>>) target_semaphore(%dma_start3A_1253 : memref<!tpu.dma_semaphore, #tpu.memory_space<semaphore_mem>>)
    %dma_wait3A_1260 = arith.constant 0 : i32
    %dma_wait3A_1261 = arith.constant 0 : i32
    %dma_wait3A_1262 = arith.constant 0 : i32
    %dma_wait3A_1263 = arith.constant 0 : i32
    %dma_wait3A_1264 = arith.constant 0 : i32
    %dma_wait3A_1265 = tpu.memref_slice %arg6[%dma_wait3A_1261, %dma_wait3A_1263, %dma_wait3A_1264] : memref<3x1280x32xf32, #tpu.memory_space<vmem>> -> memref<1x1280x32xf32, #tpu.memory_space<vmem>>
    %dma_wait3A_1266 = tpu.memref_squeeze %dma_wait3A_1265 : memref<1x1280x32xf32, #tpu.memory_space<vmem>> -> memref<1280x32xf32, #tpu.memory_space<vmem>>
    %dma_wait3A_1267 = arith.constant 0 : i32
    %dma_wait3A_1268 = tpu.memref_slice %arg5[%dma_wait3A_1260, %dma_wait3A_1267] : memref<3x1280xi32, #tpu.memory_space<vmem>> -> memref<1x1280xi32, #tpu.memory_space<vmem>>
    %dma_wait3A_1269 = tpu.memref_squeeze %dma_wait3A_1268 : memref<1x1280xi32, #tpu.memory_space<vmem>> -> memref<1280xi32, #tpu.memory_space<vmem>>
    %dma_wait3A_1270 = arith.constant 0 : i32
    %dma_wait3A_1271 = arith.constant 0 : i32
    %dma_wait3A_1272 = tpu.memref_slice %arg3[%dma_wait3A_1270, %dma_wait3A_1271] : memref<1000000x32xf32, #tpu.memory_space<hbm>> -> memref<1000000x32xf32, #tpu.memory_space<hbm>>
    %dma_wait3A_1273 = tpu.memref_slice %arg7[%dma_wait3A_1262] : memref<3x!tpu.dma_semaphore, #tpu.memory_space<semaphore_mem>> -> memref<1x!tpu.dma_semaphore, #tpu.memory_space<semaphore_mem>>
    %dma_wait3A_1274 = tpu.memref_squeeze %dma_wait3A_1273 : memref<1x!tpu.dma_semaphore, #tpu.memory_space<semaphore_mem>> -> memref<!tpu.dma_semaphore, #tpu.memory_space<semaphore_mem>>
    tpu.wait_indirect_dma semaphore(%dma_wait3A_1274 : memref<!tpu.dma_semaphore, #tpu.memory_space<semaphore_mem>>) src(%dma_wait3A_1272 : memref<1000000x32xf32, #tpu.memory_space<hbm>>) dst(%dma_wait3A_1266 : memref<1280x32xf32, #tpu.memory_space<vmem>>)
    %add3A_1275 = arith.constant 23040 : i32
    %add3A_1276 = arith.addi %mul3A_2, %add3A_1275 : i32
    %dma_start3A_1277 = arith.constant 0 : i32
    %dma_start3A_1278 = arith.constant 0 : i32
    %dma_start3A_1279 = arith.constant 0 : i32
    %dma_start3A_1280 = arith.constant 0 : i32
    %dma_start3A_1281 = tpu.memref_slice %arg6[%dma_start3A_1277, %dma_start3A_1279, %dma_start3A_1280] : memref<3x1280x32xf32, #tpu.memory_space<vmem>> -> memref<1x1280x32xf32, #tpu.memory_space<vmem>>
    %dma_start3A_1282 = tpu.memref_squeeze %dma_start3A_1281 : memref<1x1280x32xf32, #tpu.memory_space<vmem>> -> memref<1280x32xf32, #tpu.memory_space<vmem>>
    %dma_start3A_1283 = arith.constant 0 : i32
    %dma_start3A_1284 = tpu.memref_slice %arg4[%add3A_1276, %dma_start3A_1283] : memref<819200x32xf32, #tpu.memory_space<hbm>> -> memref<1280x32xf32, #tpu.memory_space<hbm>>
    %dma_start3A_1285 = tpu.memref_slice %arg8[%dma_start3A_1278] : memref<3x!tpu.dma_semaphore, #tpu.memory_space<semaphore_mem>> -> memref<1x!tpu.dma_semaphore, #tpu.memory_space<semaphore_mem>>
    %dma_start3A_1286 = tpu.memref_squeeze %dma_start3A_1285 : memref<1x!tpu.dma_semaphore, #tpu.memory_space<semaphore_mem>> -> memref<!tpu.dma_semaphore, #tpu.memory_space<semaphore_mem>>
    %dma_start3A_1287 = arith.constant 0 : i32
    %dma_start3A_1288 = tpu.memref_slice %arg4[%add3A_1276, %dma_start3A_1287] : memref<819200x32xf32, #tpu.memory_space<hbm>> -> memref<1280x32xf32, #tpu.memory_space<hbm>>
    %dma_start3A_1289 = arith.constant 0 : i32
    %dma_start3A_1290 = arith.constant 0 : i32
    %dma_start3A_1291 = tpu.memref_slice %arg6[%dma_start3A_1277, %dma_start3A_1289, %dma_start3A_1290] : memref<3x1280x32xf32, #tpu.memory_space<vmem>> -> memref<1x1280x32xf32, #tpu.memory_space<vmem>>
    %dma_start3A_1292 = tpu.memref_squeeze %dma_start3A_1291 : memref<1x1280x32xf32, #tpu.memory_space<vmem>> -> memref<1280x32xf32, #tpu.memory_space<vmem>>
    tpu.enqueue_dma source(%dma_start3A_1292 : memref<1280x32xf32, #tpu.memory_space<vmem>>) target(%dma_start3A_1288 : memref<1280x32xf32, #tpu.memory_space<hbm>>) target_semaphore(%dma_start3A_1286 : memref<!tpu.dma_semaphore, #tpu.memory_space<semaphore_mem>>)
    %dma_wait3A_1293 = arith.constant 1 : i32
    %dma_wait3A_1294 = arith.constant 1 : i32
    %dma_wait3A_1295 = arith.constant 1 : i32
    %dma_wait3A_1296 = arith.constant 0 : i32
    %dma_wait3A_1297 = arith.constant 0 : i32
    %dma_wait3A_1298 = tpu.memref_slice %arg6[%dma_wait3A_1294, %dma_wait3A_1296, %dma_wait3A_1297] : memref<3x1280x32xf32, #tpu.memory_space<vmem>> -> memref<1x1280x32xf32, #tpu.memory_space<vmem>>
    %dma_wait3A_1299 = tpu.memref_squeeze %dma_wait3A_1298 : memref<1x1280x32xf32, #tpu.memory_space<vmem>> -> memref<1280x32xf32, #tpu.memory_space<vmem>>
    %dma_wait3A_1300 = arith.constant 0 : i32
    %dma_wait3A_1301 = tpu.memref_slice %arg5[%dma_wait3A_1293, %dma_wait3A_1300] : memref<3x1280xi32, #tpu.memory_space<vmem>> -> memref<1x1280xi32, #tpu.memory_space<vmem>>
    %dma_wait3A_1302 = tpu.memref_squeeze %dma_wait3A_1301 : memref<1x1280xi32, #tpu.memory_space<vmem>> -> memref<1280xi32, #tpu.memory_space<vmem>>
    %dma_wait3A_1303 = arith.constant 0 : i32
    %dma_wait3A_1304 = arith.constant 0 : i32
    %dma_wait3A_1305 = tpu.memref_slice %arg3[%dma_wait3A_1303, %dma_wait3A_1304] : memref<1000000x32xf32, #tpu.memory_space<hbm>> -> memref<1000000x32xf32, #tpu.memory_space<hbm>>
    %dma_wait3A_1306 = tpu.memref_slice %arg7[%dma_wait3A_1295] : memref<3x!tpu.dma_semaphore, #tpu.memory_space<semaphore_mem>> -> memref<1x!tpu.dma_semaphore, #tpu.memory_space<semaphore_mem>>
    %dma_wait3A_1307 = tpu.memref_squeeze %dma_wait3A_1306 : memref<1x!tpu.dma_semaphore, #tpu.memory_space<semaphore_mem>> -> memref<!tpu.dma_semaphore, #tpu.memory_space<semaphore_mem>>
    tpu.wait_indirect_dma semaphore(%dma_wait3A_1307 : memref<!tpu.dma_semaphore, #tpu.memory_space<semaphore_mem>>) src(%dma_wait3A_1305 : memref<1000000x32xf32, #tpu.memory_space<hbm>>) dst(%dma_wait3A_1299 : memref<1280x32xf32, #tpu.memory_space<vmem>>)
    %add3A_1308 = arith.constant 24320 : i32
    %add3A_1309 = arith.addi %mul3A_2, %add3A_1308 : i32
    %dma_start3A_1310 = arith.constant 1 : i32
    %dma_start3A_1311 = arith.constant 1 : i32
    %dma_start3A_1312 = arith.constant 0 : i32
    %dma_start3A_1313 = arith.constant 0 : i32
    %dma_start3A_1314 = tpu.memref_slice %arg6[%dma_start3A_1310, %dma_start3A_1312, %dma_start3A_1313] : memref<3x1280x32xf32, #tpu.memory_space<vmem>> -> memref<1x1280x32xf32, #tpu.memory_space<vmem>>
    %dma_start3A_1315 = tpu.memref_squeeze %dma_start3A_1314 : memref<1x1280x32xf32, #tpu.memory_space<vmem>> -> memref<1280x32xf32, #tpu.memory_space<vmem>>
    %dma_start3A_1316 = arith.constant 0 : i32
    %dma_start3A_1317 = tpu.memref_slice %arg4[%add3A_1309, %dma_start3A_1316] : memref<819200x32xf32, #tpu.memory_space<hbm>> -> memref<1280x32xf32, #tpu.memory_space<hbm>>
    %dma_start3A_1318 = tpu.memref_slice %arg8[%dma_start3A_1311] : memref<3x!tpu.dma_semaphore, #tpu.memory_space<semaphore_mem>> -> memref<1x!tpu.dma_semaphore, #tpu.memory_space<semaphore_mem>>
    %dma_start3A_1319 = tpu.memref_squeeze %dma_start3A_1318 : memref<1x!tpu.dma_semaphore, #tpu.memory_space<semaphore_mem>> -> memref<!tpu.dma_semaphore, #tpu.memory_space<semaphore_mem>>
    %dma_start3A_1320 = arith.constant 0 : i32
    %dma_start3A_1321 = tpu.memref_slice %arg4[%add3A_1309, %dma_start3A_1320] : memref<819200x32xf32, #tpu.memory_space<hbm>> -> memref<1280x32xf32, #tpu.memory_space<hbm>>
    %dma_start3A_1322 = arith.constant 0 : i32
    %dma_start3A_1323 = arith.constant 0 : i32
    %dma_start3A_1324 = tpu.memref_slice %arg6[%dma_start3A_1310, %dma_start3A_1322, %dma_start3A_1323] : memref<3x1280x32xf32, #tpu.memory_space<vmem>> -> memref<1x1280x32xf32, #tpu.memory_space<vmem>>
    %dma_start3A_1325 = tpu.memref_squeeze %dma_start3A_1324 : memref<1x1280x32xf32, #tpu.memory_space<vmem>> -> memref<1280x32xf32, #tpu.memory_space<vmem>>
    tpu.enqueue_dma source(%dma_start3A_1325 : memref<1280x32xf32, #tpu.memory_space<vmem>>) target(%dma_start3A_1321 : memref<1280x32xf32, #tpu.memory_space<hbm>>) target_semaphore(%dma_start3A_1319 : memref<!tpu.dma_semaphore, #tpu.memory_space<semaphore_mem>>)
    %add3A_1326 = arith.constant 21760 : i32
    %add3A_1327 = arith.addi %mul3A_2, %add3A_1326 : i32
    %dma_wait3A_1328 = arith.constant 2 : i32
    %dma_wait3A_1329 = arith.constant 2 : i32
    %dma_wait3A_1330 = arith.constant 0 : i32
    %dma_wait3A_1331 = arith.constant 0 : i32
    %dma_wait3A_1332 = tpu.memref_slice %arg6[%dma_wait3A_1328, %dma_wait3A_1330, %dma_wait3A_1331] : memref<3x1280x32xf32, #tpu.memory_space<vmem>> -> memref<1x1280x32xf32, #tpu.memory_space<vmem>>
    %dma_wait3A_1333 = tpu.memref_squeeze %dma_wait3A_1332 : memref<1x1280x32xf32, #tpu.memory_space<vmem>> -> memref<1280x32xf32, #tpu.memory_space<vmem>>
    %dma_wait3A_1334 = arith.constant 0 : i32
    %dma_wait3A_1335 = tpu.memref_slice %arg4[%add3A_1327, %dma_wait3A_1334] : memref<819200x32xf32, #tpu.memory_space<hbm>> -> memref<1280x32xf32, #tpu.memory_space<hbm>>
    %dma_wait3A_1336 = tpu.memref_slice %arg8[%dma_wait3A_1329] : memref<3x!tpu.dma_semaphore, #tpu.memory_space<semaphore_mem>> -> memref<1x!tpu.dma_semaphore, #tpu.memory_space<semaphore_mem>>
    %dma_wait3A_1337 = tpu.memref_squeeze %dma_wait3A_1336 : memref<1x!tpu.dma_semaphore, #tpu.memory_space<semaphore_mem>> -> memref<!tpu.dma_semaphore, #tpu.memory_space<semaphore_mem>>
    %dma_wait3A_1338 = arith.constant 0 : i32
    %dma_wait3A_1339 = tpu.memref_slice %arg4[%add3A_1327, %dma_wait3A_1338] : memref<819200x32xf32, #tpu.memory_space<hbm>> -> memref<1280x32xf32, #tpu.memory_space<hbm>>
    %dma_wait3A_1340 = arith.constant 0 : i32
    %dma_wait3A_1341 = arith.constant 0 : i32
    %dma_wait3A_1342 = tpu.memref_slice %arg6[%dma_wait3A_1328, %dma_wait3A_1340, %dma_wait3A_1341] : memref<3x1280x32xf32, #tpu.memory_space<vmem>> -> memref<1x1280x32xf32, #tpu.memory_space<vmem>>
    %dma_wait3A_1343 = tpu.memref_squeeze %dma_wait3A_1342 : memref<1x1280x32xf32, #tpu.memory_space<vmem>> -> memref<1280x32xf32, #tpu.memory_space<vmem>>
    tpu.wait_dma2 semaphore(%dma_wait3A_1337 : memref<!tpu.dma_semaphore, #tpu.memory_space<semaphore_mem>>) src(%dma_wait3A_1343 : memref<1280x32xf32, #tpu.memory_space<vmem>>) dst(%dma_wait3A_1339 : memref<1280x32xf32, #tpu.memory_space<hbm>>)
    %add3A_1344 = arith.constant 23040 : i32
    %add3A_1345 = arith.addi %mul3A_2, %add3A_1344 : i32
    %dma_wait3A_1346 = arith.constant 0 : i32
    %dma_wait3A_1347 = arith.constant 0 : i32
    %dma_wait3A_1348 = arith.constant 0 : i32
    %dma_wait3A_1349 = arith.constant 0 : i32
    %dma_wait3A_1350 = tpu.memref_slice %arg6[%dma_wait3A_1346, %dma_wait3A_1348, %dma_wait3A_1349] : memref<3x1280x32xf32, #tpu.memory_space<vmem>> -> memref<1x1280x32xf32, #tpu.memory_space<vmem>>
    %dma_wait3A_1351 = tpu.memref_squeeze %dma_wait3A_1350 : memref<1x1280x32xf32, #tpu.memory_space<vmem>> -> memref<1280x32xf32, #tpu.memory_space<vmem>>
    %dma_wait3A_1352 = arith.constant 0 : i32
    %dma_wait3A_1353 = tpu.memref_slice %arg4[%add3A_1345, %dma_wait3A_1352] : memref<819200x32xf32, #tpu.memory_space<hbm>> -> memref<1280x32xf32, #tpu.memory_space<hbm>>
    %dma_wait3A_1354 = tpu.memref_slice %arg8[%dma_wait3A_1347] : memref<3x!tpu.dma_semaphore, #tpu.memory_space<semaphore_mem>> -> memref<1x!tpu.dma_semaphore, #tpu.memory_space<semaphore_mem>>
    %dma_wait3A_1355 = tpu.memref_squeeze %dma_wait3A_1354 : memref<1x!tpu.dma_semaphore, #tpu.memory_space<semaphore_mem>> -> memref<!tpu.dma_semaphore, #tpu.memory_space<semaphore_mem>>
    %dma_wait3A_1356 = arith.constant 0 : i32
    %dma_wait3A_1357 = tpu.memref_slice %arg4[%add3A_1345, %dma_wait3A_1356] : memref<819200x32xf32, #tpu.memory_space<hbm>> -> memref<1280x32xf32, #tpu.memory_space<hbm>>
    %dma_wait3A_1358 = arith.constant 0 : i32
    %dma_wait3A_1359 = arith.constant 0 : i32
    %dma_wait3A_1360 = tpu.memref_slice %arg6[%dma_wait3A_1346, %dma_wait3A_1358, %dma_wait3A_1359] : memref<3x1280x32xf32, #tpu.memory_space<vmem>> -> memref<1x1280x32xf32, #tpu.memory_space<vmem>>
    %dma_wait3A_1361 = tpu.memref_squeeze %dma_wait3A_1360 : memref<1x1280x32xf32, #tpu.memory_space<vmem>> -> memref<1280x32xf32, #tpu.memory_space<vmem>>
    tpu.wait_dma2 semaphore(%dma_wait3A_1355 : memref<!tpu.dma_semaphore, #tpu.memory_space<semaphore_mem>>) src(%dma_wait3A_1361 : memref<1280x32xf32, #tpu.memory_space<vmem>>) dst(%dma_wait3A_1357 : memref<1280x32xf32, #tpu.memory_space<hbm>>)
    %add3A_1362 = arith.constant 24320 : i32
    %add3A_1363 = arith.addi %mul3A_2, %add3A_1362 : i32
    %dma_wait3A_1364 = arith.constant 1 : i32
    %dma_wait3A_1365 = arith.constant 1 : i32
    %dma_wait3A_1366 = arith.constant 0 : i32
    %dma_wait3A_1367 = arith.constant 0 : i32
    %dma_wait3A_1368 = tpu.memref_slice %arg6[%dma_wait3A_1364, %dma_wait3A_1366, %dma_wait3A_1367] : memref<3x1280x32xf32, #tpu.memory_space<vmem>> -> memref<1x1280x32xf32, #tpu.memory_space<vmem>>
    %dma_wait3A_1369 = tpu.memref_squeeze %dma_wait3A_1368 : memref<1x1280x32xf32, #tpu.memory_space<vmem>> -> memref<1280x32xf32, #tpu.memory_space<vmem>>
    %dma_wait3A_1370 = arith.constant 0 : i32
    %dma_wait3A_1371 = tpu.memref_slice %arg4[%add3A_1363, %dma_wait3A_1370] : memref<819200x32xf32, #tpu.memory_space<hbm>> -> memref<1280x32xf32, #tpu.memory_space<hbm>>
    %dma_wait3A_1372 = tpu.memref_slice %arg8[%dma_wait3A_1365] : memref<3x!tpu.dma_semaphore, #tpu.memory_space<semaphore_mem>> -> memref<1x!tpu.dma_semaphore, #tpu.memory_space<semaphore_mem>>
    %dma_wait3A_1373 = tpu.memref_squeeze %dma_wait3A_1372 : memref<1x!tpu.dma_semaphore, #tpu.memory_space<semaphore_mem>> -> memref<!tpu.dma_semaphore, #tpu.memory_space<semaphore_mem>>
    %dma_wait3A_1374 = arith.constant 0 : i32
    %dma_wait3A_1375 = tpu.memref_slice %arg4[%add3A_1363, %dma_wait3A_1374] : memref<819200x32xf32, #tpu.memory_space<hbm>> -> memref<1280x32xf32, #tpu.memory_space<hbm>>
    %dma_wait3A_1376 = arith.constant 0 : i32
    %dma_wait3A_1377 = arith.constant 0 : i32
    %dma_wait3A_1378 = tpu.memref_slice %arg6[%dma_wait3A_1364, %dma_wait3A_1376, %dma_wait3A_1377] : memref<3x1280x32xf32, #tpu.memory_space<vmem>> -> memref<1x1280x32xf32, #tpu.memory_space<vmem>>
    %dma_wait3A_1379 = tpu.memref_squeeze %dma_wait3A_1378 : memref<1x1280x32xf32, #tpu.memory_space<vmem>> -> memref<1280x32xf32, #tpu.memory_space<vmem>>
    tpu.wait_dma2 semaphore(%dma_wait3A_1373 : memref<!tpu.dma_semaphore, #tpu.memory_space<semaphore_mem>>) src(%dma_wait3A_1379 : memref<1280x32xf32, #tpu.memory_space<vmem>>) dst(%dma_wait3A_1375 : memref<1280x32xf32, #tpu.memory_space<hbm>>)
    return
  }
}

</mosaic_0001>

<sc_bundles>
// kernel: kernel.3.cloned.1.call-start
scs
__scs_entry_jumppad:
0x0: {  	(pc) =	sbr.rel $0x88, $3  }
0x1: {  	(tag) =	ssettag $0x0;
	lr =	simm.s32 $0x1  }
0x2: {  	[smem:$0x3F9F] =	sst lr;
	_ =	strace $0xD0000000  }
0x3: {  	_ = 	snop  }
0x4: {  	_ = 	snop  }
0x5: {  	_ = 	snop  }
0x6: {  	_ = 	snop  }
0x7: {  	_ = 	snop  }
__scs_overlays_trampoline_lowered:
0x8: {  	[smem:$0x3FAE] =	sst s0  }
0x9: {  	[smem:$0x3FAF] =	sst s1  }
0xa: {  	[smem:$0x3FB0] =	sst s2  }
0xb: {  	[smem:$0x3FB1] =	sst s3  }
0xc: {  	[smem:$0x3FB2] =	sst s4  }
0xd: {  	[smem:$0x3FB3] =	sst s5  }
0xe: {  	[smem:$0x3FB4] =	sst s6  }
0xf: {  	[smem:$0x3FB5] =	sst s7  }
0x10: {  	[smem:$0x3FB6] =	sst s8  }
0x11: {  	[smem:$0x3FB7] =	sst s9;
	s0 =	simm.s32 @!p0 $0x0  }
0x12: {  	s1 =	sld [smem:$0x3F9D];
	s0 =	simm.s32 @p0 $0x1  }
0x13: {  	[smem:$0x3FB8] =	sst s0;
	s0 =	simm.s32 @!p1 $0x0  }
0x14: {  	s2 =	sld [smem:$0x3F9C];
	s0 =	simm.s32 @p1 $0x1  }
0x15: {  	[smem:$0x3FB9] =	sst s0;
	s0 =	simm.s32 @!p2 $0x0  }
0x16: {  	s3 =	sld [smem:$0x3FDB];
	s0 =	simm.s32 @p2 $0x1  }
0x17: {  	s4 =	simm.s32 $0x1BF5;
	[smem:$0x3FBB] =	sst s0  }
0x18: {  	s0 =	sld [smem:$0x3F9E];
	_ =	swait.ge [sflag:s4], $0x0  }
0x19: {  	s7 =	sld [smem:$0x3F9F]  }
0x1a: {  	s8 =	sadd.s32 $0xFFFFE003, lr  }
0x1b: {  	s9 =	sadd.s32 $0xFFFFFEF7, lr;
	s5 =	simm.s32 $0xFFFFFFFF;
	p2 =	slt.u32 s8, $0xFFFFF086  }
0x1c: {  	p1 =	slt.u32 s9, $0xF7A;
	s5 =	simm.s32 @!p2 $0x0  }
0x1d: {  	s5 =	simm.s32 @p1 $0x1;
	p0 =	seq.s32 s7, s2  }
0x1e: {  	s7 =	smul.u32 @!p0 $0xF7A, s2;
	p2 =	seq.s32 @!p0 s5, $0x0  }
0x1f: {  	s9 =	smul.u32 $0xF7A, s1;
	s8 =	simm.s32 @!p0 $0x1BF5;
	p2 =	por !p2, p0  }
0x20: {  	[sflag:s8] =	ssyncset.s32 @!p0 $0xFFFFF086;
	s6 =	sadd.s32 @!p0 s3, s7;
	s7 =	simm.s32 @!p0 $0x108  }
0x21: {  	s3 =	sadd.s32 s3, s9;
	s6 =	sadd.s32 @!p0 $0x88, s6;
	s7 =	simm.s32 @p2 $0x1082  }
0x22: {  	[simem:s7], [sflag:s8] =	dma.local @!p0 [hbm:s6], $0xF7A  }
0x23: {  	s9 =	sor.u32 $0xD0000000, s2;
	s6 =	simm.s32 $0x108;
	_ =	swait.ge @!p0 [sflag:s8], $0x0  }
0x24: {  	s3 =	sadd.s32 $0x88, s3;
	s6 =	simm.s32 @!p1 $0x1082;
	[sflag:s4] =	ssyncset.s32 $0xFFFFF086  }
0x25: {  	[simem:s6], [sflag:s4] =	dma.local [hbm:s3], $0xF7A  }
0x26: {  	[smem:$0x3F9F] =	sst s1;
	(tag) =	ssettag s2;
	_ =	strace s9  }
0x27: {  	s1 =	sld [smem:$0x3FAF]  }
0x28: {  	s2 =	sld [smem:$0x3FB0]  }
0x29: {  	s4 =	sld [smem:$0x3FB2]  }
0x2a: {  	p0 =	seq.s32 s5, $0x0;
	s5 =	sld [smem:$0x3FB3]  }
0x2b: {  	s6 =	sld [smem:$0x3FB4]  }
0x2c: {  	s7 =	sld [smem:$0x3FB5]  }
0x2d: {  	s3 =	simm.s32 $0x108;
	s8 =	sld [smem:$0x3FB6]  }
0x2e: {  	s3 =	simm.s32 @!p0 $0x1082;
	s9 =	sld [smem:$0x3FB7]  }
0x2f: {  	lr =	sadd.s32 s0, s3;
	s0 =	sld [smem:$0x3FAE]  }
0x30: {  	s3 =	sld [smem:$0x3FB1]  }
0x31: {  	[smem:$0x3FBA] =	sst s10  }
0x32: {  	s10 =	sld [smem:$0x3FB8];
	_ =	sdelay $0x3  }
0x33: {  	p0 =	seq.s32 s10, $0x1;
	s10 =	sld [smem:$0x3FBA];
	_ =	sdelay $0x3  }
0x34: {  	[smem:$0x3FBA] =	sst s10  }
0x35: {  	s10 =	sld [smem:$0x3FB9];
	_ =	sdelay $0x3  }
0x36: {  	p1 =	seq.s32 s10, $0x1;
	s10 =	sld [smem:$0x3FBA];
	_ =	sdelay $0x3  }
0x37: {  	[smem:$0x3FBA] =	sst s10  }
0x38: {  	s10 =	sld [smem:$0x3FBB]  }
0x39: {  	_ = 	snop;
	(pc) =	sbr.ind lr, $3  }
0x3a: {  	_ = 	snop  }
0x3b: {  	_ = 	snop  }
0x3c: {  	p2 =	seq.s32 s10, $0x1;
	s10 =	sld [smem:$0x3FBA]  }
0x3d: {  	_ =	shalt  }
0x3e: {  	_ =	shalt  }
0x3f: {  	_ =	shalt  }
0x40: {  	_ =	shalt  }
0x41: {  	_ =	shalt  }
0x42: {  	_ =	shalt  }
0x43: {  	_ =	shalt  }
0x44: {  	_ =	shalt  }
0x45: {  	_ =	shalt  }
0x46: {  	_ =	shalt  }
0x47: {  	_ =	shalt  }
0x48: {  	_ =	shalt  }
0x49: {  	_ =	shalt  }
0x4a: {  	_ =	shalt  }
0x4b: {  	_ =	shalt  }
0x4c: {  	_ =	shalt  }
0x4d: {  	_ =	shalt  }
0x4e: {  	_ =	shalt  }
0x4f: {  	_ =	shalt  }
0x50: {  	_ =	shalt  }
0x51: {  	_ =	shalt  }
0x52: {  	_ =	shalt  }
0x53: {  	_ =	shalt  }
0x54: {  	_ =	shalt  }
0x55: {  	_ =	shalt  }
0x56: {  	_ =	shalt  }
0x57: {  	_ =	shalt  }
0x58: {  	_ =	shalt  }
0x59: {  	_ =	shalt  }
0x5a: {  	_ =	shalt  }
0x5b: {  	_ =	shalt  }
0x5c: {  	_ =	shalt  }
0x5d: {  	_ =	shalt  }
0x5e: {  	_ =	shalt  }
0x5f: {  	_ =	shalt  }
0x60: {  	_ =	shalt  }
0x61: {  	_ =	shalt  }
0x62: {  	_ =	shalt  }
0x63: {  	_ =	shalt  }
0x64: {  	_ =	shalt  }
0x65: {  	_ =	shalt  }
0x66: {  	_ =	shalt  }
0x67: {  	_ =	shalt  }
0x68: {  	_ =	shalt  }
0x69: {  	_ =	shalt  }
0x6a: {  	_ =	shalt  }
0x6b: {  	_ =	shalt  }
0x6c: {  	_ =	shalt  }
0x6d: {  	_ =	shalt  }
0x6e: {  	_ =	shalt  }
0x6f: {  	_ =	shalt  }
0x70: {  	_ =	shalt  }
0x71: {  	_ =	shalt  }
0x72: {  	_ =	shalt  }
0x73: {  	_ =	shalt  }
0x74: {  	_ =	shalt  }
0x75: {  	_ =	shalt  }
0x76: {  	_ =	shalt  }
0x77: {  	_ =	shalt  }
0x78: {  	_ =	shalt  }
0x79: {  	_ =	shalt  }
0x7a: {  	_ =	shalt  }
0x7b: {  	_ =	shalt  }
0x7c: {  	_ =	shalt  }
0x7d: {  	_ =	shalt  }
0x7e: {  	_ =	shalt  }
0x7f: {  	_ =	shalt  }
0x80: {  	_ =	shalt  }
0x81: {  	_ =	shalt  }
0x82: {  	_ =	shalt  }
0x83: {  	_ =	shalt  }
0x84: {  	_ =	shalt  }
0x85: {  	_ =	shalt  }
0x86: {  	_ =	shalt  }
0x87: {  	_ =	shalt  }
.Lfunc_end0:
.L_simem_size_0:
called_computation.1_lowered:
.L_overlay_start_0:
0x88: {  	s2 =	sld [smem:$0x3FD9]  }
0x89: {  	s3 =	sld [smem:$0x3FFE];
	_ =	sdelay $0x1  }
0x8a: {  	s1 =	srdreg.scid  }
0x8b: {  	s0 =	sand.u32 $0x1, s1  }
0x8c: {  	s17 =	sshll.u32 s0, $0xA;
	s2 =	sadd.s32 s3, s2  }
0x8d: {  	s2 =	sadd.s32 s2, s17  }
0x8e: {  	[smem:$0x3FC6] =	sst s2  }
0x8f: {  	_ = 	snop  }
0x90: {  	s2 =	sld [smem:$0x3FD0];
	(tm) =	ssettm $0x1  }
0x91: {  	s18 =	sld [smem:$0x3FFB];
	_ =	sdelay $0x3  }
0x92: {  	_ =	strace s18  }
0x93: {  	s3 =	sld [smem:$0x3FFC];
	_ =	sdelay $0x3  }
0x94: {  	_ =	strace s3  }
0x95: {  	s3 =	sld [smem:$0x3FFD];
	_ =	sdelay $0x3  }
0x96: {  	_ =	strace s3  }
0x97: {  	_ =	strace $0x8FFFFFFF  }
0x98: {  	s19 =	sld [smem:$0x3FDB];
	_ =	sdelay $0x1  }
0x99: {  	s4 =	simm.s32 $_scs_section_size  }
0x9a: {  	s5 =	simm.s32 $_size__tile_overlayer_lowered;
	s6 =	simm.s32 $_tile_overlayer_lowered  }
0x9b: {  	s22 =	simm.s32 $0x1BFF;
	s21 =	sshll.u32 s6, $0x1;
	s3 =	sadd.s32 s4, s19  }
0x9c: {  	s7 =	simm.s32 $0x0;
	s20 =	sshll.u32 s5, $0x1;
	s5 =	sadd.s32 s21, s3  }
0x9d: {  	[timem:s7], [sflag:s22] =	dma.local [hbm:s5], s20  }
0x9e: {  	_ =	swait.ge [sflag:s22], s20  }
0x9f: {  	s4 =	ssub.s32 $0x0, s20;
	[sflag:s22] =	ssyncset.done $0x0  }
0xa0: {  	[sflag:s22] =	ssyncadd.s32 s4;
	_ =	sdelay $0x1  }
0xa1: {  	s23 =	simm.s32 $0x1B8B  }
0xa2: {  	_ =	swait.ge [sflag:s23], $0x1  }
0xa3: {  	[sflag:s23] =	ssyncset.done $0x0  }
0xa4: {  	s25 =	simm.s32 $0x1B8E;
	s24 =	sld [smem:$0x3FFE];
	[sflag:s23] =	ssyncadd.s32 $0xFFFFFFFF  }
0xa5: {  	s26 =	simm.s32 $execute0_lowered;
	[smem:$0x3FD2] =	sst s25  }
0xa6: {  	s5 =	sshll.u32 s26, $0x1;
	_ =	strace $0x80000046;
	[dreg:$0x1] =	wrdreg $0xFFFFFFFF  }
0xa7: {  	s28 =	simm.s32 $_size_execute0_lowered;
	s3 =	sadd.s32 s3, s5;
	[dreg:$0x0] =	wrdreg $0x0  }
0xa8: {  	s5 =	sshll.u32 s28, $0x1;
	[dreg:$0x2] =	wrdreg s3  }
0xa9: {  	[dreg:$0x3] =	wrdreg s5  }
0xaa: {  	[dreg:$0x4] =	wrdreg $0xC0  }
0xab: {  	_ =	task [dreg:s7], $0x5FFFF  }
0xac: {  	[dreg:$0x1] =	wrdreg $0xFFFFFFFF  }
0xad: {  	[dreg:$0x0] =	wrdreg $0x60  }
0xae: {  	[dreg:$0x2] =	wrdreg s24  }
0xaf: {  	[dreg:$0x3] =	wrdreg s2  }
0xb0: {  	[dreg:$0x4] =	wrdreg $0x9  }
0xb1: {  	_ =	task.clear_ibuf [dreg:s7], $0x5FFFF;
	_ =	strace $0x90000046  }
0xb2: {  	s29 =	simm.s32 $0x9;
	_ =	strace $0x80000048  }
0xb3: {  	_ =	swait.ge [sflag:s29], $0x1  }
0xb4: {  	[sflag:s29] =	ssyncadd.s32 $0xFFFFFFFF  }
0xb5: {  	_ =	strace $0x90000048  }
0xb6: {  	_ =	sfence  }
0xb7: {  	s30 =	sld [smem:$0x0];
	_ =	sdelay $0x2  }
0xb8: {  	s31 =	sshll.u32 s1, $0xD;
	s1 =	sshrl.u32 s1, $0x2  }
0xb9: {  	s3 =	sand.u32 $0x4000, s31;
	s1 =	sadd.s32 s1, s30  }
0xba: {  	s0 =	sor.u32 s3, s0;
	s1 =	sshll.u32 s1, $0x11  }
0xbb: {  	s0 =	sor.u32 s1, s0  }
0xbc: {  	s0 =	sadd.s32 $0x8F2B, s0  }
0xbd: {  	[sflag:s0] =	ssyncadd.remote.s32 $0x1  }
0xbe: {  	_ =	sfence.sel $0xFFFF  }
0xbf: {  	[dreg:$0x0] =	wrdreg $0xFFFFFFFF;
	(pc) =	sbr.abs _section_cstart, $3  }
0xc0: {  	[dreg:$0x1] =	wrdreg $0xFFFFFFFF  }
0xc1: {  	_ =	task.clear_ibuf [dreg:s7], $0x2FFFF;
	_ =	strace $0x9FFFFFFF  }
0xc2: {  	(tm) =	ssettm $0x7FFFFFFF  }
0xc3: {  	_ =	shalt  }
tec
execute0_lowered:
.L_overlay_start_1:
0x0: {  	(tag) =	ssettag $0x1  }
0x1: {  	s1 =	srdreg.scid;
	s0 =	stileid.u32  }
0x2: {  	s4 =	rddreg [dreg:$0x0];
	s1 =	sand.u32 $0x1, s1;
	s2 =	sshll.u32 s0, $0x1  }
0x3: {  	s31 =	rddreg [dreg:$0x1];
	s3 =	sor.u32 s1, s2  }
0x4: {  	[dreg:$0x1c] =	wrdreg s1;
	s2 =	simm.s32 $0x0;
	s29 =	smul.u32 $0x6400, s3  }
0x5: {  	[smem:$0x7FF] =	sst s2;
	s3 =	smul.u32 $0x19000, s3  }
0x6: {  	s28 =	sadd.s32 $0xA00, s4;
	_ =	strace $0x80000047;
	s5 =	sshrl.u32 s29, $0x3  }
0x7: {  	s6 =	sadd.s32 $0x500, s29;
	s7 =	sadd.s32 $0xA00, s29;
	s3 =	sadd.s32 s31, s3  }
0x8: {  	s24 =	sadd.s32 $0xF00, s29;
	s26 =	sadd.s32 $0x1400, s29;
	s10 =	sadd.s32 $0x1900, s29  }
0x9: {  	s12 =	sadd.s32 $0x1E00, s29;
	s18 =	sadd.s32 $0x2300, s29;
	s20 =	sadd.s32 $0x2800, s29  }
0xa: {  	s5 =	sadd.s32 s28, s5;
	s22 =	sshrl.u32 s6, $0x3;
	s8 =	sshrl.u32 s7, $0x3  }
0xb: {  	[dreg:$0x6] =	wrdreg s3;
	s25 =	sshrl.u32 s24, $0x3;
	s6 =	sshll.u32 s6, $0x2  }
0xc: {  	s1 =	sshrl.u32 s26, $0x3;
	[dreg:$0x3] =	wrdreg s5;
	s5 =	sadd.s32 s28, s22  }
0xd: {  	s7 =	sshll.u32 s7, $0x2;
	s23 =	sadd.s32 s28, s8;
	[dreg:$0x4] =	wrdreg s5  }
0xe: {  	s11 =	sshrl.u32 s10, $0x3;
	s3 =	sadd.s32 s28, s25;
	[dreg:$0x5] =	wrdreg s23  }
0xf: {  	s14 =	sshrl.u32 s12, $0x3;
	s0 =	sadd.s32 s31, s6;
	[dreg:$0x7] =	wrdreg s3  }
0x10: {  	s16 =	sshll.u32 s26, $0x2;
	s6 =	sadd.s32 s28, s1;
	[dreg:$0x8] =	wrdreg s0  }
0x11: {  	s19 =	sshrl.u32 s18, $0x3;
	s9 =	sadd.s32 s31, s7;
	[dreg:$0x9] =	wrdreg s6  }
0x12: {  	s26 =	sadd.s32 $0x2D00, s29;
	s15 =	sadd.s32 s28, s14;
	[dreg:$0xa] =	wrdreg s9  }
0x13: {  	s17 =	sadd.s32 s31, s16;
	s22 =	sshrl.u32 s20, $0x3;
	[dreg:$0xd] =	wrdreg s15  }
0x14: {  	s1 =	sadd.s32 $0x3200, s29;
	s3 =	sadd.s32 s28, s11;
	[dreg:$0xe] =	wrdreg s17  }
0x15: {  	s16 =	sadd.s32 $0x3700, s29;
	s23 =	sadd.s32 s28, s22;
	[dreg:$0xb] =	wrdreg s3  }
0x16: {  	s5 =	sshll.u32 s24, $0x2;
	s6 =	sshll.u32 s10, $0x2;
	[dreg:$0x11] =	wrdreg s23  }
0x17: {  	s24 =	sshll.u32 s12, $0x2;
	s13 =	sadd.s32 s31, s5;
	s23 =	rddreg [dreg:$0x3]  }
0x18: {  	s0 =	sshrl.u32 s26, $0x3;
	s3 =	sadd.s32 s28, s19;
	[dreg:$0xc] =	wrdreg s13  }
0x19: {  	s10 =	sshrl.u32 s1, $0x3;
	s21 =	sadd.s32 s31, s6;
	[dreg:$0xf] =	wrdreg s3  }
0x1a: {  	s12 =	sshll.u32 s20, $0x2;
	s25 =	sadd.s32 s31, s24;
	[dreg:$0x10] =	wrdreg s21  }
0x1b: {  	s15 =	sshll.u32 s26, $0x2;
	s11 =	sadd.s32 s28, s10;
	[dreg:$0x12] =	wrdreg s25  }
0x1c: {  	s14 =	sshrl.u32 s16, $0x3;
	s17 =	sadd.s32 s31, s15;
	[dreg:$0x15] =	wrdreg s11  }
0x1d: {  	s5 =	sshll.u32 s18, $0x2;
	s3 =	sadd.s32 s28, s0;
	[dreg:$0x18] =	wrdreg s17  }
0x1e: {  	[tilespmem:s2], [sflag:$0x7] =	stream.linear.gather [hbm4b:s23+s2], $0x500, $0x38;
	[tilespmem:$0x1EF00] =	vst v63  }
0x1f: {  	s18 =	sadd.s32 $0x3C00, s29;
	s9 =	sadd.s32 s31, s5;
	[dreg:$0x13] =	wrdreg s3  }
0x20: {  	s13 =	sadd.s32 s31, s12;
	s19 =	sshrl.u32 s18, $0x3;
	[dreg:$0x14] =	wrdreg s9  }
0x21: {  	s21 =	sshll.u32 s1, $0x2;
	[dreg:$0x16] =	wrdreg s13;
	s20 =	sadd.s32 s28, s19  }
0x22: {  	s3 =	sadd.s32 s28, s14;
	[dreg:$0x19] =	wrdreg s20;
	s20 =	sadd.s32 $0x4100, s29  }
0x23: {  	[dreg:$0x17] =	wrdreg s3;
	s3 =	sadd.s32 s31, s21;
	s22 =	sshrl.u32 s20, $0x3  }
0x24: {  	[dreg:$0x1a] =	wrdreg s3;
	s24 =	sadd.s32 s28, s22  }
0x25: {  	s3 =	simm.s32 $0x7;
	[dreg:$0x1b] =	wrdreg s24  }
0x26: {  	_ =	swait.ge [sflag:s3], $0x500  }
0x27: {  	s4 =	sadd.s32 $0xF42E00, s4;
	[sflag:s3] =	ssyncset.done $0x0  }
0x28: {  	s6 =	simm.s32 $0xF00;
	s5 =	simm.s32 $0x500;
	[sflag:s3] =	ssyncadd.s32 $0xFFFFFB00  }
0x29: {  	[tilespmem:s6], [sflag:$0x1] =	stream.indirect.gather [hbm4b:s4+s5], $0x20, s2, s5, $0xb8;
	[tilespmem:$0x1EF00] =	vst v63  }
0x2a: {  	s25 =	rddreg [dreg:$0x4]  }
0x2b: {  	[tilespmem:s5], [sflag:$0x7] =	stream.linear.gather [hbm4b:s25+s2], $0x500, $0x38;
	[tilespmem:$0x1EF00] =	vst v63  }
0x2c: {  	_ =	swait.ge [sflag:s3], $0x500  }
0x2d: {  	[sflag:s3] =	ssyncset.done $0x0  }
0x2e: {  	s7 =	simm.s32 $0xAF00;
	[sflag:s3] =	ssyncadd.s32 $0xFFFFFB00  }
0x2f: {  	[tilespmem:s7], [sflag:$0x2] =	stream.indirect.gather [hbm4b:s4+s5], $0x20, s5, s5, $0xb8;
	[tilespmem:$0x1EF00] =	vst v63  }
0x30: {  	s8 =	simm.s32 $0xA00;
	s9 =	rddreg [dreg:$0x5]  }
0x31: {  	[tilespmem:s8], [sflag:$0x7] =	stream.linear.gather [hbm4b:s9+s2], $0x500, $0x38;
	[tilespmem:$0x1EF00] =	vst v63  }
0x32: {  	_ =	swait.ge [sflag:s3], $0x500  }
0x33: {  	[sflag:s3] =	ssyncset.done $0x0  }
0x34: {  	s10 =	simm.s32 $0x1;
	s9 =	simm.s32 $0x14F00;
	[sflag:s3] =	ssyncadd.s32 $0xFFFFFB00  }
0x35: {  	[tilespmem:s9], [sflag:$0x3] =	stream.indirect.gather [hbm4b:s4+s5], $0x20, s8, s5, $0xb8;
	[tilespmem:$0x1EF00] =	vst v63  }
0x36: {  	_ =	swait.ge [sflag:s10], $0xA000  }
0x37: {  	[sflag:s10] =	ssyncset.done $0x0  }
0x38: {  	s11 =	simm.s32 $0x4;
	s12 =	rddreg [dreg:$0x6];
	[sflag:s10] =	ssyncadd.s32 $0xFFFF6000  }
0x39: {  	[hbm4b:s12+s2] =	stream.linear.scatter [tilespmem:s6], [sflag:$0x4], $0xA000, $0x38;
	[tilespmem:$0x1EF00] =	vst v63  }
0x3a: {  	_ =	swait.ge [sflag:s11], $0xA000  }
0x3b: {  	[sflag:s11] =	ssyncset.done $0x0  }
0x3c: {  	s26 =	rddreg [dreg:$0x7];
	[sflag:s11] =	ssyncadd.s32 $0xFFFF6000  }
0x3d: {  	[tilespmem:s2], [sflag:$0x7] =	stream.linear.gather [hbm4b:s26+s2], $0x500, $0x38;
	[tilespmem:$0x1EF00] =	vst v63  }
0x3e: {  	_ =	swait.ge [sflag:s3], $0x500  }
0x3f: {  	[sflag:s3] =	ssyncset.done $0x0  }
0x40: {  	s12 =	simm.s32 $0x2;
	[sflag:s3] =	ssyncadd.s32 $0xFFFFFB00  }
0x41: {  	[tilespmem:s6], [sflag:$0x1] =	stream.indirect.gather [hbm4b:s4+s5], $0x20, s2, s5, $0xb8;
	[tilespmem:$0x1EF00] =	vst v63  }
0x42: {  	_ =	swait.ge [sflag:s12], $0xA000  }
0x43: {  	[sflag:s12] =	ssyncset.done $0x0  }
0x44: {  	s13 =	simm.s32 $0x5;
	s14 =	rddreg [dreg:$0x8];
	[sflag:s12] =	ssyncadd.s32 $0xFFFF6000  }
0x45: {  	[hbm4b:s14+s2] =	stream.linear.scatter [tilespmem:s7], [sflag:$0x5], $0xA000, $0x38;
	[tilespmem:$0x1EF00] =	vst v63  }
0x46: {  	_ =	swait.ge [sflag:s13], $0xA000  }
0x47: {  	[sflag:s13] =	ssyncset.done $0x0  }
0x48: {  	s0 =	rddreg [dreg:$0x9];
	[sflag:s13] =	ssyncadd.s32 $0xFFFF6000  }
0x49: {  	[tilespmem:s5], [sflag:$0x7] =	stream.linear.gather [hbm4b:s0+s2], $0x500, $0x38;
	[tilespmem:$0x1EF00] =	vst v63  }
0x4a: {  	_ =	swait.ge [sflag:s3], $0x500  }
0x4b: {  	[sflag:s3] =	ssyncset.done $0x0  }
0x4c: {  	s14 =	simm.s32 $0x3;
	[sflag:s3] =	ssyncadd.s32 $0xFFFFFB00  }
0x4d: {  	[tilespmem:s7], [sflag:$0x2] =	stream.indirect.gather [hbm4b:s4+s5], $0x20, s5, s5, $0xb8;
	[tilespmem:$0x1EF00] =	vst v63  }
0x4e: {  	_ =	swait.ge [sflag:s14], $0xA000  }
0x4f: {  	[sflag:s14] =	ssyncset.done $0x0  }
0x50: {  	s15 =	simm.s32 $0x6;
	s17 =	rddreg [dreg:$0xa];
	[sflag:s14] =	ssyncadd.s32 $0xFFFF6000  }
0x51: {  	[hbm4b:s17+s2] =	stream.linear.scatter [tilespmem:s9], [sflag:$0x6], $0xA000, $0x38;
	[tilespmem:$0x1EF00] =	vst v63  }
0x52: {  	_ =	swait.ge [sflag:s15], $0xA000  }
0x53: {  	[sflag:s15] =	ssyncset.done $0x0  }
0x54: {  	s1 =	rddreg [dreg:$0xb];
	[sflag:s15] =	ssyncadd.s32 $0xFFFF6000  }
0x55: {  	[tilespmem:s8], [sflag:$0x7] =	stream.linear.gather [hbm4b:s1+s2], $0x500, $0x38;
	[tilespmem:$0x1EF00] =	vst v63  }
0x56: {  	_ =	swait.ge [sflag:s3], $0x500  }
0x57: {  	[sflag:s3] =	ssyncset.done $0x0  }
0x58: {  	[sflag:s3] =	ssyncadd.s32 $0xFFFFFB00  }
0x59: {  	[tilespmem:s9], [sflag:$0x3] =	stream.indirect.gather [hbm4b:s4+s5], $0x20, s8, s5, $0xb8;
	[tilespmem:$0x1EF00] =	vst v63  }
0x5a: {  	_ =	swait.ge [sflag:s10], $0xA000  }
0x5b: {  	[sflag:s10] =	ssyncset.done $0x0  }
0x5c: {  	s19 =	rddreg [dreg:$0xc];
	[sflag:s10] =	ssyncadd.s32 $0xFFFF6000  }
0x5d: {  	[hbm4b:s19+s2] =	stream.linear.scatter [tilespmem:s6], [sflag:$0x4], $0xA000, $0x38;
	[tilespmem:$0x1EF00] =	vst v63  }
0x5e: {  	_ =	swait.ge [sflag:s11], $0xA000  }
0x5f: {  	[sflag:s11] =	ssyncset.done $0x0  }
0x60: {  	s21 =	rddreg [dreg:$0xd];
	[sflag:s11] =	ssyncadd.s32 $0xFFFF6000  }
0x61: {  	[tilespmem:s2], [sflag:$0x7] =	stream.linear.gather [hbm4b:s21+s2], $0x500, $0x38;
	[tilespmem:$0x1EF00] =	vst v63  }
0x62: {  	_ =	swait.ge [sflag:s3], $0x500  }
0x63: {  	[sflag:s3] =	ssyncset.done $0x0  }
0x64: {  	[sflag:s3] =	ssyncadd.s32 $0xFFFFFB00  }
0x65: {  	[tilespmem:s6], [sflag:$0x1] =	stream.indirect.gather [hbm4b:s4+s5], $0x20, s2, s5, $0xb8;
	[tilespmem:$0x1EF00] =	vst v63  }
0x66: {  	_ =	swait.ge [sflag:s12], $0xA000  }
0x67: {  	[sflag:s12] =	ssyncset.done $0x0  }
0x68: {  	s22 =	rddreg [dreg:$0xe];
	[sflag:s12] =	ssyncadd.s32 $0xFFFF6000  }
0x69: {  	[hbm4b:s22+s2] =	stream.linear.scatter [tilespmem:s7], [sflag:$0x5], $0xA000, $0x38;
	[tilespmem:$0x1EF00] =	vst v63  }
0x6a: {  	_ =	swait.ge [sflag:s13], $0xA000  }
0x6b: {  	[sflag:s13] =	ssyncset.done $0x0  }
0x6c: {  	s23 =	rddreg [dreg:$0xf];
	[sflag:s13] =	ssyncadd.s32 $0xFFFF6000  }
0x6d: {  	[tilespmem:s5], [sflag:$0x7] =	stream.linear.gather [hbm4b:s23+s2], $0x500, $0x38;
	[tilespmem:$0x1EF00] =	vst v63  }
0x6e: {  	_ =	swait.ge [sflag:s3], $0x500  }
0x6f: {  	[sflag:s3] =	ssyncset.done $0x0  }
0x70: {  	[sflag:s3] =	ssyncadd.s32 $0xFFFFFB00  }
0x71: {  	[tilespmem:s7], [sflag:$0x2] =	stream.indirect.gather [hbm4b:s4+s5], $0x20, s5, s5, $0xb8;
	[tilespmem:$0x1EF00] =	vst v63  }
0x72: {  	_ =	swait.ge [sflag:s14], $0xA000  }
0x73: {  	[sflag:s14] =	ssyncset.done $0x0  }
0x74: {  	s24 =	rddreg [dreg:$0x10];
	[sflag:s14] =	ssyncadd.s32 $0xFFFF6000  }
0x75: {  	[hbm4b:s24+s2] =	stream.linear.scatter [tilespmem:s9], [sflag:$0x6], $0xA000, $0x38;
	[tilespmem:$0x1EF00] =	vst v63  }
0x76: {  	_ =	swait.ge [sflag:s15], $0xA000  }
0x77: {  	[sflag:s15] =	ssyncset.done $0x0  }
0x78: {  	s25 =	rddreg [dreg:$0x11];
	[sflag:s15] =	ssyncadd.s32 $0xFFFF6000  }
0x79: {  	[tilespmem:s8], [sflag:$0x7] =	stream.linear.gather [hbm4b:s25+s2], $0x500, $0x38;
	[tilespmem:$0x1EF00] =	vst v63  }
0x7a: {  	_ =	swait.ge [sflag:s3], $0x500  }
0x7b: {  	[sflag:s3] =	ssyncset.done $0x0  }
0x7c: {  	[sflag:s3] =	ssyncadd.s32 $0xFFFFFB00  }
0x7d: {  	[tilespmem:s9], [sflag:$0x3] =	stream.indirect.gather [hbm4b:s4+s5], $0x20, s8, s5, $0xb8;
	[tilespmem:$0x1EF00] =	vst v63  }
0x7e: {  	_ =	swait.ge [sflag:s10], $0xA000  }
0x7f: {  	[sflag:s10] =	ssyncset.done $0x0  }
0x80: {  	s26 =	rddreg [dreg:$0x12];
	[sflag:s10] =	ssyncadd.s32 $0xFFFF6000  }
0x81: {  	[hbm4b:s26+s2] =	stream.linear.scatter [tilespmem:s6], [sflag:$0x4], $0xA000, $0x38;
	[tilespmem:$0x1EF00] =	vst v63  }
0x82: {  	_ =	swait.ge [sflag:s11], $0xA000  }
0x83: {  	[sflag:s11] =	ssyncset.done $0x0  }
0x84: {  	s0 =	rddreg [dreg:$0x13];
	[sflag:s11] =	ssyncadd.s32 $0xFFFF6000  }
0x85: {  	[tilespmem:s2], [sflag:$0x7] =	stream.linear.gather [hbm4b:s0+s2], $0x500, $0x38;
	[tilespmem:$0x1EF00] =	vst v63  }
0x86: {  	_ =	swait.ge [sflag:s3], $0x500  }
0x87: {  	[sflag:s3] =	ssyncset.done $0x0  }
0x88: {  	[sflag:s3] =	ssyncadd.s32 $0xFFFFFB00  }
0x89: {  	[tilespmem:s6], [sflag:$0x1] =	stream.indirect.gather [hbm4b:s4+s5], $0x20, s2, s5, $0xb8;
	[tilespmem:$0x1EF00] =	vst v63  }
0x8a: {  	_ =	swait.ge [sflag:s12], $0xA000  }
0x8b: {  	[sflag:s12] =	ssyncset.done $0x0  }
0x8c: {  	s1 =	rddreg [dreg:$0x14];
	[sflag:s12] =	ssyncadd.s32 $0xFFFF6000  }
0x8d: {  	[hbm4b:s1+s2] =	stream.linear.scatter [tilespmem:s7], [sflag:$0x5], $0xA000, $0x38;
	[tilespmem:$0x1EF00] =	vst v63  }
0x8e: {  	_ =	swait.ge [sflag:s13], $0xA000  }
0x8f: {  	[sflag:s13] =	ssyncset.done $0x0  }
0x90: {  	s19 =	rddreg [dreg:$0x15];
	[sflag:s13] =	ssyncadd.s32 $0xFFFF6000  }
0x91: {  	[tilespmem:s5], [sflag:$0x7] =	stream.linear.gather [hbm4b:s19+s2], $0x500, $0x38;
	[tilespmem:$0x1EF00] =	vst v63  }
0x92: {  	_ =	swait.ge [sflag:s3], $0x500  }
0x93: {  	[sflag:s3] =	ssyncset.done $0x0  }
0x94: {  	[sflag:s3] =	ssyncadd.s32 $0xFFFFFB00  }
0x95: {  	[tilespmem:s7], [sflag:$0x2] =	stream.indirect.gather [hbm4b:s4+s5], $0x20, s5, s5, $0xb8;
	[tilespmem:$0x1EF00] =	vst v63  }
0x96: {  	_ =	swait.ge [sflag:s14], $0xA000  }
0x97: {  	[sflag:s14] =	ssyncset.done $0x0  }
0x98: {  	s21 =	rddreg [dreg:$0x16];
	[sflag:s14] =	ssyncadd.s32 $0xFFFF6000  }
0x99: {  	[hbm4b:s21+s2] =	stream.linear.scatter [tilespmem:s9], [sflag:$0x6], $0xA000, $0x38;
	[tilespmem:$0x1EF00] =	vst v63  }
0x9a: {  	_ =	swait.ge [sflag:s15], $0xA000  }
0x9b: {  	[sflag:s15] =	ssyncset.done $0x0  }
0x9c: {  	s22 =	rddreg [dreg:$0x17];
	[sflag:s15] =	ssyncadd.s32 $0xFFFF6000  }
0x9d: {  	[tilespmem:s8], [sflag:$0x7] =	stream.linear.gather [hbm4b:s22+s2], $0x500, $0x38;
	[tilespmem:$0x1EF00] =	vst v63  }
0x9e: {  	_ =	swait.ge [sflag:s3], $0x500  }
0x9f: {  	[sflag:s3] =	ssyncset.done $0x0  }
0xa0: {  	[sflag:s3] =	ssyncadd.s32 $0xFFFFFB00  }
0xa1: {  	[tilespmem:s9], [sflag:$0x3] =	stream.indirect.gather [hbm4b:s4+s5], $0x20, s8, s5, $0xb8;
	[tilespmem:$0x1EF00] =	vst v63  }
0xa2: {  	_ =	swait.ge [sflag:s10], $0xA000  }
0xa3: {  	[sflag:s10] =	ssyncset.done $0x0  }
0xa4: {  	s23 =	rddreg [dreg:$0x18];
	[sflag:s10] =	ssyncadd.s32 $0xFFFF6000  }
0xa5: {  	[hbm4b:s23+s2] =	stream.linear.scatter [tilespmem:s6], [sflag:$0x4], $0xA000, $0x38;
	[tilespmem:$0x1EF00] =	vst v63  }
0xa6: {  	_ =	swait.ge [sflag:s11], $0xA000  }
0xa7: {  	[sflag:s11] =	ssyncset.done $0x0  }
0xa8: {  	s24 =	rddreg [dreg:$0x19];
	[sflag:s11] =	ssyncadd.s32 $0xFFFF6000  }
0xa9: {  	[tilespmem:s2], [sflag:$0x7] =	stream.linear.gather [hbm4b:s24+s2], $0x500, $0x38;
	[tilespmem:$0x1EF00] =	vst v63  }
0xaa: {  	_ =	swait.ge [sflag:s3], $0x500  }
0xab: {  	[sflag:s3] =	ssyncset.done $0x0  }
0xac: {  	[sflag:s3] =	ssyncadd.s32 $0xFFFFFB00  }
0xad: {  	[tilespmem:s6], [sflag:$0x1] =	stream.indirect.gather [hbm4b:s4+s5], $0x20, s2, s5, $0xb8;
	[tilespmem:$0x1EF00] =	vst v63  }
0xae: {  	_ =	swait.ge [sflag:s12], $0xA000  }
0xaf: {  	[sflag:s12] =	ssyncset.done $0x0  }
0xb0: {  	s25 =	rddreg [dreg:$0x1a];
	[sflag:s12] =	ssyncadd.s32 $0xFFFF6000  }
0xb1: {  	[hbm4b:s25+s2] =	stream.linear.scatter [tilespmem:s7], [sflag:$0x5], $0xA000, $0x38;
	[tilespmem:$0x1EF00] =	vst v63  }
0xb2: {  	_ =	swait.ge [sflag:s13], $0xA000  }
0xb3: {  	[sflag:s13] =	ssyncset.done $0x0  }
0xb4: {  	s26 =	rddreg [dreg:$0x1b];
	[sflag:s13] =	ssyncadd.s32 $0xFFFF6000  }
0xb5: {  	[tilespmem:s5], [sflag:$0x7] =	stream.linear.gather [hbm4b:s26+s2], $0x500, $0x38;
	[tilespmem:$0x1EF00] =	vst v63  }
0xb6: {  	_ =	swait.ge [sflag:s3], $0x500  }
0xb7: {  	[sflag:s3] =	ssyncset.done $0x0  }
0xb8: {  	[sflag:s3] =	ssyncadd.s32 $0xFFFFFB00  }
0xb9: {  	[tilespmem:s7], [sflag:$0x2] =	stream.indirect.gather [hbm4b:s4+s5], $0x20, s5, s5, $0xb8;
	[tilespmem:$0x1EF00] =	vst v63  }
0xba: {  	_ =	swait.ge [sflag:s14], $0xA000  }
0xbb: {  	s16 =	sshll.u32 s16, $0x2;
	[sflag:s14] =	ssyncset.done $0x0  }
0xbc: {  	s16 =	sadd.s32 s31, s16;
	[sflag:s14] =	ssyncadd.s32 $0xFFFF6000  }
0xbd: {  	[hbm4b:s16+s2] =	stream.linear.scatter [tilespmem:s9], [sflag:$0x6], $0xA000, $0x38;
	[tilespmem:$0x1EF00] =	vst v63  }
0xbe: {  	s22 =	sadd.s32 $0x4600, s29;
	_ =	swait.ge [sflag:s15], $0xA000  }
0xbf: {  	s0 =	sshrl.u32 s22, $0x3;
	[sflag:s15] =	ssyncset.done $0x0  }
0xc0: {  	s17 =	sadd.s32 s28, s0;
	[sflag:s15] =	ssyncadd.s32 $0xFFFF6000  }
0xc1: {  	[tilespmem:s8], [sflag:$0x7] =	stream.linear.gather [hbm4b:s17+s2], $0x500, $0x38;
	[tilespmem:$0x1EF00] =	vst v63  }
0xc2: {  	_ =	swait.ge [sflag:s3], $0x500  }
0xc3: {  	[sflag:s3] =	ssyncset.done $0x0  }
0xc4: {  	[sflag:s3] =	ssyncadd.s32 $0xFFFFFB00  }
0xc5: {  	[tilespmem:s9], [sflag:$0x3] =	stream.indirect.gather [hbm4b:s4+s5], $0x20, s8, s5, $0xb8;
	[tilespmem:$0x1EF00] =	vst v63  }
0xc6: {  	_ =	swait.ge [sflag:s10], $0xA000  }
0xc7: {  	s18 =	sshll.u32 s18, $0x2;
	[sflag:s10] =	ssyncset.done $0x0  }
0xc8: {  	s18 =	sadd.s32 s31, s18;
	[sflag:s10] =	ssyncadd.s32 $0xFFFF6000  }
0xc9: {  	[hbm4b:s18+s2] =	stream.linear.scatter [tilespmem:s6], [sflag:$0x4], $0xA000, $0x38;
	[tilespmem:$0x1EF00] =	vst v63  }
0xca: {  	s24 =	sadd.s32 $0x4B00, s29;
	_ =	swait.ge [sflag:s11], $0xA000  }
0xcb: {  	s19 =	sshrl.u32 s24, $0x3;
	[sflag:s11] =	ssyncset.done $0x0  }
0xcc: {  	s19 =	sadd.s32 s28, s19;
	[sflag:s11] =	ssyncadd.s32 $0xFFFF6000  }
0xcd: {  	[tilespmem:s2], [sflag:$0x7] =	stream.linear.gather [hbm4b:s19+s2], $0x500, $0x38;
	[tilespmem:$0x1EF00] =	vst v63  }
0xce: {  	_ =	swait.ge [sflag:s3], $0x500  }
0xcf: {  	[sflag:s3] =	ssyncset.done $0x0  }
0xd0: {  	[sflag:s3] =	ssyncadd.s32 $0xFFFFFB00  }
0xd1: {  	[tilespmem:s6], [sflag:$0x1] =	stream.indirect.gather [hbm4b:s4+s5], $0x20, s2, s5, $0xb8;
	[tilespmem:$0x1EF00] =	vst v63  }
0xd2: {  	_ =	swait.ge [sflag:s12], $0xA000  }
0xd3: {  	s20 =	sshll.u32 s20, $0x2;
	[sflag:s12] =	ssyncset.done $0x0  }
0xd4: {  	s20 =	sadd.s32 s31, s20;
	[sflag:s12] =	ssyncadd.s32 $0xFFFF6000  }
0xd5: {  	[hbm4b:s20+s2] =	stream.linear.scatter [tilespmem:s7], [sflag:$0x5], $0xA000, $0x38;
	[tilespmem:$0x1EF00] =	vst v63  }
0xd6: {  	s26 =	sadd.s32 $0x5000, s29;
	_ =	swait.ge [sflag:s13], $0xA000  }
0xd7: {  	s21 =	sshrl.u32 s26, $0x3;
	[sflag:s13] =	ssyncset.done $0x0  }
0xd8: {  	s21 =	sadd.s32 s28, s21;
	[sflag:s13] =	ssyncadd.s32 $0xFFFF6000  }
0xd9: {  	[tilespmem:s5], [sflag:$0x7] =	stream.linear.gather [hbm4b:s21+s2], $0x500, $0x38;
	[tilespmem:$0x1EF00] =	vst v63  }
0xda: {  	_ =	swait.ge [sflag:s3], $0x500  }
0xdb: {  	[sflag:s3] =	ssyncset.done $0x0  }
0xdc: {  	[sflag:s3] =	ssyncadd.s32 $0xFFFFFB00  }
0xdd: {  	[tilespmem:s7], [sflag:$0x2] =	stream.indirect.gather [hbm4b:s4+s5], $0x20, s5, s5, $0xb8;
	[tilespmem:$0x1EF00] =	vst v63  }
0xde: {  	_ =	swait.ge [sflag:s14], $0xA000  }
0xdf: {  	s22 =	sshll.u32 s22, $0x2;
	[sflag:s14] =	ssyncset.done $0x0  }
0xe0: {  	s22 =	sadd.s32 s31, s22;
	[sflag:s14] =	ssyncadd.s32 $0xFFFF6000  }
0xe1: {  	[hbm4b:s22+s2] =	stream.linear.scatter [tilespmem:s9], [sflag:$0x6], $0xA000, $0x38;
	[tilespmem:$0x1EF00] =	vst v63  }
0xe2: {  	s30 =	sadd.s32 $0x5500, s29;
	_ =	swait.ge [sflag:s15], $0xA000  }
0xe3: {  	s23 =	sshrl.u32 s30, $0x3;
	[sflag:s15] =	ssyncset.done $0x0  }
0xe4: {  	s23 =	sadd.s32 s28, s23;
	[sflag:s15] =	ssyncadd.s32 $0xFFFF6000  }
0xe5: {  	[tilespmem:s8], [sflag:$0x7] =	stream.linear.gather [hbm4b:s23+s2], $0x500, $0x38;
	[tilespmem:$0x1EF00] =	vst v63  }
0xe6: {  	_ =	swait.ge [sflag:s3], $0x500  }
0xe7: {  	[sflag:s3] =	ssyncset.done $0x0  }
0xe8: {  	[sflag:s3] =	ssyncadd.s32 $0xFFFFFB00  }
0xe9: {  	[tilespmem:s9], [sflag:$0x3] =	stream.indirect.gather [hbm4b:s4+s5], $0x20, s8, s5, $0xb8;
	[tilespmem:$0x1EF00] =	vst v63  }
0xea: {  	_ =	swait.ge [sflag:s10], $0xA000  }
0xeb: {  	s24 =	sshll.u32 s24, $0x2;
	[sflag:s10] =	ssyncset.done $0x0  }
0xec: {  	s24 =	sadd.s32 s31, s24;
	[sflag:s10] =	ssyncadd.s32 $0xFFFF6000  }
0xed: {  	[hbm4b:s24+s2] =	stream.linear.scatter [tilespmem:s6], [sflag:$0x4], $0xA000, $0x38;
	[tilespmem:$0x1EF00] =	vst v63  }
0xee: {  	s1 =	sadd.s32 $0x5A00, s29;
	_ =	swait.ge [sflag:s11], $0xA000  }
0xef: {  	s25 =	sshrl.u32 s1, $0x3;
	[sflag:s11] =	ssyncset.done $0x0  }
0xf0: {  	s25 =	sadd.s32 s28, s25;
	[sflag:s11] =	ssyncadd.s32 $0xFFFF6000  }
0xf1: {  	[tilespmem:s2], [sflag:$0x7] =	stream.linear.gather [hbm4b:s25+s2], $0x500, $0x38;
	[tilespmem:$0x1EF00] =	vst v63  }
0xf2: {  	_ =	swait.ge [sflag:s3], $0x500  }
0xf3: {  	[sflag:s3] =	ssyncset.done $0x0  }
0xf4: {  	[sflag:s3] =	ssyncadd.s32 $0xFFFFFB00  }
0xf5: {  	[tilespmem:s6], [sflag:$0x1] =	stream.indirect.gather [hbm4b:s4+s5], $0x20, s2, s5, $0xb8;
	[tilespmem:$0x1EF00] =	vst v63  }
0xf6: {  	_ =	swait.ge [sflag:s12], $0xA000  }
0xf7: {  	s26 =	sshll.u32 s26, $0x2;
	[sflag:s12] =	ssyncset.done $0x0  }
0xf8: {  	s26 =	sadd.s32 s31, s26;
	[sflag:s12] =	ssyncadd.s32 $0xFFFF6000  }
0xf9: {  	[hbm4b:s26+s2] =	stream.linear.scatter [tilespmem:s7], [sflag:$0x5], $0xA000, $0x38;
	[tilespmem:$0x1EF00] =	vst v63  }
0xfa: {  	s0 =	sadd.s32 $0x5F00, s29;
	_ =	swait.ge [sflag:s13], $0xA000  }
0xfb: {  	s29 =	sshrl.u32 s0, $0x3;
	[sflag:s13] =	ssyncset.done $0x0  }
0xfc: {  	s28 =	sadd.s32 s28, s29;
	[sflag:s13] =	ssyncadd.s32 $0xFFFF6000  }
0xfd: {  	[tilespmem:s5], [sflag:$0x7] =	stream.linear.gather [hbm4b:s28+s2], $0x500, $0x38;
	[tilespmem:$0x1EF00] =	vst v63  }
0xfe: {  	_ =	swait.ge [sflag:s3], $0x500  }
0xff: {  	[sflag:s3] =	ssyncset.done $0x0  }
0x100: {  	[sflag:s3] =	ssyncadd.s32 $0xFFFFFB00  }
0x101: {  	[tilespmem:s7], [sflag:$0x2] =	stream.indirect.gather [hbm4b:s4+s5], $0x20, s5, s5, $0xb8;
	[tilespmem:$0x1EF00] =	vst v63  }
0x102: {  	_ =	swait.ge [sflag:s14], $0xA000  }
0x103: {  	s29 =	sshll.u32 s30, $0x2;
	[sflag:s14] =	ssyncset.done $0x0  }
0x104: {  	s29 =	sadd.s32 s31, s29;
	[sflag:s14] =	ssyncadd.s32 $0xFFFF6000  }
0x105: {  	[hbm4b:s29+s2] =	stream.linear.scatter [tilespmem:s9], [sflag:$0x6], $0xA000, $0x38;
	[tilespmem:$0x1EF00] =	vst v63  }
0x106: {  	_ =	swait.ge [sflag:s10], $0xA000  }
0x107: {  	s1 =	sshll.u32 s1, $0x2;
	[sflag:s10] =	ssyncset.done $0x0  }
0x108: {  	s30 =	sadd.s32 s31, s1;
	[sflag:s10] =	ssyncadd.s32 $0xFFFF6000  }
0x109: {  	[hbm4b:s30+s2] =	stream.linear.scatter [tilespmem:s6], [sflag:$0x4], $0xA000, $0x38;
	[tilespmem:$0x1EF00] =	vst v63  }
0x10a: {  	_ =	swait.ge [sflag:s12], $0xA000  }
0x10b: {  	s0 =	sshll.u32 s0, $0x2;
	[sflag:s12] =	ssyncset.done $0x0  }
0x10c: {  	s31 =	sadd.s32 s31, s0;
	[sflag:s12] =	ssyncadd.s32 $0xFFFF6000  }
0x10d: {  	[hbm4b:s31+s2] =	stream.linear.scatter [tilespmem:s7], [sflag:$0x5], $0xA000, $0x38;
	[tilespmem:$0x1EF00] =	vst v63  }
0x10e: {  	_ =	swait.ge [sflag:s15], $0xA000  }
0x10f: {  	s1 =	rddreg [dreg:$0x1c]  }
0x110: {  	s0 =	ssub.s32 $0x2, s1  }
0x111: {  	s1 =	sshrl.u32 s0, $0x1  }
0x112: {  	s0 =	ssub.s32 s0, s1  }
0x113: {  	s0 =	smax.u32 s0, $0x1  }
0x114: {  	[sflag:s15] =	ssyncset.done $0x0;
	p0 =	sne.s32 s0, $0x1  }
.Ltmp0:
0x115: {  	[sflag:s15] =	ssyncadd.s32 $0xFFFF6000;
	(pc) =	sbr.rel @!p0 .LBB2_2-.Ltmp0, $4  }
0x116: {  	_ =	swait.ge [sflag:s11], $0xA000  }
0x117: {  	[sflag:s11] =	ssyncset.done $0x0  }
0x118: {  	[sflag:s11] =	ssyncadd.s32 $0xFFFF6000  }
0x119: {  	s1 =	sadd.s32 $0xFFFFFFFF, s0;
	_ =	swait.ge [sflag:s13], $0xA000  }
.LBB2_1:
0x11a: {  	[sflag:s13] =	ssyncset.done $0x0  }
0x11b: {  	s0 =	rddreg [dreg:$0x3];
	[sflag:s13] =	ssyncadd.s32 $0xFFFF6000  }
0x11c: {  	[tilespmem:s2], [sflag:$0x7] =	stream.linear.gather [hbm4b:s0+s2], $0x500, $0x38;
	[tilespmem:$0x1EF00] =	vst v63  }
0x11d: {  	_ =	swait.ge [sflag:s3], $0x500  }
0x11e: {  	[sflag:s3] =	ssyncset.done $0x0  }
0x11f: {  	[sflag:s3] =	ssyncadd.s32 $0xFFFFFB00  }
0x120: {  	[tilespmem:s6], [sflag:$0x1] =	stream.indirect.gather [hbm4b:s4+s5], $0x20, s2, s5, $0xb8;
	[tilespmem:$0x1EF00] =	vst v63  }
0x121: {  	s0 =	rddreg [dreg:$0x4]  }
0x122: {  	[tilespmem:s5], [sflag:$0x7] =	stream.linear.gather [hbm4b:s0+s2], $0x500, $0x38;
	[tilespmem:$0x1EF00] =	vst v63  }
0x123: {  	_ =	swait.ge [sflag:s3], $0x500  }
0x124: {  	[sflag:s3] =	ssyncset.done $0x0  }
0x125: {  	[sflag:s3] =	ssyncadd.s32 $0xFFFFFB00  }
0x126: {  	[tilespmem:s7], [sflag:$0x2] =	stream.indirect.gather [hbm4b:s4+s5], $0x20, s5, s5, $0xb8;
	[tilespmem:$0x1EF00] =	vst v63  }
0x127: {  	s0 =	rddreg [dreg:$0x5]  }
0x128: {  	[tilespmem:s8], [sflag:$0x7] =	stream.linear.gather [hbm4b:s0+s2], $0x500, $0x38;
	[tilespmem:$0x1EF00] =	vst v63  }
0x129: {  	_ =	swait.ge [sflag:s3], $0x500  }
0x12a: {  	[sflag:s3] =	ssyncset.done $0x0  }
0x12b: {  	[sflag:s3] =	ssyncadd.s32 $0xFFFFFB00  }
0x12c: {  	[tilespmem:s9], [sflag:$0x3] =	stream.indirect.gather [hbm4b:s4+s5], $0x20, s8, s5, $0xb8;
	[tilespmem:$0x1EF00] =	vst v63  }
0x12d: {  	_ =	swait.ge [sflag:s10], $0xA000  }
0x12e: {  	[sflag:s10] =	ssyncset.done $0x0  }
0x12f: {  	s0 =	rddreg [dreg:$0x6];
	[sflag:s10] =	ssyncadd.s32 $0xFFFF6000  }
0x130: {  	[hbm4b:s0+s2] =	stream.linear.scatter [tilespmem:s6], [sflag:$0x4], $0xA000, $0x38;
	[tilespmem:$0x1EF00] =	vst v63  }
0x131: {  	_ =	swait.ge [sflag:s11], $0xA000  }
0x132: {  	[sflag:s11] =	ssyncset.done $0x0  }
0x133: {  	s0 =	rddreg [dreg:$0x7];
	[sflag:s11] =	ssyncadd.s32 $0xFFFF6000  }
0x134: {  	[tilespmem:s2], [sflag:$0x7] =	stream.linear.gather [hbm4b:s0+s2], $0x500, $0x38;
	[tilespmem:$0x1EF00] =	vst v63  }
0x135: {  	_ =	swait.ge [sflag:s3], $0x500  }
0x136: {  	[sflag:s3] =	ssyncset.done $0x0  }
0x137: {  	[sflag:s3] =	ssyncadd.s32 $0xFFFFFB00  }
0x138: {  	[tilespmem:s6], [sflag:$0x1] =	stream.indirect.gather [hbm4b:s4+s5], $0x20, s2, s5, $0xb8;
	[tilespmem:$0x1EF00] =	vst v63  }
0x139: {  	_ =	swait.ge [sflag:s12], $0xA000  }
0x13a: {  	[sflag:s12] =	ssyncset.done $0x0  }
0x13b: {  	s0 =	rddreg [dreg:$0x8];
	[sflag:s12] =	ssyncadd.s32 $0xFFFF6000  }
0x13c: {  	[hbm4b:s0+s2] =	stream.linear.scatter [tilespmem:s7], [sflag:$0x5], $0xA000, $0x38;
	[tilespmem:$0x1EF00] =	vst v63  }
0x13d: {  	_ =	swait.ge [sflag:s13], $0xA000  }
0x13e: {  	[sflag:s13] =	ssyncset.done $0x0  }
0x13f: {  	s0 =	rddreg [dreg:$0x9];
	[sflag:s13] =	ssyncadd.s32 $0xFFFF6000  }
0x140: {  	[tilespmem:s5], [sflag:$0x7] =	stream.linear.gather [hbm4b:s0+s2], $0x500, $0x38;
	[tilespmem:$0x1EF00] =	vst v63  }
0x141: {  	_ =	swait.ge [sflag:s3], $0x500  }
0x142: {  	[sflag:s3] =	ssyncset.done $0x0  }
0x143: {  	[sflag:s3] =	ssyncadd.s32 $0xFFFFFB00  }
0x144: {  	[tilespmem:s7], [sflag:$0x2] =	stream.indirect.gather [hbm4b:s4+s5], $0x20, s5, s5, $0xb8;
	[tilespmem:$0x1EF00] =	vst v63  }
0x145: {  	_ =	swait.ge [sflag:s14], $0xA000  }
0x146: {  	[sflag:s14] =	ssyncset.done $0x0  }
0x147: {  	s0 =	rddreg [dreg:$0xa];
	[sflag:s14] =	ssyncadd.s32 $0xFFFF6000  }
0x148: {  	[hbm4b:s0+s2] =	stream.linear.scatter [tilespmem:s9], [sflag:$0x6], $0xA000, $0x38;
	[tilespmem:$0x1EF00] =	vst v63  }
0x149: {  	_ =	swait.ge [sflag:s15], $0xA000  }
0x14a: {  	[sflag:s15] =	ssyncset.done $0x0  }
0x14b: {  	s0 =	rddreg [dreg:$0xb];
	[sflag:s15] =	ssyncadd.s32 $0xFFFF6000  }
0x14c: {  	[tilespmem:s8], [sflag:$0x7] =	stream.linear.gather [hbm4b:s0+s2], $0x500, $0x38;
	[tilespmem:$0x1EF00] =	vst v63  }
0x14d: {  	_ =	swait.ge [sflag:s3], $0x500  }
0x14e: {  	[sflag:s3] =	ssyncset.done $0x0  }
0x14f: {  	[sflag:s3] =	ssyncadd.s32 $0xFFFFFB00  }
0x150: {  	[tilespmem:s9], [sflag:$0x3] =	stream.indirect.gather [hbm4b:s4+s5], $0x20, s8, s5, $0xb8;
	[tilespmem:$0x1EF00] =	vst v63  }
0x151: {  	_ =	swait.ge [sflag:s10], $0xA000  }
0x152: {  	[sflag:s10] =	ssyncset.done $0x0  }
0x153: {  	s0 =	rddreg [dreg:$0xc];
	[sflag:s10] =	ssyncadd.s32 $0xFFFF6000  }
0x154: {  	[hbm4b:s0+s2] =	stream.linear.scatter [tilespmem:s6], [sflag:$0x4], $0xA000, $0x38;
	[tilespmem:$0x1EF00] =	vst v63  }
0x155: {  	_ =	swait.ge [sflag:s11], $0xA000  }
0x156: {  	[sflag:s11] =	ssyncset.done $0x0  }
0x157: {  	s0 =	rddreg [dreg:$0xd];
	[sflag:s11] =	ssyncadd.s32 $0xFFFF6000  }
0x158: {  	[tilespmem:s2], [sflag:$0x7] =	stream.linear.gather [hbm4b:s0+s2], $0x500, $0x38;
	[tilespmem:$0x1EF00] =	vst v63  }
0x159: {  	_ =	swait.ge [sflag:s3], $0x500  }
0x15a: {  	[sflag:s3] =	ssyncset.done $0x0  }
0x15b: {  	[sflag:s3] =	ssyncadd.s32 $0xFFFFFB00  }
0x15c: {  	[tilespmem:s6], [sflag:$0x1] =	stream.indirect.gather [hbm4b:s4+s5], $0x20, s2, s5, $0xb8;
	[tilespmem:$0x1EF00] =	vst v63  }
0x15d: {  	_ =	swait.ge [sflag:s12], $0xA000  }
0x15e: {  	[sflag:s12] =	ssyncset.done $0x0  }
0x15f: {  	s0 =	rddreg [dreg:$0xe];
	[sflag:s12] =	ssyncadd.s32 $0xFFFF6000  }
0x160: {  	[hbm4b:s0+s2] =	stream.linear.scatter [tilespmem:s7], [sflag:$0x5], $0xA000, $0x38;
	[tilespmem:$0x1EF00] =	vst v63  }
0x161: {  	_ =	swait.ge [sflag:s13], $0xA000  }
0x162: {  	[sflag:s13] =	ssyncset.done $0x0  }
0x163: {  	s0 =	rddreg [dreg:$0xf];
	[sflag:s13] =	ssyncadd.s32 $0xFFFF6000  }
0x164: {  	[tilespmem:s5], [sflag:$0x7] =	stream.linear.gather [hbm4b:s0+s2], $0x500, $0x38;
	[tilespmem:$0x1EF00] =	vst v63  }
0x165: {  	_ =	swait.ge [sflag:s3], $0x500  }
0x166: {  	[sflag:s3] =	ssyncset.done $0x0  }
0x167: {  	[sflag:s3] =	ssyncadd.s32 $0xFFFFFB00  }
0x168: {  	[tilespmem:s7], [sflag:$0x2] =	stream.indirect.gather [hbm4b:s4+s5], $0x20, s5, s5, $0xb8;
	[tilespmem:$0x1EF00] =	vst v63  }
0x169: {  	_ =	swait.ge [sflag:s14], $0xA000  }
0x16a: {  	[sflag:s14] =	ssyncset.done $0x0  }
0x16b: {  	s0 =	rddreg [dreg:$0x10];
	[sflag:s14] =	ssyncadd.s32 $0xFFFF6000  }
0x16c: {  	[hbm4b:s0+s2] =	stream.linear.scatter [tilespmem:s9], [sflag:$0x6], $0xA000, $0x38;
	[tilespmem:$0x1EF00] =	vst v63  }
0x16d: {  	_ =	swait.ge [sflag:s15], $0xA000  }
0x16e: {  	[sflag:s15] =	ssyncset.done $0x0  }
0x16f: {  	s0 =	rddreg [dreg:$0x11];
	[sflag:s15] =	ssyncadd.s32 $0xFFFF6000  }
0x170: {  	[tilespmem:s8], [sflag:$0x7] =	stream.linear.gather [hbm4b:s0+s2], $0x500, $0x38;
	[tilespmem:$0x1EF00] =	vst v63  }
0x171: {  	_ =	swait.ge [sflag:s3], $0x500  }
0x172: {  	[sflag:s3] =	ssyncset.done $0x0  }
0x173: {  	[sflag:s3] =	ssyncadd.s32 $0xFFFFFB00  }
0x174: {  	[tilespmem:s9], [sflag:$0x3] =	stream.indirect.gather [hbm4b:s4+s5], $0x20, s8, s5, $0xb8;
	[tilespmem:$0x1EF00] =	vst v63  }
0x175: {  	_ =	swait.ge [sflag:s10], $0xA000  }
0x176: {  	[sflag:s10] =	ssyncset.done $0x0  }
0x177: {  	s0 =	rddreg [dreg:$0x12];
	[sflag:s10] =	ssyncadd.s32 $0xFFFF6000  }
0x178: {  	[hbm4b:s0+s2] =	stream.linear.scatter [tilespmem:s6], [sflag:$0x4], $0xA000, $0x38;
	[tilespmem:$0x1EF00] =	vst v63  }
0x179: {  	_ =	swait.ge [sflag:s11], $0xA000  }
0x17a: {  	[sflag:s11] =	ssyncset.done $0x0  }
0x17b: {  	s0 =	rddreg [dreg:$0x13];
	[sflag:s11] =	ssyncadd.s32 $0xFFFF6000  }
0x17c: {  	[tilespmem:s2], [sflag:$0x7] =	stream.linear.gather [hbm4b:s0+s2], $0x500, $0x38;
	[tilespmem:$0x1EF00] =	vst v63  }
0x17d: {  	_ =	swait.ge [sflag:s3], $0x500  }
0x17e: {  	[sflag:s3] =	ssyncset.done $0x0  }
0x17f: {  	[sflag:s3] =	ssyncadd.s32 $0xFFFFFB00  }
0x180: {  	[tilespmem:s6], [sflag:$0x1] =	stream.indirect.gather [hbm4b:s4+s5], $0x20, s2, s5, $0xb8;
	[tilespmem:$0x1EF00] =	vst v63  }
0x181: {  	_ =	swait.ge [sflag:s12], $0xA000  }
0x182: {  	[sflag:s12] =	ssyncset.done $0x0  }
0x183: {  	s0 =	rddreg [dreg:$0x14];
	[sflag:s12] =	ssyncadd.s32 $0xFFFF6000  }
0x184: {  	[hbm4b:s0+s2] =	stream.linear.scatter [tilespmem:s7], [sflag:$0x5], $0xA000, $0x38;
	[tilespmem:$0x1EF00] =	vst v63  }
0x185: {  	_ =	swait.ge [sflag:s13], $0xA000  }
0x186: {  	[sflag:s13] =	ssyncset.done $0x0  }
0x187: {  	s0 =	rddreg [dreg:$0x15];
	[sflag:s13] =	ssyncadd.s32 $0xFFFF6000  }
0x188: {  	[tilespmem:s5], [sflag:$0x7] =	stream.linear.gather [hbm4b:s0+s2], $0x500, $0x38;
	[tilespmem:$0x1EF00] =	vst v63  }
0x189: {  	_ =	swait.ge [sflag:s3], $0x500  }
0x18a: {  	[sflag:s3] =	ssyncset.done $0x0  }
0x18b: {  	[sflag:s3] =	ssyncadd.s32 $0xFFFFFB00  }
0x18c: {  	[tilespmem:s7], [sflag:$0x2] =	stream.indirect.gather [hbm4b:s4+s5], $0x20, s5, s5, $0xb8;
	[tilespmem:$0x1EF00] =	vst v63  }
0x18d: {  	_ =	swait.ge [sflag:s14], $0xA000  }
0x18e: {  	[sflag:s14] =	ssyncset.done $0x0  }
0x18f: {  	s0 =	rddreg [dreg:$0x16];
	[sflag:s14] =	ssyncadd.s32 $0xFFFF6000  }
0x190: {  	[hbm4b:s0+s2] =	stream.linear.scatter [tilespmem:s9], [sflag:$0x6], $0xA000, $0x38;
	[tilespmem:$0x1EF00] =	vst v63  }
0x191: {  	_ =	swait.ge [sflag:s15], $0xA000  }
0x192: {  	[sflag:s15] =	ssyncset.done $0x0  }
0x193: {  	s0 =	rddreg [dreg:$0x17];
	[sflag:s15] =	ssyncadd.s32 $0xFFFF6000  }
0x194: {  	[tilespmem:s8], [sflag:$0x7] =	stream.linear.gather [hbm4b:s0+s2], $0x500, $0x38;
	[tilespmem:$0x1EF00] =	vst v63  }
0x195: {  	_ =	swait.ge [sflag:s3], $0x500  }
0x196: {  	[sflag:s3] =	ssyncset.done $0x0  }
0x197: {  	[sflag:s3] =	ssyncadd.s32 $0xFFFFFB00  }
0x198: {  	[tilespmem:s9], [sflag:$0x3] =	stream.indirect.gather [hbm4b:s4+s5], $0x20, s8, s5, $0xb8;
	[tilespmem:$0x1EF00] =	vst v63  }
0x199: {  	_ =	swait.ge [sflag:s10], $0xA000  }
0x19a: {  	[sflag:s10] =	ssyncset.done $0x0  }
0x19b: {  	s0 =	rddreg [dreg:$0x18];
	[sflag:s10] =	ssyncadd.s32 $0xFFFF6000  }
0x19c: {  	[hbm4b:s0+s2] =	stream.linear.scatter [tilespmem:s6], [sflag:$0x4], $0xA000, $0x38;
	[tilespmem:$0x1EF00] =	vst v63  }
0x19d: {  	_ =	swait.ge [sflag:s11], $0xA000  }
0x19e: {  	[sflag:s11] =	ssyncset.done $0x0  }
0x19f: {  	s0 =	rddreg [dreg:$0x19];
	[sflag:s11] =	ssyncadd.s32 $0xFFFF6000  }
0x1a0: {  	[tilespmem:s2], [sflag:$0x7] =	stream.linear.gather [hbm4b:s0+s2], $0x500, $0x38;
	[tilespmem:$0x1EF00] =	vst v63  }
0x1a1: {  	_ =	swait.ge [sflag:s3], $0x500  }
0x1a2: {  	[sflag:s3] =	ssyncset.done $0x0  }
0x1a3: {  	[sflag:s3] =	ssyncadd.s32 $0xFFFFFB00  }
0x1a4: {  	[tilespmem:s6], [sflag:$0x1] =	stream.indirect.gather [hbm4b:s4+s5], $0x20, s2, s5, $0xb8;
	[tilespmem:$0x1EF00] =	vst v63  }
0x1a5: {  	_ =	swait.ge [sflag:s12], $0xA000  }
0x1a6: {  	[sflag:s12] =	ssyncset.done $0x0  }
0x1a7: {  	s0 =	rddreg [dreg:$0x1a];
	[sflag:s12] =	ssyncadd.s32 $0xFFFF6000  }
0x1a8: {  	[hbm4b:s0+s2] =	stream.linear.scatter [tilespmem:s7], [sflag:$0x5], $0xA000, $0x38;
	[tilespmem:$0x1EF00] =	vst v63  }
0x1a9: {  	_ =	swait.ge [sflag:s13], $0xA000  }
0x1aa: {  	[sflag:s13] =	ssyncset.done $0x0  }
0x1ab: {  	s0 =	rddreg [dreg:$0x1b];
	[sflag:s13] =	ssyncadd.s32 $0xFFFF6000  }
0x1ac: {  	[tilespmem:s5], [sflag:$0x7] =	stream.linear.gather [hbm4b:s0+s2], $0x500, $0x38;
	[tilespmem:$0x1EF00] =	vst v63  }
0x1ad: {  	_ =	swait.ge [sflag:s3], $0x500  }
0x1ae: {  	[sflag:s3] =	ssyncset.done $0x0  }
0x1af: {  	[sflag:s3] =	ssyncadd.s32 $0xFFFFFB00  }
0x1b0: {  	[tilespmem:s7], [sflag:$0x2] =	stream.indirect.gather [hbm4b:s4+s5], $0x20, s5, s5, $0xb8;
	[tilespmem:$0x1EF00] =	vst v63  }
0x1b1: {  	_ =	swait.ge [sflag:s14], $0xA000  }
0x1b2: {  	[sflag:s14] =	ssyncset.done $0x0  }
0x1b3: {  	[sflag:s14] =	ssyncadd.s32 $0xFFFF6000  }
0x1b4: {  	[hbm4b:s16+s2] =	stream.linear.scatter [tilespmem:s9], [sflag:$0x6], $0xA000, $0x38;
	[tilespmem:$0x1EF00] =	vst v63  }
0x1b5: {  	_ =	swait.ge [sflag:s15], $0xA000  }
0x1b6: {  	[sflag:s15] =	ssyncset.done $0x0  }
0x1b7: {  	[sflag:s15] =	ssyncadd.s32 $0xFFFF6000  }
0x1b8: {  	[tilespmem:s8], [sflag:$0x7] =	stream.linear.gather [hbm4b:s17+s2], $0x500, $0x38;
	[tilespmem:$0x1EF00] =	vst v63  }
0x1b9: {  	_ =	swait.ge [sflag:s3], $0x500  }
0x1ba: {  	[sflag:s3] =	ssyncset.done $0x0  }
0x1bb: {  	[sflag:s3] =	ssyncadd.s32 $0xFFFFFB00  }
0x1bc: {  	[tilespmem:s9], [sflag:$0x3] =	stream.indirect.gather [hbm4b:s4+s5], $0x20, s8, s5, $0xb8;
	[tilespmem:$0x1EF00] =	vst v63  }
0x1bd: {  	_ =	swait.ge [sflag:s10], $0xA000  }
0x1be: {  	[sflag:s10] =	ssyncset.done $0x0  }
0x1bf: {  	[sflag:s10] =	ssyncadd.s32 $0xFFFF6000  }
0x1c0: {  	[hbm4b:s18+s2] =	stream.linear.scatter [tilespmem:s6], [sflag:$0x4], $0xA000, $0x38;
	[tilespmem:$0x1EF00] =	vst v63  }
0x1c1: {  	_ =	swait.ge [sflag:s11], $0xA000  }
0x1c2: {  	[sflag:s11] =	ssyncset.done $0x0  }
0x1c3: {  	[sflag:s11] =	ssyncadd.s32 $0xFFFF6000  }
0x1c4: {  	[tilespmem:s2], [sflag:$0x7] =	stream.linear.gather [hbm4b:s19+s2], $0x500, $0x38;
	[tilespmem:$0x1EF00] =	vst v63  }
0x1c5: {  	_ =	swait.ge [sflag:s3], $0x500  }
0x1c6: {  	[sflag:s3] =	ssyncset.done $0x0  }
0x1c7: {  	[sflag:s3] =	ssyncadd.s32 $0xFFFFFB00  }
0x1c8: {  	[tilespmem:s6], [sflag:$0x1] =	stream.indirect.gather [hbm4b:s4+s5], $0x20, s2, s5, $0xb8;
	[tilespmem:$0x1EF00] =	vst v63  }
0x1c9: {  	_ =	swait.ge [sflag:s12], $0xA000  }
0x1ca: {  	[sflag:s12] =	ssyncset.done $0x0  }
0x1cb: {  	[sflag:s12] =	ssyncadd.s32 $0xFFFF6000  }
0x1cc: {  	[hbm4b:s20+s2] =	stream.linear.scatter [tilespmem:s7], [sflag:$0x5], $0xA000, $0x38;
	[tilespmem:$0x1EF00] =	vst v63  }
0x1cd: {  	_ =	swait.ge [sflag:s13], $0xA000  }
0x1ce: {  	[sflag:s13] =	ssyncset.done $0x0  }
0x1cf: {  	[sflag:s13] =	ssyncadd.s32 $0xFFFF6000  }
0x1d0: {  	[tilespmem:s5], [sflag:$0x7] =	stream.linear.gather [hbm4b:s21+s2], $0x500, $0x38;
	[tilespmem:$0x1EF00] =	vst v63  }
0x1d1: {  	_ =	swait.ge [sflag:s3], $0x500  }
0x1d2: {  	[sflag:s3] =	ssyncset.done $0x0  }
0x1d3: {  	[sflag:s3] =	ssyncadd.s32 $0xFFFFFB00  }
0x1d4: {  	[tilespmem:s7], [sflag:$0x2] =	stream.indirect.gather [hbm4b:s4+s5], $0x20, s5, s5, $0xb8;
	[tilespmem:$0x1EF00] =	vst v63  }
0x1d5: {  	_ =	swait.ge [sflag:s14], $0xA000  }
0x1d6: {  	[sflag:s14] =	ssyncset.done $0x0  }
0x1d7: {  	[sflag:s14] =	ssyncadd.s32 $0xFFFF6000  }
0x1d8: {  	[hbm4b:s22+s2] =	stream.linear.scatter [tilespmem:s9], [sflag:$0x6], $0xA000, $0x38;
	[tilespmem:$0x1EF00] =	vst v63  }
0x1d9: {  	_ =	swait.ge [sflag:s15], $0xA000  }
0x1da: {  	[sflag:s15] =	ssyncset.done $0x0  }
0x1db: {  	[sflag:s15] =	ssyncadd.s32 $0xFFFF6000  }
0x1dc: {  	[tilespmem:s8], [sflag:$0x7] =	stream.linear.gather [hbm4b:s23+s2], $0x500, $0x38;
	[tilespmem:$0x1EF00] =	vst v63  }
0x1dd: {  	_ =	swait.ge [sflag:s3], $0x500  }
0x1de: {  	[sflag:s3] =	ssyncset.done $0x0  }
0x1df: {  	[sflag:s3] =	ssyncadd.s32 $0xFFFFFB00  }
0x1e0: {  	[tilespmem:s9], [sflag:$0x3] =	stream.indirect.gather [hbm4b:s4+s5], $0x20, s8, s5, $0xb8;
	[tilespmem:$0x1EF00] =	vst v63  }
0x1e1: {  	_ =	swait.ge [sflag:s10], $0xA000  }
0x1e2: {  	[sflag:s10] =	ssyncset.done $0x0  }
0x1e3: {  	[sflag:s10] =	ssyncadd.s32 $0xFFFF6000  }
0x1e4: {  	[hbm4b:s24+s2] =	stream.linear.scatter [tilespmem:s6], [sflag:$0x4], $0xA000, $0x38;
	[tilespmem:$0x1EF00] =	vst v63  }
0x1e5: {  	_ =	swait.ge [sflag:s11], $0xA000  }
0x1e6: {  	[sflag:s11] =	ssyncset.done $0x0  }
0x1e7: {  	[sflag:s11] =	ssyncadd.s32 $0xFFFF6000  }
0x1e8: {  	[tilespmem:s2], [sflag:$0x7] =	stream.linear.gather [hbm4b:s25+s2], $0x500, $0x38;
	[tilespmem:$0x1EF00] =	vst v63  }
0x1e9: {  	_ =	swait.ge [sflag:s3], $0x500  }
0x1ea: {  	[sflag:s3] =	ssyncset.done $0x0  }
0x1eb: {  	[sflag:s3] =	ssyncadd.s32 $0xFFFFFB00  }
0x1ec: {  	[tilespmem:s6], [sflag:$0x1] =	stream.indirect.gather [hbm4b:s4+s5], $0x20, s2, s5, $0xb8;
	[tilespmem:$0x1EF00] =	vst v63  }
0x1ed: {  	_ =	swait.ge [sflag:s12], $0xA000  }
0x1ee: {  	[sflag:s12] =	ssyncset.done $0x0  }
0x1ef: {  	[sflag:s12] =	ssyncadd.s32 $0xFFFF6000  }
0x1f0: {  	[hbm4b:s26+s2] =	stream.linear.scatter [tilespmem:s7], [sflag:$0x5], $0xA000, $0x38;
	[tilespmem:$0x1EF00] =	vst v63  }
0x1f1: {  	_ =	swait.ge [sflag:s13], $0xA000  }
0x1f2: {  	[sflag:s13] =	ssyncset.done $0x0  }
0x1f3: {  	[sflag:s13] =	ssyncadd.s32 $0xFFFF6000  }
0x1f4: {  	[tilespmem:s5], [sflag:$0x7] =	stream.linear.gather [hbm4b:s28+s2], $0x500, $0x38;
	[tilespmem:$0x1EF00] =	vst v63  }
0x1f5: {  	_ =	swait.ge [sflag:s3], $0x500  }
0x1f6: {  	[sflag:s3] =	ssyncset.done $0x0  }
0x1f7: {  	[sflag:s3] =	ssyncadd.s32 $0xFFFFFB00  }
0x1f8: {  	[tilespmem:s7], [sflag:$0x2] =	stream.indirect.gather [hbm4b:s4+s5], $0x20, s5, s5, $0xb8;
	[tilespmem:$0x1EF00] =	vst v63  }
0x1f9: {  	_ =	swait.ge [sflag:s14], $0xA000  }
0x1fa: {  	[sflag:s14] =	ssyncset.done $0x0  }
0x1fb: {  	[sflag:s14] =	ssyncadd.s32 $0xFFFF6000  }
0x1fc: {  	[hbm4b:s29+s2] =	stream.linear.scatter [tilespmem:s9], [sflag:$0x6], $0xA000, $0x38;
	[tilespmem:$0x1EF00] =	vst v63  }
0x1fd: {  	_ =	swait.ge [sflag:s10], $0xA000  }
0x1fe: {  	[sflag:s10] =	ssyncset.done $0x0  }
0x1ff: {  	[sflag:s10] =	ssyncadd.s32 $0xFFFF6000  }
0x200: {  	[hbm4b:s30+s2] =	stream.linear.scatter [tilespmem:s6], [sflag:$0x4], $0xA000, $0x38;
	[tilespmem:$0x1EF00] =	vst v63  }
0x201: {  	_ =	swait.ge [sflag:s12], $0xA000  }
0x202: {  	[sflag:s12] =	ssyncset.done $0x0  }
0x203: {  	[sflag:s12] =	ssyncadd.s32 $0xFFFF6000  }
0x204: {  	[hbm4b:s31+s2] =	stream.linear.scatter [tilespmem:s7], [sflag:$0x5], $0xA000, $0x38;
	[tilespmem:$0x1EF00] =	vst v63  }
0x205: {  	_ =	swait.ge [sflag:s15], $0xA000  }
0x206: {  	p0 =	sne.s32 s1, $0x1;
	[sflag:s15] =	ssyncset.done $0x0  }
.Ltmp1:
0x207: {  	[sflag:s15] =	ssyncadd.s32 $0xFFFF6000;
	(pc) =	sbr.rel @p0 .LBB2_1-.Ltmp1, $4  }
0x208: {  	_ =	swait.ge [sflag:s11], $0xA000  }
0x209: {  	[sflag:s11] =	ssyncset.done $0x0  }
0x20a: {  	[sflag:s11] =	ssyncadd.s32 $0xFFFF6000  }
0x20b: {  	s1 =	sadd.s32 $0xFFFFFFFF, s1;
	_ =	swait.ge [sflag:s13], $0xA000  }
.LBB2_2:
0x20c: {  	[sflag:s13] =	ssyncset.done $0x0  }
0x20d: {  	[sflag:s13] =	ssyncadd.s32 $0xFFFF6000  }
0x20e: {  	_ =	sfence.sel $0x180000  }
0x20f: {  	[bflag:$0x0] =	sbarrier.arrive $0xFFFF  }
0x210: {  	_ =	strace $0x90000047  }
0x211: {  	s0 =	stileid.u32;
	[bflag:$0x2] =	sbarrier.arrive $0xFFFF  }
0x212: {  	p0 =	sne.s32 s0, $0x0;
	s0 =	rddreg [dreg:$0x2]  }
0x213: {  	s0 =	sadd.s32 @!p0 $0x100000, s0  }
0x214: {  	[sflag:s0] =	ssyncadd.tile.s32 @!p0 $0x1;
	_ =	shalt  }
.Lfunc_end2:
_tile_overlayer_lowered:
.L_overlay_start_2:
0x215: {  	(tag) =	ssettag $0x2  }
0x216: {  	s0 =	rddreg [dreg:$0x0];
	s2 =	stileid.u32  }
0x217: {  	s1 =	rddreg [dreg:$0x1];
	p0 =	sne.s32 s2, $0x0  }
0x218: {  	s3 =	rddreg [dreg:$0x2];
	[bflag:$0x3] =	sbarrier.arrive $0xFFFF;
	s2 =	simm.s32 @!p0 $0x1C07  }
0x219: {  	[timem:s3], [sflag:s2] =	dma.local @!p0 [hbm:s0], s1  }
0x21a: {  	s0 =	simm.s32 @!p0 $0x7  }
0x21b: {  	_ =	swait.ge @!p0 [sflag:s0], s1  }
0x21c: {  	s1 =	ssub.s32 @!p0 $0x0, s1;
	[sflag:s0] =	ssyncset.done @!p0 $0x0  }
0x21d: {  	[sflag:s0] =	ssyncadd.s32 @!p0 s1  }
0x21e: {  	[bflag:$0x3] =	sbarrier.arrive $0xFFFF  }
0x21f: {  	_ =	shalt  }

// kernel: sparse-core-data-format-call.cloned.1.call-start
scs
called_computation_lowered:
.L_overlay_start_0:
0x0: {  	s2 =	sld [smem:$0x3FD9]  }
0x1: {  	s3 =	sld [smem:$0x3FFE];
	_ =	sdelay $0x1  }
0x2: {  	s1 =	srdreg.scid  }
0x3: {  	s0 =	sand.u32 $0x1, s1  }
0x4: {  	s18 =	sshll.u32 s0, $0xA;
	s2 =	sadd.s32 s3, s2  }
0x5: {  	s2 =	sadd.s32 s2, s18  }
0x6: {  	[smem:$0x3FC6] =	sst s2  }
0x7: {  	_ = 	snop  }
0x8: {  	s2 =	sld [smem:$0x3FD0];
	(tm) =	ssettm $0x1  }
0x9: {  	s19 =	sld [smem:$0x3FFB];
	_ =	sdelay $0x3  }
0xa: {  	_ =	strace s19  }
0xb: {  	s3 =	sld [smem:$0x3FFC];
	_ =	sdelay $0x3  }
0xc: {  	_ =	strace s3  }
0xd: {  	s3 =	sld [smem:$0x3FFD];
	_ =	sdelay $0x3  }
0xe: {  	_ =	strace s3  }
0xf: {  	_ =	strace $0x8FFFFFFF  }
0x10: {  	s20 =	sld [smem:$0x3FDB];
	_ =	sdelay $0x1  }
0x11: {  	s4 =	simm.s32 $_scs_section_size  }
0x12: {  	s5 =	simm.s32 $_size__tile_overlayer_lowered;
	s6 =	simm.s32 $_tile_overlayer_lowered  }
0x13: {  	s23 =	simm.s32 $0x1BFF;
	s22 =	sshll.u32 s6, $0x1;
	s3 =	sadd.s32 s4, s20  }
0x14: {  	s7 =	simm.s32 $0x0;
	s21 =	sshll.u32 s5, $0x1;
	s5 =	sadd.s32 s22, s3  }
0x15: {  	[timem:s7], [sflag:s23] =	dma.local [hbm:s5], s21  }
0x16: {  	_ =	swait.ge [sflag:s23], s21  }
0x17: {  	s4 =	ssub.s32 $0x0, s21;
	[sflag:s23] =	ssyncset.done $0x0  }
0x18: {  	[sflag:s23] =	ssyncadd.s32 s4;
	_ =	sdelay $0x1  }
0x19: {  	s24 =	simm.s32 $0x1B8B  }
0x1a: {  	_ =	swait.ge [sflag:s24], $0x1  }
0x1b: {  	[sflag:s24] =	ssyncset.done $0x0  }
0x1c: {  	s26 =	simm.s32 $0x1B8E;
	s25 =	sld [smem:$0x3FFE];
	[sflag:s24] =	ssyncadd.s32 $0xFFFFFFFF  }
0x1d: {  	s27 =	simm.s32 $execute0_lowered;
	[smem:$0x3FD2] =	sst s26  }
0x1e: {  	s5 =	sshll.u32 s27, $0x1;
	_ =	strace $0x80000049;
	[dreg:$0x1] =	wrdreg $0xFFFFFFFF  }
0x1f: {  	s28 =	simm.s32 $_size_execute0_lowered;
	s3 =	sadd.s32 s3, s5;
	[dreg:$0x0] =	wrdreg $0x0  }
0x20: {  	s5 =	sshll.u32 s28, $0x1;
	[dreg:$0x2] =	wrdreg s3  }
0x21: {  	[dreg:$0x3] =	wrdreg s5  }
0x22: {  	[dreg:$0x4] =	wrdreg $0xC0  }
0x23: {  	_ =	task [dreg:s7], $0x5FFFF  }
0x24: {  	[dreg:$0x1] =	wrdreg $0xFFFFFFFF  }
0x25: {  	[dreg:$0x0] =	wrdreg $0x60  }
0x26: {  	[dreg:$0x2] =	wrdreg s25  }
0x27: {  	[dreg:$0x3] =	wrdreg s2  }
0x28: {  	[dreg:$0x4] =	wrdreg $0x9  }
0x29: {  	_ =	task.clear_ibuf [dreg:s7], $0x5FFFF;
	_ =	strace $0x90000049  }
0x2a: {  	s29 =	simm.s32 $0x9;
	_ =	strace $0x8000004B  }
0x2b: {  	_ =	swait.ge [sflag:s29], $0x1  }
0x2c: {  	[sflag:s29] =	ssyncadd.s32 $0xFFFFFFFF  }
0x2d: {  	_ =	strace $0x9000004B  }
0x2e: {  	_ =	sfence  }
0x2f: {  	s30 =	sld [smem:$0x0];
	_ =	sdelay $0x2  }
0x30: {  	s31 =	sshll.u32 s1, $0xD;
	s1 =	sshrl.u32 s1, $0x2  }
0x31: {  	s3 =	sand.u32 $0x4000, s31;
	s1 =	sadd.s32 s1, s30  }
0x32: {  	s0 =	sor.u32 s3, s0;
	s1 =	sshll.u32 s1, $0x11  }
0x33: {  	s0 =	sor.u32 s1, s0  }
0x34: {  	s0 =	sadd.s32 $0x8F2B, s0  }
0x35: {  	[sflag:s0] =	ssyncadd.remote.s32 $0x1  }
0x36: {  	_ =	sfence.sel $0xFFFF  }
0x37: {  	[dreg:$0x0] =	wrdreg $0xFFFFFFFF;
	(pc) =	sbr.abs _section_cstart, $3  }
0x38: {  	[dreg:$0x1] =	wrdreg $0xFFFFFFFF  }
0x39: {  	_ =	task.clear_ibuf [dreg:s7], $0x2FFFF;
	_ =	strace $0x9FFFFFFF  }
0x3a: {  	(tm) =	ssettm $0x7FFFFFFF  }
0x3b: {  	_ =	shalt  }
tec
execute0_lowered:
.L_overlay_start_1:
0x0: {  	(tag) =	ssettag $0x1  }
0x1: {  	s0 =	srdreg.scid  }
0x2: {  	s1 =	sshll.u32 s0, $0x4  }
0x3: {  	s0 =	stileid.u32;
	s1 =	sand.u32 $0x10, s1  }
0x4: {  	s7 =	rddreg [dreg:$0x0];
	s1 =	sor.u32 s0, s1  }
0x5: {  	s4 =	simm.s32 $0x1;
	s8 =	simm.s32 $0x2;
	s2 =	sshll.u32 s1, $0x7  }
0x6: {  	s13 =	simm.s32 $0x0;
	s9 =	simm.s32 $0x20000;
	s1 =	ssub.s32 $0x4000, s2  }
0x7: {  	s14 =	simm.s32 $0x0;
	s11 =	simm.s32 $0x0;
	s3 =	sand.u32 $0xF80, s1  }
0x8: {  	s12 =	simm.s32 $0x0;
	s5 =	sshrl.u32 s1, $0xC;
	p0 =	sne.s32 s3, $0x0  }
.Ltmp0:
0x9: {  	s1 =	rddreg [dreg:$0x2];
	s4 =	simm.s32 @!p0 $0x0;
	(pc) =	sbr.rel .LBB1_1-.Ltmp0, $4  }
0xa: {  	s6 =	sadd.s32 $0xA00, s7;
	s3 =	rddreg [dreg:$0x1];
	s5 =	sadd.s32 s4, s5  }
0xb: {  	_ =	strace $0x8000004A;
	s4 =	simm.s32 $0x1;
	s5 =	smul.u32 $0x19, s5  }
0xc: {  	s7 =	sadd.s32 $0x40A00, s7;
	s10 =	smov.u32 s2;
	[sflag:s4] =	ssyncpa.u1 $0x0  }
0xd: {  	p0 =	por $0x0, $0x0;
	[sflag:s8] =	ssyncpa.u1 $0x0;
	s8 =	sadd.s32 $0x1, s5  }
.LBB1_7:
0xe: {  	s15 =	sadd.s32 $0x1000, s10  }
0xf: {  	s13 =	sadd.s32 $0x2, s11;
	s17 =	smov.u32 s11;
	p2 =	sgt.s32 s15, $0x3FFF  }
0x10: {  	s17 =	smov.u32 @p2 s13  }
0x11: {  	s15 =	smov.u32 @p2 s2;
	p2 =	sgt.s32 s17, $0x31  }
0x12: {  	s17 =	simm.s32 @p2 $0x0;
	p2 =	sne.s32 s12, s8  }
.Ltmp1:
0x13: {  	p1 =	slt.u32 s12, $0x2;
	(pc) =	sbr.rel @!p2 .LBB1_8-.Ltmp1, $4  }
0x14: {  	s16 =	simm.s32 @!p1 $0x2  }
0x15: {  	s14 =	smov.u32 s11;
	p0 =	por !p0, !p0;
	_ =	swait.ge @!p1 [sflag:s16], $0x2000  }
0x16: {  	s13 =	smov.u32 s10;
	[sflag:s16] =	ssyncset.done @!p1 $0x0;
	s10 =	smov.u32 s15  }
0x17: {  	s12 =	sadd.s32 $0x1, s12;
	[sflag:s16] =	ssyncadd.s32 @!p1 $0xFFFFE000;
	s11 =	smov.u32 s17  }
.LBB1_1:
0x18: {  	p1 =	sge.u32 s12, s5  }
0x19: {  	s15 =	sxor.u32 @!p1 $0xFFFFFFFF, s12;
	s16 =	sshll.u32 @!p1 s11, $0x12  }
0x1a: {  	s17 =	sshll.u32 @!p1 s10, $0x4;
	s19 =	simm.s32 @!p1 $0x20;
	s20 =	simm.s32 @!p1 $0x80  }
0x1b: {  	s15 =	sshll.u32 @!p1 s15, $0xD;
	s17 =	sand.u32 @!p1 $0x3FFF0, s17;
	s18 =	sadd.s32 @!p1 s6, s16  }
0x1c: {  	s16 =	sadd.s32 @!p1 s16, s7;
	s15 =	sand.u32 @!p1 $0x2000, s15;
	s18 =	sadd.s32 @!p1 s17, s18  }
0x1d: {  	[tilespmem:s15], [sflag:$0x1] =	stream.strided.gather @!p1 [hbm4b:s18+s19], $0x1000, s20, s19, $0x38;
	[tilespmem:$0x8080] =	vst v63  }
0x1e: {  	s31 =	sadd.s32 $0xFFFFFFFF, s12;
	s16 =	sadd.s32 @!p1 s17, s16;
	s15 =	sor.u32 @!p1 $0x1000, s15  }
0x1f: {  	[tilespmem:s15], [sflag:$0x1] =	stream.strided.gather @!p1 [hbm4b:s16+s19], $0x1000, s20, s19, $0x38;
	[tilespmem:$0x8080] =	vst v63  }
0x20: {  	p1 =	sge.u32 s31, s5  }
.Ltmp2:
0x21: {  	_ = 	snop;
	(pc) =	sbr.rel @p1 .LBB1_7-.Ltmp2, $1  }
0x22: {  	_ =	sdelay $0x3  }
0x23: {  	s15 =	simm.s32 $0x1;
	s17 =	sand.u32 $0x1, s12  }
0x24: {  	_ =	swait.ge [sflag:s4], $0x2000;
	s15 =	simm.s32 @!p0 $0x0;
	s17 =	smul.u32 $0x8100, s17  }
0x25: {  	p2 =	por $0x1, $0x1;
	[sflag:s4] =	ssyncset.done $0x0;
	s16 =	smul.u32 $0x8100, s15  }
0x26: {  	s18 =	sshll.u32 s15, $0xF;
	[sflag:s4] =	ssyncadd.s32 $0xFFFFE000;
	s30 =	sshrl.u32 s17, $0x2  }
0x27: {  	s31 =	sshrl.u32 s18, $0x2;
	s18 =	simm.s32 $0x0;
	s16 =	sshrl.u32 s16, $0x2  }
0x28: {  	s15 =	sor.u32 $0x4000, s30;
	s17 =	sadd.s32 $0x10, s31;
	s16 =	sor.u32 $0x4000, s16  }
.LBB1_3:
0x29: {  	s19 =	sshll.u32 s18, $0xC  }
0x2a: {  	s19 =	sand.u32 $0x3FFFF000, s19  }
0x2b: {  	s20 =	sadd.s32 s19, s17  }
0x2c: {  	s31 =	smul.u32 $0x4080, s18;
	v1 =	vld [tilespmem:s20+$0x0]  }
0x2d: {  	v0 =	vld [tilespmem:s20+$0xFFFFFFF0]  }
0x2e: {  	s18 =	sshra.s32 s31, $0x2  }
0x2f: {  	s18 =	sadd.s32 s18, s16  }
0x30: {  	s21 =	sadd.s32 $0x0, s18  }
0x31: {  	p1 =	por p2, p2;
	s19 =	simm.s32 $0x4;
	s20 =	sadd.s32 $0x20, s20;
	[tilespmem:s21+$0x810 ss:$0x81] =	vst.msk $0xffff, v1  }
.LBB1_4:
0x32: {  	v1 =	vld [tilespmem:s20+$0x0];
	p2 =	sne.s32 s19, $0x1FC;
	[tilespmem:s21+$0x0 ss:$0x81] =	vst.msk $0xffff, v0;
	s21 =	smov.u32 s19;
	s19 =	sadd.s32 $0x4, s19  }
.Ltmp3:
0x33: {  	v0 =	vld [tilespmem:s20+$0xFFFFFFF0];
	(pc) =	sbr.rel @p2 .LBB1_4-.Ltmp3, $4  }
0x34: {  	_ = 	snop  }
0x35: {  	s21 =	sshra.s32 s21, $0x2  }
0x36: {  	s21 =	sadd.s32 s21, s18  }
0x37: {  	s20 =	sadd.s32 $0x20, s20;
	[tilespmem:s21+$0x810 ss:$0x81] =	vst.msk $0xffff, v1  }
.Ltmp4:
0x38: {  	(pc) =	sbr.rel @p1 .LBB1_3-.Ltmp4, $2  }
0x39: {  	_ =	sdelay $0x2  }
0x3a: {  	[tilespmem:s21+$0x0 ss:$0x81] =	vst.msk $0xffff, v0;
	s18 =	simm.s32 $0x1;
	p2 =	por $0x0, $0x0  }
0x3b: {  	s16 =	sshll.u32 s13, $0x3;
	s17 =	sand.u32 $0x78, s13;
	s14 =	sshll.u32 s14, $0x10  }
.Ltmp5:
0x3c: {  	s30 =	sand.u32 $0xF800, s13;
	s16 =	sand.u32 $0x3C00, s16;
	(pc) =	sbr.rel .LBB1_7-.Ltmp5, $4  }
0x3d: {  	s31 =	sand.u32 $0x7, s13;
	s14 =	sadd.s32 s3, s14;
	s16 =	sor.u32 s17, s16  }
0x3e: {  	s13 =	sshll.u32 s31, $0x12;
	s14 =	sadd.s32 s30, s14;
	s16 =	sshrl.u32 s16, $0x3  }
0x3f: {  	s13 =	sor.u32 $0x400, s13;
	s14 =	sadd.s32 s16, s14  }
0x40: {  	[hbm4b:s14+s13] =	stream.strided.scatter [tilespmem:s15], [sflag:$0x2], $0x2000, s9, s13, $0x20;
	[tilespmem:$0x8080] =	vst v63  }
.LBB1_8:
0x41: {  	_ =	sfence.sel $0x180000  }
0x42: {  	s2 =	simm.s32 $0x1;
	[bflag:$0x0] =	sbarrier.arrive $0xFFFF  }
0x43: {  	s31 =	simm.s32 $0x2;
	[sflag:s2] =	ssyncpa.u1 $0x1  }
0x44: {  	[sflag:s31] =	ssyncpa.u1 $0x1  }
0x45: {  	p0 =	sne.s32 s0, $0x0;
	_ =	strace $0x9000004A  }
0x46: {  	s0 =	sadd.s32 @!p0 $0x100000, s1;
	[bflag:$0x2] =	sbarrier.arrive $0xFFFF  }
0x47: {  	[sflag:s0] =	ssyncadd.tile.s32 @!p0 $0x1;
	_ =	shalt  }
.Lfunc_end1:
_tile_overlayer_lowered:
.L_overlay_start_2:
0x48: {  	(tag) =	ssettag $0x2  }
0x49: {  	s0 =	rddreg [dreg:$0x0];
	s2 =	stileid.u32  }
0x4a: {  	s1 =	rddreg [dreg:$0x1];
	p0 =	sne.s32 s2, $0x0  }
0x4b: {  	s3 =	rddreg [dreg:$0x2];
	[bflag:$0x3] =	sbarrier.arrive $0xFFFF;
	s2 =	simm.s32 @!p0 $0x1C01  }
0x4c: {  	[timem:s3], [sflag:s2] =	dma.local @!p0 [hbm:s0], s1  }
0x4d: {  	s0 =	simm.s32 @!p0 $0x1  }
0x4e: {  	_ =	swait.ge @!p0 [sflag:s0], s1  }
0x4f: {  	s1 =	ssub.s32 @!p0 $0x0, s1;
	[sflag:s0] =	ssyncset.done @!p0 $0x0  }
0x50: {  	[sflag:s0] =	ssyncadd.s32 @!p0 s1  }
0x51: {  	[bflag:$0x3] =	sbarrier.arrive $0xFFFF  }
0x52: {  	_ =	shalt  }

</sc_bundles>
